<compile_context>
chip_gen: v7x
topology: tpu7x:2x2x1
jax: 0.10.2.dev20260603
libtpu: 0.0.44.dev20260713+nightly
codegen_flags: <defaults>
</compile_context>

<pallas_src>
import functools

import jax
import jax.numpy as jnp
from jax import lax
from jax.experimental import pallas as pl
from jax.experimental.pallas import tpu as pltpu
from jax.experimental.pallas import tpu_sc as plsc

N = 10000
C = 128
K = 27
NPAD = 10240
NW = 32
RP = NPAD // NW
GCH = 64
NCH = RP // GCH
BN = 1024
NB = NPAD // BN
EPS = 1e-6


def _silu(v):
    return v * jax.nn.sigmoid(v)



def _ss_body(emb_ref, wemb_ref, bemb_ref, ss_ref):
    e = emb_ref[...]
    e = _silu(e)
    ss_ref[...] = (
        jnp.dot(e, wemb_ref[...], preferred_element_type=jnp.float32)
        + bemb_ref[...]
    )


def _e1_body(x_ref, g_ref, b_ref, h_ref):
    i = pl.program_id(0)
    x = x_ref[...]
    mu = jnp.mean(x, axis=-1, keepdims=True)
    var = jnp.mean((x - mu) ** 2, axis=-1, keepdims=True)
    h = (x - mu) * jax.lax.rsqrt(var + EPS)
    h = h * g_ref[...] + b_ref[...]
    h = _silu(h)
    rows = i * BN + lax.broadcasted_iota(jnp.int32, (BN, 1), 0)
    h_ref[...] = jnp.where(rows < N, h, 0.0)


def _e2_body(v_ref, b1_ref, ss_ref, h_ref):
    i = pl.program_id(0)
    v = v_ref[...] + b1_ref[...]
    mu = jnp.mean(v, axis=-1, keepdims=True)
    var = jnp.mean((v - mu) ** 2, axis=-1, keepdims=True)
    h = (v - mu) * jax.lax.rsqrt(var + EPS)
    scale = ss_ref[0, :C]
    shift = ss_ref[0, C:]
    h = h * (1.0 + scale) + shift
    h = _silu(h)
    rows = i * BN + lax.broadcasted_iota(jnp.int32, (BN, 1), 0)
    h_ref[...] = jnp.where(rows < N, h, 0.0)


def _mm_body(h_ref, w_ref, y_ref):
    y_ref[0] = jnp.dot(h_ref[...], w_ref[0],
                       preferred_element_type=jnp.float32)


def _final_body(v_ref, b2_ref, x_ref, o_ref):
    o_ref[...] = v_ref[...] + b2_ref[...] + x_ref[...]


def _tc_ss(emb, w_emb, b_emb):
    return pl.pallas_call(
        _ss_body,
        out_shape=jax.ShapeDtypeStruct((1, 2 * C), jnp.float32),
    )(emb, w_emb, b_emb)


def _tc_e1(xp, gamma, beta):
    return pl.pallas_call(
        _e1_body,
        grid=(NB,),
        in_specs=[
            pl.BlockSpec((BN, C), lambda i: (i, 0)),
            pl.BlockSpec((C,), lambda i: (0,)),
            pl.BlockSpec((C,), lambda i: (0,)),
        ],
        out_specs=pl.BlockSpec((BN, C), lambda i: (i, 0)),
        out_shape=jax.ShapeDtypeStruct((NPAD, C), jnp.float32),
    )(xp, gamma, beta)


def _tc_e2(v, b1, ss):
    return pl.pallas_call(
        _e2_body,
        grid=(NB,),
        in_specs=[
            pl.BlockSpec((BN, C), lambda i: (i, 0)),
            pl.BlockSpec((C,), lambda i: (0,)),
            pl.BlockSpec((1, 2 * C), lambda i: (0, 0)),
        ],
        out_specs=pl.BlockSpec((BN, C), lambda i: (i, 0)),
        out_shape=jax.ShapeDtypeStruct((NPAD, C), jnp.float32),
    )(v, b1, ss)


def _tc_mm(h, w):
    return pl.pallas_call(
        _mm_body,
        grid=(NB, K),
        in_specs=[
            pl.BlockSpec((BN, C), lambda i, k: (i, 0)),
            pl.BlockSpec((1, C, C), lambda i, k: (k, 0, 0)),
        ],
        out_specs=pl.BlockSpec((1, BN, C), lambda i, k: (k, i, 0)),
        out_shape=jax.ShapeDtypeStruct((K, NPAD, C), jnp.float32),
    )(h, w)


def _tc_final(v, b2, x):
    nbf = 10
    bf = N // nbf
    return pl.pallas_call(
        _final_body,
        grid=(nbf,),
        in_specs=[
            pl.BlockSpec((bf, C), lambda i: (i, 0)),
            pl.BlockSpec((C,), lambda i: (0,)),
            pl.BlockSpec((bf, C), lambda i: (i, 0)),
        ],
        out_specs=pl.BlockSpec((bf, C), lambda i: (i, 0)),
        out_shape=jax.ShapeDtypeStruct((N, C), jnp.float32),
    )(v, b2, x)



def _sc_body(y_hbm, nbr_hbm, out_hbm, spm, nbr_v, acc_v, sem, sem2):
    cid = lax.axis_index("c")
    sid = lax.axis_index("s")
    base = (sid * 2 + cid) * RP
    srows = 632

    nbr_descs = [
        pltpu.async_copy(
            nbr_hbm.at[pl.ds(k * NPAD + base, RP)],
            nbr_v.at[pl.ds(k * RP, RP)],
            sem2,
        )
        for k in range(K)
    ]
    for d in nbr_descs:
        d.wait()

    def stage(k):
        pltpu.async_copy(
            y_hbm.at[pl.ds(k * NPAD + sid * srows, srows)],
            spm.at[pl.ds(sid * srows, srows)],
            sem2,
        ).wait()
        plsc.subcore_barrier()

    def gather(k, add):
        descs = [
            pltpu.async_copy(
                spm.at[nbr_v.at[pl.ds(k * RP + c * GCH, GCH)]],
                acc_v.at[pl.ds(c * GCH, GCH)],
                sem,
                add=add,
            )
            for c in range(NCH)
        ]
        for d in descs:
            d.wait()
        plsc.subcore_barrier()

    stage(0)
    gather(0, add=False)

    def step(k, _):
        stage(k)
        gather(k, add=True)
        return ()

    lax.fori_loop(1, K, step, ())

    pltpu.sync_copy(acc_v, out_hbm.at[pl.ds(base, RP)])


_sc_gather_sum = pl.kernel(
    _sc_body,
    out_type=jax.ShapeDtypeStruct((NPAD, C), jnp.float32),
    mesh=plsc.VectorSubcoreMesh(core_axis_name="c", subcore_axis_name="s"),
    scratch_types=[
        pltpu.VMEM_SHARED((16 * 632, C), jnp.float32),
        pltpu.VMEM((K * RP,), jnp.int32),
        pltpu.VMEM((RP, C), jnp.float32),
        pltpu.SemaphoreType.DMA,
        pltpu.SemaphoreType.DMA,
    ],
)



def kernel(x_feats, emb, nbr_idx, gamma1, beta1, W1, b1, W2, b2, W_emb, b_emb):
    xp = jnp.pad(x_feats, ((0, NPAD - N), (0, 0)))
    nbr_flat = jnp.pad(
        nbr_idx.astype(jnp.int32).T, ((0, 0), (0, NPAD - N)),
        constant_values=N,
    ).reshape(K * NPAD)

    ss = _tc_ss(emb, W_emb, b_emb)

    h1 = _tc_e1(xp, gamma1, beta1)
    y1 = _tc_mm(h1, W1).reshape(K * NPAD, C)
    c1 = _sc_gather_sum(y1, nbr_flat)

    h2 = _tc_e2(c1, b1, ss)
    y2 = _tc_mm(h2, W2).reshape(K * NPAD, C)
    c2 = _sc_gather_sum(y2, nbr_flat)

    return _tc_final(c2[:N], b2, x_feats)

# --- scband reference (transcript-rebuilt; emitter-appended) ---
"""Pipeline reference for scband-sparse-res-block3-d-58007828300210 (READ-ONLY COPY).

The authoritative reference and input builder live on the scoring server;
editing this copy changes nothing except your own understanding.
"""

import jax, jax.numpy as jnp
import numpy as np

N = 10000
C = 128
EMB = 512
GRID = 32
K = 27


def _build_neighbors(seed=0):
    rng = np.random.default_rng(seed)
    flat = rng.choice(GRID ** 3, size=N, replace=False)
    coords = np.stack(np.unravel_index(flat, (GRID, GRID, GRID)), axis=1)
    lut = np.full(GRID ** 3, -1, dtype=np.int64)
    lut[flat] = np.arange(N)
    offsets = [(dx, dy, dz) for dx in (-1, 0, 1) for dy in (-1, 0, 1) for dz in (-1, 0, 1)]
    nbr = np.full((N, K), N, dtype=np.int64)  # index N = zero-padding row (missing neighbor)
    for k, (dx, dy, dz) in enumerate(offsets):
        sc = coords + np.array([dx, dy, dz])
        valid = np.all((sc >= 0) & (sc < GRID), axis=1)
        col = np.full(N, N, dtype=np.int64)
        vpos = np.where(valid)[0]
        f = np.ravel_multi_index((sc[vpos, 0], sc[vpos, 1], sc[vpos, 2]), (GRID, GRID, GRID))
        idx = lut[f]
        hit = idx >= 0
        col[vpos[hit]] = idx[hit]
        nbr[:, k] = col
    return jnp.asarray(nbr)


def setup_inputs(seed: int = 0) -> dict:
    key = jax.random.key(seed)
    ks = [jax.random.fold_in(key, i) for i in range(10)]
    inp = {}
    inp['x_feats'] = jax.random.normal(ks[0], (N, C), dtype=jnp.float32)
    inp['emb'] = jax.random.normal(ks[1], (1, EMB), dtype=jnp.float32)
    inp['nbr_idx'] = _build_neighbors(0)
    inp['gamma1'] = jnp.ones((C,), dtype=jnp.float32)
    inp['beta1'] = jnp.zeros((C,), dtype=jnp.float32)
    inp['W1'] = jax.random.normal(ks[2], (K, C, C), dtype=jnp.float32) * 0.02
    inp['b1'] = jnp.zeros((C,), dtype=jnp.float32)
    # NOTE: conv2 is zero-initialized (ZeroModule) in the original; random init here for nontrivial output
    inp['W2'] = jax.random.normal(ks[3], (K, C, C), dtype=jnp.float32) * 0.02
    inp['b2'] = jnp.zeros((C,), dtype=jnp.float32)
    inp['W_emb'] = jax.random.normal(ks[4], (EMB, 2 * C), dtype=jnp.float32) * 0.02
    inp['b_emb'] = jnp.zeros((2 * C,), dtype=jnp.float32)
    return inp


def _layer_norm(h, gamma=None, beta=None, eps=1e-6):
    h32 = h.astype(jnp.float32)
    mu = jnp.mean(h32, axis=-1, keepdims=True)
    var = jnp.mean((h32 - mu) ** 2, axis=-1, keepdims=True)
    out = (h32 - mu) / jnp.sqrt(var + eps)
    if gamma is not None:
        out = out * gamma + beta
    return out.astype(h.dtype)


def _silu(h):
    return h * jax.nn.sigmoid(h)


def _sparse_conv3d(feats, nbr, W, b):
    fe = jnp.concatenate([feats, jnp.zeros((1, feats.shape[1]), feats.dtype)], axis=0)
    g = fe[nbr]  # gather: [N, 27, Cin]
    return jnp.einsum('nki,kio->no', g, W) + b


def reference(x_feats, emb, nbr_idx, gamma1, beta1, W1, b1, W2, b2, W_emb, b_emb):
    emb_out = _silu(emb) @ W_emb + b_emb  # [1, 2C]
    scale, shift = jnp.split(emb_out, 2, axis=1)
    x = x_feats  # updown is None
    h = _layer_norm(x, gamma1, beta1)
    h = _silu(h)
    h = _sparse_conv3d(h, nbr_idx, W1, b1)
    h = _layer_norm(h)  # norm2: no affine
    h = h * (1.0 + scale) + shift
    h = _silu(h)
    h = _sparse_conv3d(h, nbr_idx, W2, b2)
    h = h + x  # skip_connection is Identity (channels == out_channels)
    return h

if __name__ == "__main__":
    import jax
    _d = setup_inputs()
    print(jax.jit(kernel)(*tuple(_d.values())))

</pallas_src>

<mosaic_0001>
#map = affine_map<(d0, d1) -> (0, 0)>
#map1 = affine_map<(d0, d1) -> (0)>
module attributes {stable_mosaic.version = 14 : i64} {
  func.func @_sc_body(%arg0: i32, %arg1: i32, %arg2: memref<276480x128xf32, #tpu.memory_space<hbm>>, %arg3: memref<276480xi32, #tpu.memory_space<hbm>>, %arg4: memref<10240x128xf32, #tpu.memory_space<hbm>>, %arg5: memref<10112x128xf32, #tpu.memory_space<vmem_shared>>, %arg6: memref<8640xi32, #tpu.memory_space<vmem>>, %arg7: memref<320x128xf32, #tpu.memory_space<vmem>>, %arg8: memref<!tpu.dma_semaphore, #tpu.memory_space<semaphore_mem>>, %arg9: memref<!tpu.dma_semaphore, #tpu.memory_space<semaphore_mem>>) attributes {dimension_semantics = [#tpu.dimension_semantics<core_parallel>, #tpu.dimension_semantics<subcore_parallel>], iteration_bounds = array<i64: 2, 16>, scalar_prefetch = 0 : i64, scratch_operands = 5 : i64, tpu.core_type = #tpu.core_type<sc_vector_subcore>, window_params = [{transform_indices = #map}, {transform_indices = #map1}, {transform_indices = #map}]} {
    %mul3A = arith.constant 2 : i32
    %mul3A_0 = arith.muli %arg1, %mul3A : i32
    %add3A = arith.addi %mul3A_0, %arg0 : i32
    %mul3A_1 = arith.constant 320 : i32
    %mul3A_2 = arith.muli %add3A, %mul3A_1 : i32
    %add3A_3 = arith.constant 0 : i32
    %add3A_4 = arith.addi %add3A_3, %mul3A_2 : i32
    %dma_start3A = arith.constant 0 : i32
    %dma_start3A_5 = tpu.memref_slice %arg6[%dma_start3A] : memref<8640xi32, #tpu.memory_space<vmem>> -> memref<320xi32, #tpu.memory_space<vmem>>
    %dma_start3A_6 = tpu.memref_slice %arg3[%add3A_4] : memref<276480xi32, #tpu.memory_space<hbm>> -> memref<320xi32, #tpu.memory_space<hbm>>
    %dma_start3A_7 = arith.constant 0 : i32
    %dma_start3A_8 = tpu.memref_slice %arg6[%dma_start3A_7] : memref<8640xi32, #tpu.memory_space<vmem>> -> memref<320xi32, #tpu.memory_space<vmem>>
    %dma_start3A_9 = tpu.memref_slice %arg3[%add3A_4] : memref<276480xi32, #tpu.memory_space<hbm>> -> memref<320xi32, #tpu.memory_space<hbm>>
    tpu.enqueue_dma source(%dma_start3A_9 : memref<320xi32, #tpu.memory_space<hbm>>) target(%dma_start3A_8 : memref<320xi32, #tpu.memory_space<vmem>>) target_semaphore(%arg9 : memref<!tpu.dma_semaphore, #tpu.memory_space<semaphore_mem>>)
    %add3A_10 = arith.constant 10240 : i32
    %add3A_11 = arith.addi %add3A_10, %mul3A_2 : i32
    %dma_start3A_12 = arith.constant 320 : i32
    %dma_start3A_13 = tpu.memref_slice %arg6[%dma_start3A_12] : memref<8640xi32, #tpu.memory_space<vmem>> -> memref<320xi32, #tpu.memory_space<vmem>>
    %dma_start3A_14 = tpu.memref_slice %arg3[%add3A_11] : memref<276480xi32, #tpu.memory_space<hbm>> -> memref<320xi32, #tpu.memory_space<hbm>>
    %dma_start3A_15 = arith.constant 320 : i32
    %dma_start3A_16 = tpu.memref_slice %arg6[%dma_start3A_15] : memref<8640xi32, #tpu.memory_space<vmem>> -> memref<320xi32, #tpu.memory_space<vmem>>
    %dma_start3A_17 = tpu.memref_slice %arg3[%add3A_11] : memref<276480xi32, #tpu.memory_space<hbm>> -> memref<320xi32, #tpu.memory_space<hbm>>
    tpu.enqueue_dma source(%dma_start3A_17 : memref<320xi32, #tpu.memory_space<hbm>>) target(%dma_start3A_16 : memref<320xi32, #tpu.memory_space<vmem>>) target_semaphore(%arg9 : memref<!tpu.dma_semaphore, #tpu.memory_space<semaphore_mem>>)
    %add3A_18 = arith.constant 20480 : i32
    %add3A_19 = arith.addi %add3A_18, %mul3A_2 : i32
    %dma_start3A_20 = arith.constant 640 : i32
    %dma_start3A_21 = tpu.memref_slice %arg6[%dma_start3A_20] : memref<8640xi32, #tpu.memory_space<vmem>> -> memref<320xi32, #tpu.memory_space<vmem>>
    %dma_start3A_22 = tpu.memref_slice %arg3[%add3A_19] : memref<276480xi32, #tpu.memory_space<hbm>> -> memref<320xi32, #tpu.memory_space<hbm>>
    %dma_start3A_23 = arith.constant 640 : i32
    %dma_start3A_24 = tpu.memref_slice %arg6[%dma_start3A_23] : memref<8640xi32, #tpu.memory_space<vmem>> -> memref<320xi32, #tpu.memory_space<vmem>>
    %dma_start3A_25 = tpu.memref_slice %arg3[%add3A_19] : memref<276480xi32, #tpu.memory_space<hbm>> -> memref<320xi32, #tpu.memory_space<hbm>>
    tpu.enqueue_dma source(%dma_start3A_25 : memref<320xi32, #tpu.memory_space<hbm>>) target(%dma_start3A_24 : memref<320xi32, #tpu.memory_space<vmem>>) target_semaphore(%arg9 : memref<!tpu.dma_semaphore, #tpu.memory_space<semaphore_mem>>)
    %add3A_26 = arith.constant 30720 : i32
    %add3A_27 = arith.addi %add3A_26, %mul3A_2 : i32
    %dma_start3A_28 = arith.constant 960 : i32
    %dma_start3A_29 = tpu.memref_slice %arg6[%dma_start3A_28] : memref<8640xi32, #tpu.memory_space<vmem>> -> memref<320xi32, #tpu.memory_space<vmem>>
    %dma_start3A_30 = tpu.memref_slice %arg3[%add3A_27] : memref<276480xi32, #tpu.memory_space<hbm>> -> memref<320xi32, #tpu.memory_space<hbm>>
    %dma_start3A_31 = arith.constant 960 : i32
    %dma_start3A_32 = tpu.memref_slice %arg6[%dma_start3A_31] : memref<8640xi32, #tpu.memory_space<vmem>> -> memref<320xi32, #tpu.memory_space<vmem>>
    %dma_start3A_33 = tpu.memref_slice %arg3[%add3A_27] : memref<276480xi32, #tpu.memory_space<hbm>> -> memref<320xi32, #tpu.memory_space<hbm>>
    tpu.enqueue_dma source(%dma_start3A_33 : memref<320xi32, #tpu.memory_space<hbm>>) target(%dma_start3A_32 : memref<320xi32, #tpu.memory_space<vmem>>) target_semaphore(%arg9 : memref<!tpu.dma_semaphore, #tpu.memory_space<semaphore_mem>>)
    %add3A_34 = arith.constant 40960 : i32
    %add3A_35 = arith.addi %add3A_34, %mul3A_2 : i32
    %dma_start3A_36 = arith.constant 1280 : i32
    %dma_start3A_37 = tpu.memref_slice %arg6[%dma_start3A_36] : memref<8640xi32, #tpu.memory_space<vmem>> -> memref<320xi32, #tpu.memory_space<vmem>>
    %dma_start3A_38 = tpu.memref_slice %arg3[%add3A_35] : memref<276480xi32, #tpu.memory_space<hbm>> -> memref<320xi32, #tpu.memory_space<hbm>>
    %dma_start3A_39 = arith.constant 1280 : i32
    %dma_start3A_40 = tpu.memref_slice %arg6[%dma_start3A_39] : memref<8640xi32, #tpu.memory_space<vmem>> -> memref<320xi32, #tpu.memory_space<vmem>>
    %dma_start3A_41 = tpu.memref_slice %arg3[%add3A_35] : memref<276480xi32, #tpu.memory_space<hbm>> -> memref<320xi32, #tpu.memory_space<hbm>>
    tpu.enqueue_dma source(%dma_start3A_41 : memref<320xi32, #tpu.memory_space<hbm>>) target(%dma_start3A_40 : memref<320xi32, #tpu.memory_space<vmem>>) target_semaphore(%arg9 : memref<!tpu.dma_semaphore, #tpu.memory_space<semaphore_mem>>)
    %add3A_42 = arith.constant 51200 : i32
    %add3A_43 = arith.addi %add3A_42, %mul3A_2 : i32
    %dma_start3A_44 = arith.constant 1600 : i32
    %dma_start3A_45 = tpu.memref_slice %arg6[%dma_start3A_44] : memref<8640xi32, #tpu.memory_space<vmem>> -> memref<320xi32, #tpu.memory_space<vmem>>
    %dma_start3A_46 = tpu.memref_slice %arg3[%add3A_43] : memref<276480xi32, #tpu.memory_space<hbm>> -> memref<320xi32, #tpu.memory_space<hbm>>
    %dma_start3A_47 = arith.constant 1600 : i32
    %dma_start3A_48 = tpu.memref_slice %arg6[%dma_start3A_47] : memref<8640xi32, #tpu.memory_space<vmem>> -> memref<320xi32, #tpu.memory_space<vmem>>
    %dma_start3A_49 = tpu.memref_slice %arg3[%add3A_43] : memref<276480xi32, #tpu.memory_space<hbm>> -> memref<320xi32, #tpu.memory_space<hbm>>
    tpu.enqueue_dma source(%dma_start3A_49 : memref<320xi32, #tpu.memory_space<hbm>>) target(%dma_start3A_48 : memref<320xi32, #tpu.memory_space<vmem>>) target_semaphore(%arg9 : memref<!tpu.dma_semaphore, #tpu.memory_space<semaphore_mem>>)
    %add3A_50 = arith.constant 61440 : i32
    %add3A_51 = arith.addi %add3A_50, %mul3A_2 : i32
    %dma_start3A_52 = arith.constant 1920 : i32
    %dma_start3A_53 = tpu.memref_slice %arg6[%dma_start3A_52] : memref<8640xi32, #tpu.memory_space<vmem>> -> memref<320xi32, #tpu.memory_space<vmem>>
    %dma_start3A_54 = tpu.memref_slice %arg3[%add3A_51] : memref<276480xi32, #tpu.memory_space<hbm>> -> memref<320xi32, #tpu.memory_space<hbm>>
    %dma_start3A_55 = arith.constant 1920 : i32
    %dma_start3A_56 = tpu.memref_slice %arg6[%dma_start3A_55] : memref<8640xi32, #tpu.memory_space<vmem>> -> memref<320xi32, #tpu.memory_space<vmem>>
    %dma_start3A_57 = tpu.memref_slice %arg3[%add3A_51] : memref<276480xi32, #tpu.memory_space<hbm>> -> memref<320xi32, #tpu.memory_space<hbm>>
    tpu.enqueue_dma source(%dma_start3A_57 : memref<320xi32, #tpu.memory_space<hbm>>) target(%dma_start3A_56 : memref<320xi32, #tpu.memory_space<vmem>>) target_semaphore(%arg9 : memref<!tpu.dma_semaphore, #tpu.memory_space<semaphore_mem>>)
    %add3A_58 = arith.constant 71680 : i32
    %add3A_59 = arith.addi %add3A_58, %mul3A_2 : i32
    %dma_start3A_60 = arith.constant 2240 : i32
    %dma_start3A_61 = tpu.memref_slice %arg6[%dma_start3A_60] : memref<8640xi32, #tpu.memory_space<vmem>> -> memref<320xi32, #tpu.memory_space<vmem>>
    %dma_start3A_62 = tpu.memref_slice %arg3[%add3A_59] : memref<276480xi32, #tpu.memory_space<hbm>> -> memref<320xi32, #tpu.memory_space<hbm>>
    %dma_start3A_63 = arith.constant 2240 : i32
    %dma_start3A_64 = tpu.memref_slice %arg6[%dma_start3A_63] : memref<8640xi32, #tpu.memory_space<vmem>> -> memref<320xi32, #tpu.memory_space<vmem>>
    %dma_start3A_65 = tpu.memref_slice %arg3[%add3A_59] : memref<276480xi32, #tpu.memory_space<hbm>> -> memref<320xi32, #tpu.memory_space<hbm>>
    tpu.enqueue_dma source(%dma_start3A_65 : memref<320xi32, #tpu.memory_space<hbm>>) target(%dma_start3A_64 : memref<320xi32, #tpu.memory_space<vmem>>) target_semaphore(%arg9 : memref<!tpu.dma_semaphore, #tpu.memory_space<semaphore_mem>>)
    %add3A_66 = arith.constant 81920 : i32
    %add3A_67 = arith.addi %add3A_66, %mul3A_2 : i32
    %dma_start3A_68 = arith.constant 2560 : i32
    %dma_start3A_69 = tpu.memref_slice %arg6[%dma_start3A_68] : memref<8640xi32, #tpu.memory_space<vmem>> -> memref<320xi32, #tpu.memory_space<vmem>>
    %dma_start3A_70 = tpu.memref_slice %arg3[%add3A_67] : memref<276480xi32, #tpu.memory_space<hbm>> -> memref<320xi32, #tpu.memory_space<hbm>>
    %dma_start3A_71 = arith.constant 2560 : i32
    %dma_start3A_72 = tpu.memref_slice %arg6[%dma_start3A_71] : memref<8640xi32, #tpu.memory_space<vmem>> -> memref<320xi32, #tpu.memory_space<vmem>>
    %dma_start3A_73 = tpu.memref_slice %arg3[%add3A_67] : memref<276480xi32, #tpu.memory_space<hbm>> -> memref<320xi32, #tpu.memory_space<hbm>>
    tpu.enqueue_dma source(%dma_start3A_73 : memref<320xi32, #tpu.memory_space<hbm>>) target(%dma_start3A_72 : memref<320xi32, #tpu.memory_space<vmem>>) target_semaphore(%arg9 : memref<!tpu.dma_semaphore, #tpu.memory_space<semaphore_mem>>)
    %add3A_74 = arith.constant 92160 : i32
    %add3A_75 = arith.addi %add3A_74, %mul3A_2 : i32
    %dma_start3A_76 = arith.constant 2880 : i32
    %dma_start3A_77 = tpu.memref_slice %arg6[%dma_start3A_76] : memref<8640xi32, #tpu.memory_space<vmem>> -> memref<320xi32, #tpu.memory_space<vmem>>
    %dma_start3A_78 = tpu.memref_slice %arg3[%add3A_75] : memref<276480xi32, #tpu.memory_space<hbm>> -> memref<320xi32, #tpu.memory_space<hbm>>
    %dma_start3A_79 = arith.constant 2880 : i32
    %dma_start3A_80 = tpu.memref_slice %arg6[%dma_start3A_79] : memref<8640xi32, #tpu.memory_space<vmem>> -> memref<320xi32, #tpu.memory_space<vmem>>
    %dma_start3A_81 = tpu.memref_slice %arg3[%add3A_75] : memref<276480xi32, #tpu.memory_space<hbm>> -> memref<320xi32, #tpu.memory_space<hbm>>
    tpu.enqueue_dma source(%dma_start3A_81 : memref<320xi32, #tpu.memory_space<hbm>>) target(%dma_start3A_80 : memref<320xi32, #tpu.memory_space<vmem>>) target_semaphore(%arg9 : memref<!tpu.dma_semaphore, #tpu.memory_space<semaphore_mem>>)
    %add3A_82 = arith.constant 102400 : i32
    %add3A_83 = arith.addi %add3A_82, %mul3A_2 : i32
    %dma_start3A_84 = arith.constant 3200 : i32
    %dma_start3A_85 = tpu.memref_slice %arg6[%dma_start3A_84] : memref<8640xi32, #tpu.memory_space<vmem>> -> memref<320xi32, #tpu.memory_space<vmem>>
    %dma_start3A_86 = tpu.memref_slice %arg3[%add3A_83] : memref<276480xi32, #tpu.memory_space<hbm>> -> memref<320xi32, #tpu.memory_space<hbm>>
    %dma_start3A_87 = arith.constant 3200 : i32
    %dma_start3A_88 = tpu.memref_slice %arg6[%dma_start3A_87] : memref<8640xi32, #tpu.memory_space<vmem>> -> memref<320xi32, #tpu.memory_space<vmem>>
    %dma_start3A_89 = tpu.memref_slice %arg3[%add3A_83] : memref<276480xi32, #tpu.memory_space<hbm>> -> memref<320xi32, #tpu.memory_space<hbm>>
    tpu.enqueue_dma source(%dma_start3A_89 : memref<320xi32, #tpu.memory_space<hbm>>) target(%dma_start3A_88 : memref<320xi32, #tpu.memory_space<vmem>>) target_semaphore(%arg9 : memref<!tpu.dma_semaphore, #tpu.memory_space<semaphore_mem>>)
    %add3A_90 = arith.constant 112640 : i32
    %add3A_91 = arith.addi %add3A_90, %mul3A_2 : i32
    %dma_start3A_92 = arith.constant 3520 : i32
    %dma_start3A_93 = tpu.memref_slice %arg6[%dma_start3A_92] : memref<8640xi32, #tpu.memory_space<vmem>> -> memref<320xi32, #tpu.memory_space<vmem>>
    %dma_start3A_94 = tpu.memref_slice %arg3[%add3A_91] : memref<276480xi32, #tpu.memory_space<hbm>> -> memref<320xi32, #tpu.memory_space<hbm>>
    %dma_start3A_95 = arith.constant 3520 : i32
    %dma_start3A_96 = tpu.memref_slice %arg6[%dma_start3A_95] : memref<8640xi32, #tpu.memory_space<vmem>> -> memref<320xi32, #tpu.memory_space<vmem>>
    %dma_start3A_97 = tpu.memref_slice %arg3[%add3A_91] : memref<276480xi32, #tpu.memory_space<hbm>> -> memref<320xi32, #tpu.memory_space<hbm>>
    tpu.enqueue_dma source(%dma_start3A_97 : memref<320xi32, #tpu.memory_space<hbm>>) target(%dma_start3A_96 : memref<320xi32, #tpu.memory_space<vmem>>) target_semaphore(%arg9 : memref<!tpu.dma_semaphore, #tpu.memory_space<semaphore_mem>>)
    %add3A_98 = arith.constant 122880 : i32
    %add3A_99 = arith.addi %add3A_98, %mul3A_2 : i32
    %dma_start3A_100 = arith.constant 3840 : i32
    %dma_start3A_101 = tpu.memref_slice %arg6[%dma_start3A_100] : memref<8640xi32, #tpu.memory_space<vmem>> -> memref<320xi32, #tpu.memory_space<vmem>>
    %dma_start3A_102 = tpu.memref_slice %arg3[%add3A_99] : memref<276480xi32, #tpu.memory_space<hbm>> -> memref<320xi32, #tpu.memory_space<hbm>>
    %dma_start3A_103 = arith.constant 3840 : i32
    %dma_start3A_104 = tpu.memref_slice %arg6[%dma_start3A_103] : memref<8640xi32, #tpu.memory_space<vmem>> -> memref<320xi32, #tpu.memory_space<vmem>>
    %dma_start3A_105 = tpu.memref_slice %arg3[%add3A_99] : memref<276480xi32, #tpu.memory_space<hbm>> -> memref<320xi32, #tpu.memory_space<hbm>>
    tpu.enqueue_dma source(%dma_start3A_105 : memref<320xi32, #tpu.memory_space<hbm>>) target(%dma_start3A_104 : memref<320xi32, #tpu.memory_space<vmem>>) target_semaphore(%arg9 : memref<!tpu.dma_semaphore, #tpu.memory_space<semaphore_mem>>)
    %add3A_106 = arith.constant 133120 : i32
    %add3A_107 = arith.addi %add3A_106, %mul3A_2 : i32
    %dma_start3A_108 = arith.constant 4160 : i32
    %dma_start3A_109 = tpu.memref_slice %arg6[%dma_start3A_108] : memref<8640xi32, #tpu.memory_space<vmem>> -> memref<320xi32, #tpu.memory_space<vmem>>
    %dma_start3A_110 = tpu.memref_slice %arg3[%add3A_107] : memref<276480xi32, #tpu.memory_space<hbm>> -> memref<320xi32, #tpu.memory_space<hbm>>
    %dma_start3A_111 = arith.constant 4160 : i32
    %dma_start3A_112 = tpu.memref_slice %arg6[%dma_start3A_111] : memref<8640xi32, #tpu.memory_space<vmem>> -> memref<320xi32, #tpu.memory_space<vmem>>
    %dma_start3A_113 = tpu.memref_slice %arg3[%add3A_107] : memref<276480xi32, #tpu.memory_space<hbm>> -> memref<320xi32, #tpu.memory_space<hbm>>
    tpu.enqueue_dma source(%dma_start3A_113 : memref<320xi32, #tpu.memory_space<hbm>>) target(%dma_start3A_112 : memref<320xi32, #tpu.memory_space<vmem>>) target_semaphore(%arg9 : memref<!tpu.dma_semaphore, #tpu.memory_space<semaphore_mem>>)
    %add3A_114 = arith.constant 143360 : i32
    %add3A_115 = arith.addi %add3A_114, %mul3A_2 : i32
    %dma_start3A_116 = arith.constant 4480 : i32
    %dma_start3A_117 = tpu.memref_slice %arg6[%dma_start3A_116] : memref<8640xi32, #tpu.memory_space<vmem>> -> memref<320xi32, #tpu.memory_space<vmem>>
    %dma_start3A_118 = tpu.memref_slice %arg3[%add3A_115] : memref<276480xi32, #tpu.memory_space<hbm>> -> memref<320xi32, #tpu.memory_space<hbm>>
    %dma_start3A_119 = arith.constant 4480 : i32
    %dma_start3A_120 = tpu.memref_slice %arg6[%dma_start3A_119] : memref<8640xi32, #tpu.memory_space<vmem>> -> memref<320xi32, #tpu.memory_space<vmem>>
    %dma_start3A_121 = tpu.memref_slice %arg3[%add3A_115] : memref<276480xi32, #tpu.memory_space<hbm>> -> memref<320xi32, #tpu.memory_space<hbm>>
    tpu.enqueue_dma source(%dma_start3A_121 : memref<320xi32, #tpu.memory_space<hbm>>) target(%dma_start3A_120 : memref<320xi32, #tpu.memory_space<vmem>>) target_semaphore(%arg9 : memref<!tpu.dma_semaphore, #tpu.memory_space<semaphore_mem>>)
    %add3A_122 = arith.constant 153600 : i32
    %add3A_123 = arith.addi %add3A_122, %mul3A_2 : i32
    %dma_start3A_124 = arith.constant 4800 : i32
    %dma_start3A_125 = tpu.memref_slice %arg6[%dma_start3A_124] : memref<8640xi32, #tpu.memory_space<vmem>> -> memref<320xi32, #tpu.memory_space<vmem>>
    %dma_start3A_126 = tpu.memref_slice %arg3[%add3A_123] : memref<276480xi32, #tpu.memory_space<hbm>> -> memref<320xi32, #tpu.memory_space<hbm>>
    %dma_start3A_127 = arith.constant 4800 : i32
    %dma_start3A_128 = tpu.memref_slice %arg6[%dma_start3A_127] : memref<8640xi32, #tpu.memory_space<vmem>> -> memref<320xi32, #tpu.memory_space<vmem>>
    %dma_start3A_129 = tpu.memref_slice %arg3[%add3A_123] : memref<276480xi32, #tpu.memory_space<hbm>> -> memref<320xi32, #tpu.memory_space<hbm>>
    tpu.enqueue_dma source(%dma_start3A_129 : memref<320xi32, #tpu.memory_space<hbm>>) target(%dma_start3A_128 : memref<320xi32, #tpu.memory_space<vmem>>) target_semaphore(%arg9 : memref<!tpu.dma_semaphore, #tpu.memory_space<semaphore_mem>>)
    %add3A_130 = arith.constant 163840 : i32
    %add3A_131 = arith.addi %add3A_130, %mul3A_2 : i32
    %dma_start3A_132 = arith.constant 5120 : i32
    %dma_start3A_133 = tpu.memref_slice %arg6[%dma_start3A_132] : memref<8640xi32, #tpu.memory_space<vmem>> -> memref<320xi32, #tpu.memory_space<vmem>>
    %dma_start3A_134 = tpu.memref_slice %arg3[%add3A_131] : memref<276480xi32, #tpu.memory_space<hbm>> -> memref<320xi32, #tpu.memory_space<hbm>>
    %dma_start3A_135 = arith.constant 5120 : i32
    %dma_start3A_136 = tpu.memref_slice %arg6[%dma_start3A_135] : memref<8640xi32, #tpu.memory_space<vmem>> -> memref<320xi32, #tpu.memory_space<vmem>>
    %dma_start3A_137 = tpu.memref_slice %arg3[%add3A_131] : memref<276480xi32, #tpu.memory_space<hbm>> -> memref<320xi32, #tpu.memory_space<hbm>>
    tpu.enqueue_dma source(%dma_start3A_137 : memref<320xi32, #tpu.memory_space<hbm>>) target(%dma_start3A_136 : memref<320xi32, #tpu.memory_space<vmem>>) target_semaphore(%arg9 : memref<!tpu.dma_semaphore, #tpu.memory_space<semaphore_mem>>)
    %add3A_138 = arith.constant 174080 : i32
    %add3A_139 = arith.addi %add3A_138, %mul3A_2 : i32
    %dma_start3A_140 = arith.constant 5440 : i32
    %dma_start3A_141 = tpu.memref_slice %arg6[%dma_start3A_140] : memref<8640xi32, #tpu.memory_space<vmem>> -> memref<320xi32, #tpu.memory_space<vmem>>
    %dma_start3A_142 = tpu.memref_slice %arg3[%add3A_139] : memref<276480xi32, #tpu.memory_space<hbm>> -> memref<320xi32, #tpu.memory_space<hbm>>
    %dma_start3A_143 = arith.constant 5440 : i32
    %dma_start3A_144 = tpu.memref_slice %arg6[%dma_start3A_143] : memref<8640xi32, #tpu.memory_space<vmem>> -> memref<320xi32, #tpu.memory_space<vmem>>
    %dma_start3A_145 = tpu.memref_slice %arg3[%add3A_139] : memref<276480xi32, #tpu.memory_space<hbm>> -> memref<320xi32, #tpu.memory_space<hbm>>
    tpu.enqueue_dma source(%dma_start3A_145 : memref<320xi32, #tpu.memory_space<hbm>>) target(%dma_start3A_144 : memref<320xi32, #tpu.memory_space<vmem>>) target_semaphore(%arg9 : memref<!tpu.dma_semaphore, #tpu.memory_space<semaphore_mem>>)
    %add3A_146 = arith.constant 184320 : i32
    %add3A_147 = arith.addi %add3A_146, %mul3A_2 : i32
    %dma_start3A_148 = arith.constant 5760 : i32
    %dma_start3A_149 = tpu.memref_slice %arg6[%dma_start3A_148] : memref<8640xi32, #tpu.memory_space<vmem>> -> memref<320xi32, #tpu.memory_space<vmem>>
    %dma_start3A_150 = tpu.memref_slice %arg3[%add3A_147] : memref<276480xi32, #tpu.memory_space<hbm>> -> memref<320xi32, #tpu.memory_space<hbm>>
    %dma_start3A_151 = arith.constant 5760 : i32
    %dma_start3A_152 = tpu.memref_slice %arg6[%dma_start3A_151] : memref<8640xi32, #tpu.memory_space<vmem>> -> memref<320xi32, #tpu.memory_space<vmem>>
    %dma_start3A_153 = tpu.memref_slice %arg3[%add3A_147] : memref<276480xi32, #tpu.memory_space<hbm>> -> memref<320xi32, #tpu.memory_space<hbm>>
    tpu.enqueue_dma source(%dma_start3A_153 : memref<320xi32, #tpu.memory_space<hbm>>) target(%dma_start3A_152 : memref<320xi32, #tpu.memory_space<vmem>>) target_semaphore(%arg9 : memref<!tpu.dma_semaphore, #tpu.memory_space<semaphore_mem>>)
    %add3A_154 = arith.constant 194560 : i32
    %add3A_155 = arith.addi %add3A_154, %mul3A_2 : i32
    %dma_start3A_156 = arith.constant 6080 : i32
    %dma_start3A_157 = tpu.memref_slice %arg6[%dma_start3A_156] : memref<8640xi32, #tpu.memory_space<vmem>> -> memref<320xi32, #tpu.memory_space<vmem>>
    %dma_start3A_158 = tpu.memref_slice %arg3[%add3A_155] : memref<276480xi32, #tpu.memory_space<hbm>> -> memref<320xi32, #tpu.memory_space<hbm>>
    %dma_start3A_159 = arith.constant 6080 : i32
    %dma_start3A_160 = tpu.memref_slice %arg6[%dma_start3A_159] : memref<8640xi32, #tpu.memory_space<vmem>> -> memref<320xi32, #tpu.memory_space<vmem>>
    %dma_start3A_161 = tpu.memref_slice %arg3[%add3A_155] : memref<276480xi32, #tpu.memory_space<hbm>> -> memref<320xi32, #tpu.memory_space<hbm>>
    tpu.enqueue_dma source(%dma_start3A_161 : memref<320xi32, #tpu.memory_space<hbm>>) target(%dma_start3A_160 : memref<320xi32, #tpu.memory_space<vmem>>) target_semaphore(%arg9 : memref<!tpu.dma_semaphore, #tpu.memory_space<semaphore_mem>>)
    %add3A_162 = arith.constant 204800 : i32
    %add3A_163 = arith.addi %add3A_162, %mul3A_2 : i32
    %dma_start3A_164 = arith.constant 6400 : i32
    %dma_start3A_165 = tpu.memref_slice %arg6[%dma_start3A_164] : memref<8640xi32, #tpu.memory_space<vmem>> -> memref<320xi32, #tpu.memory_space<vmem>>
    %dma_start3A_166 = tpu.memref_slice %arg3[%add3A_163] : memref<276480xi32, #tpu.memory_space<hbm>> -> memref<320xi32, #tpu.memory_space<hbm>>
    %dma_start3A_167 = arith.constant 6400 : i32
    %dma_start3A_168 = tpu.memref_slice %arg6[%dma_start3A_167] : memref<8640xi32, #tpu.memory_space<vmem>> -> memref<320xi32, #tpu.memory_space<vmem>>
    %dma_start3A_169 = tpu.memref_slice %arg3[%add3A_163] : memref<276480xi32, #tpu.memory_space<hbm>> -> memref<320xi32, #tpu.memory_space<hbm>>
    tpu.enqueue_dma source(%dma_start3A_169 : memref<320xi32, #tpu.memory_space<hbm>>) target(%dma_start3A_168 : memref<320xi32, #tpu.memory_space<vmem>>) target_semaphore(%arg9 : memref<!tpu.dma_semaphore, #tpu.memory_space<semaphore_mem>>)
    %add3A_170 = arith.constant 215040 : i32
    %add3A_171 = arith.addi %add3A_170, %mul3A_2 : i32
    %dma_start3A_172 = arith.constant 6720 : i32
    %dma_start3A_173 = tpu.memref_slice %arg6[%dma_start3A_172] : memref<8640xi32, #tpu.memory_space<vmem>> -> memref<320xi32, #tpu.memory_space<vmem>>
    %dma_start3A_174 = tpu.memref_slice %arg3[%add3A_171] : memref<276480xi32, #tpu.memory_space<hbm>> -> memref<320xi32, #tpu.memory_space<hbm>>
    %dma_start3A_175 = arith.constant 6720 : i32
    %dma_start3A_176 = tpu.memref_slice %arg6[%dma_start3A_175] : memref<8640xi32, #tpu.memory_space<vmem>> -> memref<320xi32, #tpu.memory_space<vmem>>
    %dma_start3A_177 = tpu.memref_slice %arg3[%add3A_171] : memref<276480xi32, #tpu.memory_space<hbm>> -> memref<320xi32, #tpu.memory_space<hbm>>
    tpu.enqueue_dma source(%dma_start3A_177 : memref<320xi32, #tpu.memory_space<hbm>>) target(%dma_start3A_176 : memref<320xi32, #tpu.memory_space<vmem>>) target_semaphore(%arg9 : memref<!tpu.dma_semaphore, #tpu.memory_space<semaphore_mem>>)
    %add3A_178 = arith.constant 225280 : i32
    %add3A_179 = arith.addi %add3A_178, %mul3A_2 : i32
    %dma_start3A_180 = arith.constant 7040 : i32
    %dma_start3A_181 = tpu.memref_slice %arg6[%dma_start3A_180] : memref<8640xi32, #tpu.memory_space<vmem>> -> memref<320xi32, #tpu.memory_space<vmem>>
    %dma_start3A_182 = tpu.memref_slice %arg3[%add3A_179] : memref<276480xi32, #tpu.memory_space<hbm>> -> memref<320xi32, #tpu.memory_space<hbm>>
    %dma_start3A_183 = arith.constant 7040 : i32
    %dma_start3A_184 = tpu.memref_slice %arg6[%dma_start3A_183] : memref<8640xi32, #tpu.memory_space<vmem>> -> memref<320xi32, #tpu.memory_space<vmem>>
    %dma_start3A_185 = tpu.memref_slice %arg3[%add3A_179] : memref<276480xi32, #tpu.memory_space<hbm>> -> memref<320xi32, #tpu.memory_space<hbm>>
    tpu.enqueue_dma source(%dma_start3A_185 : memref<320xi32, #tpu.memory_space<hbm>>) target(%dma_start3A_184 : memref<320xi32, #tpu.memory_space<vmem>>) target_semaphore(%arg9 : memref<!tpu.dma_semaphore, #tpu.memory_space<semaphore_mem>>)
    %add3A_186 = arith.constant 235520 : i32
    %add3A_187 = arith.addi %add3A_186, %mul3A_2 : i32
    %dma_start3A_188 = arith.constant 7360 : i32
    %dma_start3A_189 = tpu.memref_slice %arg6[%dma_start3A_188] : memref<8640xi32, #tpu.memory_space<vmem>> -> memref<320xi32, #tpu.memory_space<vmem>>
    %dma_start3A_190 = tpu.memref_slice %arg3[%add3A_187] : memref<276480xi32, #tpu.memory_space<hbm>> -> memref<320xi32, #tpu.memory_space<hbm>>
    %dma_start3A_191 = arith.constant 7360 : i32
    %dma_start3A_192 = tpu.memref_slice %arg6[%dma_start3A_191] : memref<8640xi32, #tpu.memory_space<vmem>> -> memref<320xi32, #tpu.memory_space<vmem>>
    %dma_start3A_193 = tpu.memref_slice %arg3[%add3A_187] : memref<276480xi32, #tpu.memory_space<hbm>> -> memref<320xi32, #tpu.memory_space<hbm>>
    tpu.enqueue_dma source(%dma_start3A_193 : memref<320xi32, #tpu.memory_space<hbm>>) target(%dma_start3A_192 : memref<320xi32, #tpu.memory_space<vmem>>) target_semaphore(%arg9 : memref<!tpu.dma_semaphore, #tpu.memory_space<semaphore_mem>>)
    %add3A_194 = arith.constant 245760 : i32
    %add3A_195 = arith.addi %add3A_194, %mul3A_2 : i32
    %dma_start3A_196 = arith.constant 7680 : i32
    %dma_start3A_197 = tpu.memref_slice %arg6[%dma_start3A_196] : memref<8640xi32, #tpu.memory_space<vmem>> -> memref<320xi32, #tpu.memory_space<vmem>>
    %dma_start3A_198 = tpu.memref_slice %arg3[%add3A_195] : memref<276480xi32, #tpu.memory_space<hbm>> -> memref<320xi32, #tpu.memory_space<hbm>>
    %dma_start3A_199 = arith.constant 7680 : i32
    %dma_start3A_200 = tpu.memref_slice %arg6[%dma_start3A_199] : memref<8640xi32, #tpu.memory_space<vmem>> -> memref<320xi32, #tpu.memory_space<vmem>>
    %dma_start3A_201 = tpu.memref_slice %arg3[%add3A_195] : memref<276480xi32, #tpu.memory_space<hbm>> -> memref<320xi32, #tpu.memory_space<hbm>>
    tpu.enqueue_dma source(%dma_start3A_201 : memref<320xi32, #tpu.memory_space<hbm>>) target(%dma_start3A_200 : memref<320xi32, #tpu.memory_space<vmem>>) target_semaphore(%arg9 : memref<!tpu.dma_semaphore, #tpu.memory_space<semaphore_mem>>)
    %add3A_202 = arith.constant 256000 : i32
    %add3A_203 = arith.addi %add3A_202, %mul3A_2 : i32
    %dma_start3A_204 = arith.constant 8000 : i32
    %dma_start3A_205 = tpu.memref_slice %arg6[%dma_start3A_204] : memref<8640xi32, #tpu.memory_space<vmem>> -> memref<320xi32, #tpu.memory_space<vmem>>
    %dma_start3A_206 = tpu.memref_slice %arg3[%add3A_203] : memref<276480xi32, #tpu.memory_space<hbm>> -> memref<320xi32, #tpu.memory_space<hbm>>
    %dma_start3A_207 = arith.constant 8000 : i32
    %dma_start3A_208 = tpu.memref_slice %arg6[%dma_start3A_207] : memref<8640xi32, #tpu.memory_space<vmem>> -> memref<320xi32, #tpu.memory_space<vmem>>
    %dma_start3A_209 = tpu.memref_slice %arg3[%add3A_203] : memref<276480xi32, #tpu.memory_space<hbm>> -> memref<320xi32, #tpu.memory_space<hbm>>
    tpu.enqueue_dma source(%dma_start3A_209 : memref<320xi32, #tpu.memory_space<hbm>>) target(%dma_start3A_208 : memref<320xi32, #tpu.memory_space<vmem>>) target_semaphore(%arg9 : memref<!tpu.dma_semaphore, #tpu.memory_space<semaphore_mem>>)
    %add3A_210 = arith.constant 266240 : i32
    %add3A_211 = arith.addi %add3A_210, %mul3A_2 : i32
    %dma_start3A_212 = arith.constant 8320 : i32
    %dma_start3A_213 = tpu.memref_slice %arg6[%dma_start3A_212] : memref<8640xi32, #tpu.memory_space<vmem>> -> memref<320xi32, #tpu.memory_space<vmem>>
    %dma_start3A_214 = tpu.memref_slice %arg3[%add3A_211] : memref<276480xi32, #tpu.memory_space<hbm>> -> memref<320xi32, #tpu.memory_space<hbm>>
    %dma_start3A_215 = arith.constant 8320 : i32
    %dma_start3A_216 = tpu.memref_slice %arg6[%dma_start3A_215] : memref<8640xi32, #tpu.memory_space<vmem>> -> memref<320xi32, #tpu.memory_space<vmem>>
    %dma_start3A_217 = tpu.memref_slice %arg3[%add3A_211] : memref<276480xi32, #tpu.memory_space<hbm>> -> memref<320xi32, #tpu.memory_space<hbm>>
    tpu.enqueue_dma source(%dma_start3A_217 : memref<320xi32, #tpu.memory_space<hbm>>) target(%dma_start3A_216 : memref<320xi32, #tpu.memory_space<vmem>>) target_semaphore(%arg9 : memref<!tpu.dma_semaphore, #tpu.memory_space<semaphore_mem>>)
    %dma_wait3A = arith.constant 0 : i32
    %dma_wait3A_218 = tpu.memref_slice %arg6[%dma_wait3A] : memref<8640xi32, #tpu.memory_space<vmem>> -> memref<320xi32, #tpu.memory_space<vmem>>
    %dma_wait3A_219 = tpu.memref_slice %arg3[%add3A_4] : memref<276480xi32, #tpu.memory_space<hbm>> -> memref<320xi32, #tpu.memory_space<hbm>>
    %dma_wait3A_220 = arith.constant 0 : i32
    %dma_wait3A_221 = tpu.memref_slice %arg6[%dma_wait3A_220] : memref<8640xi32, #tpu.memory_space<vmem>> -> memref<320xi32, #tpu.memory_space<vmem>>
    %dma_wait3A_222 = tpu.memref_slice %arg3[%add3A_4] : memref<276480xi32, #tpu.memory_space<hbm>> -> memref<320xi32, #tpu.memory_space<hbm>>
    tpu.wait_dma2 semaphore(%arg9 : memref<!tpu.dma_semaphore, #tpu.memory_space<semaphore_mem>>) src(%dma_wait3A_222 : memref<320xi32, #tpu.memory_space<hbm>>) dst(%dma_wait3A_221 : memref<320xi32, #tpu.memory_space<vmem>>)
    %dma_wait3A_223 = arith.constant 320 : i32
    %dma_wait3A_224 = tpu.memref_slice %arg6[%dma_wait3A_223] : memref<8640xi32, #tpu.memory_space<vmem>> -> memref<320xi32, #tpu.memory_space<vmem>>
    %dma_wait3A_225 = tpu.memref_slice %arg3[%add3A_11] : memref<276480xi32, #tpu.memory_space<hbm>> -> memref<320xi32, #tpu.memory_space<hbm>>
    %dma_wait3A_226 = arith.constant 320 : i32
    %dma_wait3A_227 = tpu.memref_slice %arg6[%dma_wait3A_226] : memref<8640xi32, #tpu.memory_space<vmem>> -> memref<320xi32, #tpu.memory_space<vmem>>
    %dma_wait3A_228 = tpu.memref_slice %arg3[%add3A_11] : memref<276480xi32, #tpu.memory_space<hbm>> -> memref<320xi32, #tpu.memory_space<hbm>>
    tpu.wait_dma2 semaphore(%arg9 : memref<!tpu.dma_semaphore, #tpu.memory_space<semaphore_mem>>) src(%dma_wait3A_228 : memref<320xi32, #tpu.memory_space<hbm>>) dst(%dma_wait3A_227 : memref<320xi32, #tpu.memory_space<vmem>>)
    %dma_wait3A_229 = arith.constant 640 : i32
    %dma_wait3A_230 = tpu.memref_slice %arg6[%dma_wait3A_229] : memref<8640xi32, #tpu.memory_space<vmem>> -> memref<320xi32, #tpu.memory_space<vmem>>
    %dma_wait3A_231 = tpu.memref_slice %arg3[%add3A_19] : memref<276480xi32, #tpu.memory_space<hbm>> -> memref<320xi32, #tpu.memory_space<hbm>>
    %dma_wait3A_232 = arith.constant 640 : i32
    %dma_wait3A_233 = tpu.memref_slice %arg6[%dma_wait3A_232] : memref<8640xi32, #tpu.memory_space<vmem>> -> memref<320xi32, #tpu.memory_space<vmem>>
    %dma_wait3A_234 = tpu.memref_slice %arg3[%add3A_19] : memref<276480xi32, #tpu.memory_space<hbm>> -> memref<320xi32, #tpu.memory_space<hbm>>
    tpu.wait_dma2 semaphore(%arg9 : memref<!tpu.dma_semaphore, #tpu.memory_space<semaphore_mem>>) src(%dma_wait3A_234 : memref<320xi32, #tpu.memory_space<hbm>>) dst(%dma_wait3A_233 : memref<320xi32, #tpu.memory_space<vmem>>)
    %dma_wait3A_235 = arith.constant 960 : i32
    %dma_wait3A_236 = tpu.memref_slice %arg6[%dma_wait3A_235] : memref<8640xi32, #tpu.memory_space<vmem>> -> memref<320xi32, #tpu.memory_space<vmem>>
    %dma_wait3A_237 = tpu.memref_slice %arg3[%add3A_27] : memref<276480xi32, #tpu.memory_space<hbm>> -> memref<320xi32, #tpu.memory_space<hbm>>
    %dma_wait3A_238 = arith.constant 960 : i32
    %dma_wait3A_239 = tpu.memref_slice %arg6[%dma_wait3A_238] : memref<8640xi32, #tpu.memory_space<vmem>> -> memref<320xi32, #tpu.memory_space<vmem>>
    %dma_wait3A_240 = tpu.memref_slice %arg3[%add3A_27] : memref<276480xi32, #tpu.memory_space<hbm>> -> memref<320xi32, #tpu.memory_space<hbm>>
    tpu.wait_dma2 semaphore(%arg9 : memref<!tpu.dma_semaphore, #tpu.memory_space<semaphore_mem>>) src(%dma_wait3A_240 : memref<320xi32, #tpu.memory_space<hbm>>) dst(%dma_wait3A_239 : memref<320xi32, #tpu.memory_space<vmem>>)
    %dma_wait3A_241 = arith.constant 1280 : i32
    %dma_wait3A_242 = tpu.memref_slice %arg6[%dma_wait3A_241] : memref<8640xi32, #tpu.memory_space<vmem>> -> memref<320xi32, #tpu.memory_space<vmem>>
    %dma_wait3A_243 = tpu.memref_slice %arg3[%add3A_35] : memref<276480xi32, #tpu.memory_space<hbm>> -> memref<320xi32, #tpu.memory_space<hbm>>
    %dma_wait3A_244 = arith.constant 1280 : i32
    %dma_wait3A_245 = tpu.memref_slice %arg6[%dma_wait3A_244] : memref<8640xi32, #tpu.memory_space<vmem>> -> memref<320xi32, #tpu.memory_space<vmem>>
    %dma_wait3A_246 = tpu.memref_slice %arg3[%add3A_35] : memref<276480xi32, #tpu.memory_space<hbm>> -> memref<320xi32, #tpu.memory_space<hbm>>
    tpu.wait_dma2 semaphore(%arg9 : memref<!tpu.dma_semaphore, #tpu.memory_space<semaphore_mem>>) src(%dma_wait3A_246 : memref<320xi32, #tpu.memory_space<hbm>>) dst(%dma_wait3A_245 : memref<320xi32, #tpu.memory_space<vmem>>)
    %dma_wait3A_247 = arith.constant 1600 : i32
    %dma_wait3A_248 = tpu.memref_slice %arg6[%dma_wait3A_247] : memref<8640xi32, #tpu.memory_space<vmem>> -> memref<320xi32, #tpu.memory_space<vmem>>
    %dma_wait3A_249 = tpu.memref_slice %arg3[%add3A_43] : memref<276480xi32, #tpu.memory_space<hbm>> -> memref<320xi32, #tpu.memory_space<hbm>>
    %dma_wait3A_250 = arith.constant 1600 : i32
    %dma_wait3A_251 = tpu.memref_slice %arg6[%dma_wait3A_250] : memref<8640xi32, #tpu.memory_space<vmem>> -> memref<320xi32, #tpu.memory_space<vmem>>
    %dma_wait3A_252 = tpu.memref_slice %arg3[%add3A_43] : memref<276480xi32, #tpu.memory_space<hbm>> -> memref<320xi32, #tpu.memory_space<hbm>>
    tpu.wait_dma2 semaphore(%arg9 : memref<!tpu.dma_semaphore, #tpu.memory_space<semaphore_mem>>) src(%dma_wait3A_252 : memref<320xi32, #tpu.memory_space<hbm>>) dst(%dma_wait3A_251 : memref<320xi32, #tpu.memory_space<vmem>>)
    %dma_wait3A_253 = arith.constant 1920 : i32
    %dma_wait3A_254 = tpu.memref_slice %arg6[%dma_wait3A_253] : memref<8640xi32, #tpu.memory_space<vmem>> -> memref<320xi32, #tpu.memory_space<vmem>>
    %dma_wait3A_255 = tpu.memref_slice %arg3[%add3A_51] : memref<276480xi32, #tpu.memory_space<hbm>> -> memref<320xi32, #tpu.memory_space<hbm>>
    %dma_wait3A_256 = arith.constant 1920 : i32
    %dma_wait3A_257 = tpu.memref_slice %arg6[%dma_wait3A_256] : memref<8640xi32, #tpu.memory_space<vmem>> -> memref<320xi32, #tpu.memory_space<vmem>>
    %dma_wait3A_258 = tpu.memref_slice %arg3[%add3A_51] : memref<276480xi32, #tpu.memory_space<hbm>> -> memref<320xi32, #tpu.memory_space<hbm>>
    tpu.wait_dma2 semaphore(%arg9 : memref<!tpu.dma_semaphore, #tpu.memory_space<semaphore_mem>>) src(%dma_wait3A_258 : memref<320xi32, #tpu.memory_space<hbm>>) dst(%dma_wait3A_257 : memref<320xi32, #tpu.memory_space<vmem>>)
    %dma_wait3A_259 = arith.constant 2240 : i32
    %dma_wait3A_260 = tpu.memref_slice %arg6[%dma_wait3A_259] : memref<8640xi32, #tpu.memory_space<vmem>> -> memref<320xi32, #tpu.memory_space<vmem>>
    %dma_wait3A_261 = tpu.memref_slice %arg3[%add3A_59] : memref<276480xi32, #tpu.memory_space<hbm>> -> memref<320xi32, #tpu.memory_space<hbm>>
    %dma_wait3A_262 = arith.constant 2240 : i32
    %dma_wait3A_263 = tpu.memref_slice %arg6[%dma_wait3A_262] : memref<8640xi32, #tpu.memory_space<vmem>> -> memref<320xi32, #tpu.memory_space<vmem>>
    %dma_wait3A_264 = tpu.memref_slice %arg3[%add3A_59] : memref<276480xi32, #tpu.memory_space<hbm>> -> memref<320xi32, #tpu.memory_space<hbm>>
    tpu.wait_dma2 semaphore(%arg9 : memref<!tpu.dma_semaphore, #tpu.memory_space<semaphore_mem>>) src(%dma_wait3A_264 : memref<320xi32, #tpu.memory_space<hbm>>) dst(%dma_wait3A_263 : memref<320xi32, #tpu.memory_space<vmem>>)
    %dma_wait3A_265 = arith.constant 2560 : i32
    %dma_wait3A_266 = tpu.memref_slice %arg6[%dma_wait3A_265] : memref<8640xi32, #tpu.memory_space<vmem>> -> memref<320xi32, #tpu.memory_space<vmem>>
    %dma_wait3A_267 = tpu.memref_slice %arg3[%add3A_67] : memref<276480xi32, #tpu.memory_space<hbm>> -> memref<320xi32, #tpu.memory_space<hbm>>
    %dma_wait3A_268 = arith.constant 2560 : i32
    %dma_wait3A_269 = tpu.memref_slice %arg6[%dma_wait3A_268] : memref<8640xi32, #tpu.memory_space<vmem>> -> memref<320xi32, #tpu.memory_space<vmem>>
    %dma_wait3A_270 = tpu.memref_slice %arg3[%add3A_67] : memref<276480xi32, #tpu.memory_space<hbm>> -> memref<320xi32, #tpu.memory_space<hbm>>
    tpu.wait_dma2 semaphore(%arg9 : memref<!tpu.dma_semaphore, #tpu.memory_space<semaphore_mem>>) src(%dma_wait3A_270 : memref<320xi32, #tpu.memory_space<hbm>>) dst(%dma_wait3A_269 : memref<320xi32, #tpu.memory_space<vmem>>)
    %dma_wait3A_271 = arith.constant 2880 : i32
    %dma_wait3A_272 = tpu.memref_slice %arg6[%dma_wait3A_271] : memref<8640xi32, #tpu.memory_space<vmem>> -> memref<320xi32, #tpu.memory_space<vmem>>
    %dma_wait3A_273 = tpu.memref_slice %arg3[%add3A_75] : memref<276480xi32, #tpu.memory_space<hbm>> -> memref<320xi32, #tpu.memory_space<hbm>>
    %dma_wait3A_274 = arith.constant 2880 : i32
    %dma_wait3A_275 = tpu.memref_slice %arg6[%dma_wait3A_274] : memref<8640xi32, #tpu.memory_space<vmem>> -> memref<320xi32, #tpu.memory_space<vmem>>
    %dma_wait3A_276 = tpu.memref_slice %arg3[%add3A_75] : memref<276480xi32, #tpu.memory_space<hbm>> -> memref<320xi32, #tpu.memory_space<hbm>>
    tpu.wait_dma2 semaphore(%arg9 : memref<!tpu.dma_semaphore, #tpu.memory_space<semaphore_mem>>) src(%dma_wait3A_276 : memref<320xi32, #tpu.memory_space<hbm>>) dst(%dma_wait3A_275 : memref<320xi32, #tpu.memory_space<vmem>>)
    %dma_wait3A_277 = arith.constant 3200 : i32
    %dma_wait3A_278 = tpu.memref_slice %arg6[%dma_wait3A_277] : memref<8640xi32, #tpu.memory_space<vmem>> -> memref<320xi32, #tpu.memory_space<vmem>>
    %dma_wait3A_279 = tpu.memref_slice %arg3[%add3A_83] : memref<276480xi32, #tpu.memory_space<hbm>> -> memref<320xi32, #tpu.memory_space<hbm>>
    %dma_wait3A_280 = arith.constant 3200 : i32
    %dma_wait3A_281 = tpu.memref_slice %arg6[%dma_wait3A_280] : memref<8640xi32, #tpu.memory_space<vmem>> -> memref<320xi32, #tpu.memory_space<vmem>>
    %dma_wait3A_282 = tpu.memref_slice %arg3[%add3A_83] : memref<276480xi32, #tpu.memory_space<hbm>> -> memref<320xi32, #tpu.memory_space<hbm>>
    tpu.wait_dma2 semaphore(%arg9 : memref<!tpu.dma_semaphore, #tpu.memory_space<semaphore_mem>>) src(%dma_wait3A_282 : memref<320xi32, #tpu.memory_space<hbm>>) dst(%dma_wait3A_281 : memref<320xi32, #tpu.memory_space<vmem>>)
    %dma_wait3A_283 = arith.constant 3520 : i32
    %dma_wait3A_284 = tpu.memref_slice %arg6[%dma_wait3A_283] : memref<8640xi32, #tpu.memory_space<vmem>> -> memref<320xi32, #tpu.memory_space<vmem>>
    %dma_wait3A_285 = tpu.memref_slice %arg3[%add3A_91] : memref<276480xi32, #tpu.memory_space<hbm>> -> memref<320xi32, #tpu.memory_space<hbm>>
    %dma_wait3A_286 = arith.constant 3520 : i32
    %dma_wait3A_287 = tpu.memref_slice %arg6[%dma_wait3A_286] : memref<8640xi32, #tpu.memory_space<vmem>> -> memref<320xi32, #tpu.memory_space<vmem>>
    %dma_wait3A_288 = tpu.memref_slice %arg3[%add3A_91] : memref<276480xi32, #tpu.memory_space<hbm>> -> memref<320xi32, #tpu.memory_space<hbm>>
    tpu.wait_dma2 semaphore(%arg9 : memref<!tpu.dma_semaphore, #tpu.memory_space<semaphore_mem>>) src(%dma_wait3A_288 : memref<320xi32, #tpu.memory_space<hbm>>) dst(%dma_wait3A_287 : memref<320xi32, #tpu.memory_space<vmem>>)
    %dma_wait3A_289 = arith.constant 3840 : i32
    %dma_wait3A_290 = tpu.memref_slice %arg6[%dma_wait3A_289] : memref<8640xi32, #tpu.memory_space<vmem>> -> memref<320xi32, #tpu.memory_space<vmem>>
    %dma_wait3A_291 = tpu.memref_slice %arg3[%add3A_99] : memref<276480xi32, #tpu.memory_space<hbm>> -> memref<320xi32, #tpu.memory_space<hbm>>
    %dma_wait3A_292 = arith.constant 3840 : i32
    %dma_wait3A_293 = tpu.memref_slice %arg6[%dma_wait3A_292] : memref<8640xi32, #tpu.memory_space<vmem>> -> memref<320xi32, #tpu.memory_space<vmem>>
    %dma_wait3A_294 = tpu.memref_slice %arg3[%add3A_99] : memref<276480xi32, #tpu.memory_space<hbm>> -> memref<320xi32, #tpu.memory_space<hbm>>
    tpu.wait_dma2 semaphore(%arg9 : memref<!tpu.dma_semaphore, #tpu.memory_space<semaphore_mem>>) src(%dma_wait3A_294 : memref<320xi32, #tpu.memory_space<hbm>>) dst(%dma_wait3A_293 : memref<320xi32, #tpu.memory_space<vmem>>)
    %dma_wait3A_295 = arith.constant 4160 : i32
    %dma_wait3A_296 = tpu.memref_slice %arg6[%dma_wait3A_295] : memref<8640xi32, #tpu.memory_space<vmem>> -> memref<320xi32, #tpu.memory_space<vmem>>
    %dma_wait3A_297 = tpu.memref_slice %arg3[%add3A_107] : memref<276480xi32, #tpu.memory_space<hbm>> -> memref<320xi32, #tpu.memory_space<hbm>>
    %dma_wait3A_298 = arith.constant 4160 : i32
    %dma_wait3A_299 = tpu.memref_slice %arg6[%dma_wait3A_298] : memref<8640xi32, #tpu.memory_space<vmem>> -> memref<320xi32, #tpu.memory_space<vmem>>
    %dma_wait3A_300 = tpu.memref_slice %arg3[%add3A_107] : memref<276480xi32, #tpu.memory_space<hbm>> -> memref<320xi32, #tpu.memory_space<hbm>>
    tpu.wait_dma2 semaphore(%arg9 : memref<!tpu.dma_semaphore, #tpu.memory_space<semaphore_mem>>) src(%dma_wait3A_300 : memref<320xi32, #tpu.memory_space<hbm>>) dst(%dma_wait3A_299 : memref<320xi32, #tpu.memory_space<vmem>>)
    %dma_wait3A_301 = arith.constant 4480 : i32
    %dma_wait3A_302 = tpu.memref_slice %arg6[%dma_wait3A_301] : memref<8640xi32, #tpu.memory_space<vmem>> -> memref<320xi32, #tpu.memory_space<vmem>>
    %dma_wait3A_303 = tpu.memref_slice %arg3[%add3A_115] : memref<276480xi32, #tpu.memory_space<hbm>> -> memref<320xi32, #tpu.memory_space<hbm>>
    %dma_wait3A_304 = arith.constant 4480 : i32
    %dma_wait3A_305 = tpu.memref_slice %arg6[%dma_wait3A_304] : memref<8640xi32, #tpu.memory_space<vmem>> -> memref<320xi32, #tpu.memory_space<vmem>>
    %dma_wait3A_306 = tpu.memref_slice %arg3[%add3A_115] : memref<276480xi32, #tpu.memory_space<hbm>> -> memref<320xi32, #tpu.memory_space<hbm>>
    tpu.wait_dma2 semaphore(%arg9 : memref<!tpu.dma_semaphore, #tpu.memory_space<semaphore_mem>>) src(%dma_wait3A_306 : memref<320xi32, #tpu.memory_space<hbm>>) dst(%dma_wait3A_305 : memref<320xi32, #tpu.memory_space<vmem>>)
    %dma_wait3A_307 = arith.constant 4800 : i32
    %dma_wait3A_308 = tpu.memref_slice %arg6[%dma_wait3A_307] : memref<8640xi32, #tpu.memory_space<vmem>> -> memref<320xi32, #tpu.memory_space<vmem>>
    %dma_wait3A_309 = tpu.memref_slice %arg3[%add3A_123] : memref<276480xi32, #tpu.memory_space<hbm>> -> memref<320xi32, #tpu.memory_space<hbm>>
    %dma_wait3A_310 = arith.constant 4800 : i32
    %dma_wait3A_311 = tpu.memref_slice %arg6[%dma_wait3A_310] : memref<8640xi32, #tpu.memory_space<vmem>> -> memref<320xi32, #tpu.memory_space<vmem>>
    %dma_wait3A_312 = tpu.memref_slice %arg3[%add3A_123] : memref<276480xi32, #tpu.memory_space<hbm>> -> memref<320xi32, #tpu.memory_space<hbm>>
    tpu.wait_dma2 semaphore(%arg9 : memref<!tpu.dma_semaphore, #tpu.memory_space<semaphore_mem>>) src(%dma_wait3A_312 : memref<320xi32, #tpu.memory_space<hbm>>) dst(%dma_wait3A_311 : memref<320xi32, #tpu.memory_space<vmem>>)
    %dma_wait3A_313 = arith.constant 5120 : i32
    %dma_wait3A_314 = tpu.memref_slice %arg6[%dma_wait3A_313] : memref<8640xi32, #tpu.memory_space<vmem>> -> memref<320xi32, #tpu.memory_space<vmem>>
    %dma_wait3A_315 = tpu.memref_slice %arg3[%add3A_131] : memref<276480xi32, #tpu.memory_space<hbm>> -> memref<320xi32, #tpu.memory_space<hbm>>
    %dma_wait3A_316 = arith.constant 5120 : i32
    %dma_wait3A_317 = tpu.memref_slice %arg6[%dma_wait3A_316] : memref<8640xi32, #tpu.memory_space<vmem>> -> memref<320xi32, #tpu.memory_space<vmem>>
    %dma_wait3A_318 = tpu.memref_slice %arg3[%add3A_131] : memref<276480xi32, #tpu.memory_space<hbm>> -> memref<320xi32, #tpu.memory_space<hbm>>
    tpu.wait_dma2 semaphore(%arg9 : memref<!tpu.dma_semaphore, #tpu.memory_space<semaphore_mem>>) src(%dma_wait3A_318 : memref<320xi32, #tpu.memory_space<hbm>>) dst(%dma_wait3A_317 : memref<320xi32, #tpu.memory_space<vmem>>)
    %dma_wait3A_319 = arith.constant 5440 : i32
    %dma_wait3A_320 = tpu.memref_slice %arg6[%dma_wait3A_319] : memref<8640xi32, #tpu.memory_space<vmem>> -> memref<320xi32, #tpu.memory_space<vmem>>
    %dma_wait3A_321 = tpu.memref_slice %arg3[%add3A_139] : memref<276480xi32, #tpu.memory_space<hbm>> -> memref<320xi32, #tpu.memory_space<hbm>>
    %dma_wait3A_322 = arith.constant 5440 : i32
    %dma_wait3A_323 = tpu.memref_slice %arg6[%dma_wait3A_322] : memref<8640xi32, #tpu.memory_space<vmem>> -> memref<320xi32, #tpu.memory_space<vmem>>
    %dma_wait3A_324 = tpu.memref_slice %arg3[%add3A_139] : memref<276480xi32, #tpu.memory_space<hbm>> -> memref<320xi32, #tpu.memory_space<hbm>>
    tpu.wait_dma2 semaphore(%arg9 : memref<!tpu.dma_semaphore, #tpu.memory_space<semaphore_mem>>) src(%dma_wait3A_324 : memref<320xi32, #tpu.memory_space<hbm>>) dst(%dma_wait3A_323 : memref<320xi32, #tpu.memory_space<vmem>>)
    %dma_wait3A_325 = arith.constant 5760 : i32
    %dma_wait3A_326 = tpu.memref_slice %arg6[%dma_wait3A_325] : memref<8640xi32, #tpu.memory_space<vmem>> -> memref<320xi32, #tpu.memory_space<vmem>>
    %dma_wait3A_327 = tpu.memref_slice %arg3[%add3A_147] : memref<276480xi32, #tpu.memory_space<hbm>> -> memref<320xi32, #tpu.memory_space<hbm>>
    %dma_wait3A_328 = arith.constant 5760 : i32
    %dma_wait3A_329 = tpu.memref_slice %arg6[%dma_wait3A_328] : memref<8640xi32, #tpu.memory_space<vmem>> -> memref<320xi32, #tpu.memory_space<vmem>>
    %dma_wait3A_330 = tpu.memref_slice %arg3[%add3A_147] : memref<276480xi32, #tpu.memory_space<hbm>> -> memref<320xi32, #tpu.memory_space<hbm>>
    tpu.wait_dma2 semaphore(%arg9 : memref<!tpu.dma_semaphore, #tpu.memory_space<semaphore_mem>>) src(%dma_wait3A_330 : memref<320xi32, #tpu.memory_space<hbm>>) dst(%dma_wait3A_329 : memref<320xi32, #tpu.memory_space<vmem>>)
    %dma_wait3A_331 = arith.constant 6080 : i32
    %dma_wait3A_332 = tpu.memref_slice %arg6[%dma_wait3A_331] : memref<8640xi32, #tpu.memory_space<vmem>> -> memref<320xi32, #tpu.memory_space<vmem>>
    %dma_wait3A_333 = tpu.memref_slice %arg3[%add3A_155] : memref<276480xi32, #tpu.memory_space<hbm>> -> memref<320xi32, #tpu.memory_space<hbm>>
    %dma_wait3A_334 = arith.constant 6080 : i32
    %dma_wait3A_335 = tpu.memref_slice %arg6[%dma_wait3A_334] : memref<8640xi32, #tpu.memory_space<vmem>> -> memref<320xi32, #tpu.memory_space<vmem>>
    %dma_wait3A_336 = tpu.memref_slice %arg3[%add3A_155] : memref<276480xi32, #tpu.memory_space<hbm>> -> memref<320xi32, #tpu.memory_space<hbm>>
    tpu.wait_dma2 semaphore(%arg9 : memref<!tpu.dma_semaphore, #tpu.memory_space<semaphore_mem>>) src(%dma_wait3A_336 : memref<320xi32, #tpu.memory_space<hbm>>) dst(%dma_wait3A_335 : memref<320xi32, #tpu.memory_space<vmem>>)
    %dma_wait3A_337 = arith.constant 6400 : i32
    %dma_wait3A_338 = tpu.memref_slice %arg6[%dma_wait3A_337] : memref<8640xi32, #tpu.memory_space<vmem>> -> memref<320xi32, #tpu.memory_space<vmem>>
    %dma_wait3A_339 = tpu.memref_slice %arg3[%add3A_163] : memref<276480xi32, #tpu.memory_space<hbm>> -> memref<320xi32, #tpu.memory_space<hbm>>
    %dma_wait3A_340 = arith.constant 6400 : i32
    %dma_wait3A_341 = tpu.memref_slice %arg6[%dma_wait3A_340] : memref<8640xi32, #tpu.memory_space<vmem>> -> memref<320xi32, #tpu.memory_space<vmem>>
    %dma_wait3A_342 = tpu.memref_slice %arg3[%add3A_163] : memref<276480xi32, #tpu.memory_space<hbm>> -> memref<320xi32, #tpu.memory_space<hbm>>
    tpu.wait_dma2 semaphore(%arg9 : memref<!tpu.dma_semaphore, #tpu.memory_space<semaphore_mem>>) src(%dma_wait3A_342 : memref<320xi32, #tpu.memory_space<hbm>>) dst(%dma_wait3A_341 : memref<320xi32, #tpu.memory_space<vmem>>)
    %dma_wait3A_343 = arith.constant 6720 : i32
    %dma_wait3A_344 = tpu.memref_slice %arg6[%dma_wait3A_343] : memref<8640xi32, #tpu.memory_space<vmem>> -> memref<320xi32, #tpu.memory_space<vmem>>
    %dma_wait3A_345 = tpu.memref_slice %arg3[%add3A_171] : memref<276480xi32, #tpu.memory_space<hbm>> -> memref<320xi32, #tpu.memory_space<hbm>>
    %dma_wait3A_346 = arith.constant 6720 : i32
    %dma_wait3A_347 = tpu.memref_slice %arg6[%dma_wait3A_346] : memref<8640xi32, #tpu.memory_space<vmem>> -> memref<320xi32, #tpu.memory_space<vmem>>
    %dma_wait3A_348 = tpu.memref_slice %arg3[%add3A_171] : memref<276480xi32, #tpu.memory_space<hbm>> -> memref<320xi32, #tpu.memory_space<hbm>>
    tpu.wait_dma2 semaphore(%arg9 : memref<!tpu.dma_semaphore, #tpu.memory_space<semaphore_mem>>) src(%dma_wait3A_348 : memref<320xi32, #tpu.memory_space<hbm>>) dst(%dma_wait3A_347 : memref<320xi32, #tpu.memory_space<vmem>>)
    %dma_wait3A_349 = arith.constant 7040 : i32
    %dma_wait3A_350 = tpu.memref_slice %arg6[%dma_wait3A_349] : memref<8640xi32, #tpu.memory_space<vmem>> -> memref<320xi32, #tpu.memory_space<vmem>>
    %dma_wait3A_351 = tpu.memref_slice %arg3[%add3A_179] : memref<276480xi32, #tpu.memory_space<hbm>> -> memref<320xi32, #tpu.memory_space<hbm>>
    %dma_wait3A_352 = arith.constant 7040 : i32
    %dma_wait3A_353 = tpu.memref_slice %arg6[%dma_wait3A_352] : memref<8640xi32, #tpu.memory_space<vmem>> -> memref<320xi32, #tpu.memory_space<vmem>>
    %dma_wait3A_354 = tpu.memref_slice %arg3[%add3A_179] : memref<276480xi32, #tpu.memory_space<hbm>> -> memref<320xi32, #tpu.memory_space<hbm>>
    tpu.wait_dma2 semaphore(%arg9 : memref<!tpu.dma_semaphore, #tpu.memory_space<semaphore_mem>>) src(%dma_wait3A_354 : memref<320xi32, #tpu.memory_space<hbm>>) dst(%dma_wait3A_353 : memref<320xi32, #tpu.memory_space<vmem>>)
    %dma_wait3A_355 = arith.constant 7360 : i32
    %dma_wait3A_356 = tpu.memref_slice %arg6[%dma_wait3A_355] : memref<8640xi32, #tpu.memory_space<vmem>> -> memref<320xi32, #tpu.memory_space<vmem>>
    %dma_wait3A_357 = tpu.memref_slice %arg3[%add3A_187] : memref<276480xi32, #tpu.memory_space<hbm>> -> memref<320xi32, #tpu.memory_space<hbm>>
    %dma_wait3A_358 = arith.constant 7360 : i32
    %dma_wait3A_359 = tpu.memref_slice %arg6[%dma_wait3A_358] : memref<8640xi32, #tpu.memory_space<vmem>> -> memref<320xi32, #tpu.memory_space<vmem>>
    %dma_wait3A_360 = tpu.memref_slice %arg3[%add3A_187] : memref<276480xi32, #tpu.memory_space<hbm>> -> memref<320xi32, #tpu.memory_space<hbm>>
    tpu.wait_dma2 semaphore(%arg9 : memref<!tpu.dma_semaphore, #tpu.memory_space<semaphore_mem>>) src(%dma_wait3A_360 : memref<320xi32, #tpu.memory_space<hbm>>) dst(%dma_wait3A_359 : memref<320xi32, #tpu.memory_space<vmem>>)
    %dma_wait3A_361 = arith.constant 7680 : i32
    %dma_wait3A_362 = tpu.memref_slice %arg6[%dma_wait3A_361] : memref<8640xi32, #tpu.memory_space<vmem>> -> memref<320xi32, #tpu.memory_space<vmem>>
    %dma_wait3A_363 = tpu.memref_slice %arg3[%add3A_195] : memref<276480xi32, #tpu.memory_space<hbm>> -> memref<320xi32, #tpu.memory_space<hbm>>
    %dma_wait3A_364 = arith.constant 7680 : i32
    %dma_wait3A_365 = tpu.memref_slice %arg6[%dma_wait3A_364] : memref<8640xi32, #tpu.memory_space<vmem>> -> memref<320xi32, #tpu.memory_space<vmem>>
    %dma_wait3A_366 = tpu.memref_slice %arg3[%add3A_195] : memref<276480xi32, #tpu.memory_space<hbm>> -> memref<320xi32, #tpu.memory_space<hbm>>
    tpu.wait_dma2 semaphore(%arg9 : memref<!tpu.dma_semaphore, #tpu.memory_space<semaphore_mem>>) src(%dma_wait3A_366 : memref<320xi32, #tpu.memory_space<hbm>>) dst(%dma_wait3A_365 : memref<320xi32, #tpu.memory_space<vmem>>)
    %dma_wait3A_367 = arith.constant 8000 : i32
    %dma_wait3A_368 = tpu.memref_slice %arg6[%dma_wait3A_367] : memref<8640xi32, #tpu.memory_space<vmem>> -> memref<320xi32, #tpu.memory_space<vmem>>
    %dma_wait3A_369 = tpu.memref_slice %arg3[%add3A_203] : memref<276480xi32, #tpu.memory_space<hbm>> -> memref<320xi32, #tpu.memory_space<hbm>>
    %dma_wait3A_370 = arith.constant 8000 : i32
    %dma_wait3A_371 = tpu.memref_slice %arg6[%dma_wait3A_370] : memref<8640xi32, #tpu.memory_space<vmem>> -> memref<320xi32, #tpu.memory_space<vmem>>
    %dma_wait3A_372 = tpu.memref_slice %arg3[%add3A_203] : memref<276480xi32, #tpu.memory_space<hbm>> -> memref<320xi32, #tpu.memory_space<hbm>>
    tpu.wait_dma2 semaphore(%arg9 : memref<!tpu.dma_semaphore, #tpu.memory_space<semaphore_mem>>) src(%dma_wait3A_372 : memref<320xi32, #tpu.memory_space<hbm>>) dst(%dma_wait3A_371 : memref<320xi32, #tpu.memory_space<vmem>>)
    %dma_wait3A_373 = arith.constant 8320 : i32
    %dma_wait3A_374 = tpu.memref_slice %arg6[%dma_wait3A_373] : memref<8640xi32, #tpu.memory_space<vmem>> -> memref<320xi32, #tpu.memory_space<vmem>>
    %dma_wait3A_375 = tpu.memref_slice %arg3[%add3A_211] : memref<276480xi32, #tpu.memory_space<hbm>> -> memref<320xi32, #tpu.memory_space<hbm>>
    %dma_wait3A_376 = arith.constant 8320 : i32
    %dma_wait3A_377 = tpu.memref_slice %arg6[%dma_wait3A_376] : memref<8640xi32, #tpu.memory_space<vmem>> -> memref<320xi32, #tpu.memory_space<vmem>>
    %dma_wait3A_378 = tpu.memref_slice %arg3[%add3A_211] : memref<276480xi32, #tpu.memory_space<hbm>> -> memref<320xi32, #tpu.memory_space<hbm>>
    tpu.wait_dma2 semaphore(%arg9 : memref<!tpu.dma_semaphore, #tpu.memory_space<semaphore_mem>>) src(%dma_wait3A_378 : memref<320xi32, #tpu.memory_space<hbm>>) dst(%dma_wait3A_377 : memref<320xi32, #tpu.memory_space<vmem>>)
    %mul3A_379 = arith.constant 632 : i32
    %mul3A_380 = arith.muli %arg1, %mul3A_379 : i32
    %add3A_381 = arith.constant 0 : i32
    %add3A_382 = arith.addi %add3A_381, %mul3A_380 : i32
    %mul3A_383 = arith.constant 632 : i32
    %mul3A_384 = arith.muli %arg1, %mul3A_383 : i32
    %dma_start3A_385 = arith.constant 0 : i32
    %dma_start3A_386 = tpu.memref_slice %arg5[%mul3A_384, %dma_start3A_385] : memref<10112x128xf32, #tpu.memory_space<vmem_shared>> -> memref<632x128xf32, #tpu.memory_space<vmem_shared>>
    %dma_start3A_387 = arith.constant 0 : i32
    %dma_start3A_388 = tpu.memref_slice %arg2[%add3A_382, %dma_start3A_387] : memref<276480x128xf32, #tpu.memory_space<hbm>> -> memref<632x128xf32, #tpu.memory_space<hbm>>
    tpu.enqueue_dma source(%dma_start3A_388 : memref<632x128xf32, #tpu.memory_space<hbm>>) target(%dma_start3A_386 : memref<632x128xf32, #tpu.memory_space<vmem_shared>>) target_semaphore(%arg9 : memref<!tpu.dma_semaphore, #tpu.memory_space<semaphore_mem>>)
    %dma_wait3A_389 = arith.constant 0 : i32
    %dma_wait3A_390 = tpu.memref_slice %arg5[%mul3A_384, %dma_wait3A_389] : memref<10112x128xf32, #tpu.memory_space<vmem_shared>> -> memref<632x128xf32, #tpu.memory_space<vmem_shared>>
    %dma_wait3A_391 = arith.constant 0 : i32
    %dma_wait3A_392 = tpu.memref_slice %arg2[%add3A_382, %dma_wait3A_391] : memref<276480x128xf32, #tpu.memory_space<hbm>> -> memref<632x128xf32, #tpu.memory_space<hbm>>
    tpu.wait_dma2 semaphore(%arg9 : memref<!tpu.dma_semaphore, #tpu.memory_space<semaphore_mem>>) src(%dma_wait3A_392 : memref<632x128xf32, #tpu.memory_space<hbm>>) dst(%dma_wait3A_390 : memref<632x128xf32, #tpu.memory_space<vmem_shared>>)
    %barrier3A = arith.constant 0 : index
    tpu.barrier barrier_id(%barrier3A)
    %dma_start3A_393 = arith.constant 0 : i32
    %dma_start3A_394 = arith.constant 0 : i32
    %dma_start3A_395 = tpu.memref_slice %arg7[%dma_start3A_393, %dma_start3A_394] : memref<320x128xf32, #tpu.memory_space<vmem>> -> memref<64x128xf32, #tpu.memory_space<vmem>>
    %dma_start3A_396 = arith.constant 0 : i32
    %dma_start3A_397 = tpu.memref_slice %arg6[%dma_start3A_396] : memref<8640xi32, #tpu.memory_space<vmem>> -> memref<64xi32, #tpu.memory_space<vmem>>
    %dma_start3A_398 = arith.constant 0 : i32
    %dma_start3A_399 = arith.constant 0 : i32
    %dma_start3A_400 = tpu.memref_slice %arg5[%dma_start3A_398, %dma_start3A_399] : memref<10112x128xf32, #tpu.memory_space<vmem_shared>> -> memref<10112x128xf32, #tpu.memory_space<vmem_shared>>
    tpu.enqueue_indirect_dma source(%dma_start3A_400 : memref<10112x128xf32, #tpu.memory_space<vmem_shared>>) target(%dma_start3A_395 : memref<64x128xf32, #tpu.memory_space<vmem>>) offsets(%dma_start3A_397 : memref<64xi32, #tpu.memory_space<vmem>>) semaphore(%arg8 : memref<!tpu.dma_semaphore, #tpu.memory_space<semaphore_mem>>)
    %dma_start3A_401 = arith.constant 64 : i32
    %dma_start3A_402 = arith.constant 0 : i32
    %dma_start3A_403 = tpu.memref_slice %arg7[%dma_start3A_401, %dma_start3A_402] : memref<320x128xf32, #tpu.memory_space<vmem>> -> memref<64x128xf32, #tpu.memory_space<vmem>>
    %dma_start3A_404 = arith.constant 64 : i32
    %dma_start3A_405 = tpu.memref_slice %arg6[%dma_start3A_404] : memref<8640xi32, #tpu.memory_space<vmem>> -> memref<64xi32, #tpu.memory_space<vmem>>
    %dma_start3A_406 = arith.constant 0 : i32
    %dma_start3A_407 = arith.constant 0 : i32
    %dma_start3A_408 = tpu.memref_slice %arg5[%dma_start3A_406, %dma_start3A_407] : memref<10112x128xf32, #tpu.memory_space<vmem_shared>> -> memref<10112x128xf32, #tpu.memory_space<vmem_shared>>
    tpu.enqueue_indirect_dma source(%dma_start3A_408 : memref<10112x128xf32, #tpu.memory_space<vmem_shared>>) target(%dma_start3A_403 : memref<64x128xf32, #tpu.memory_space<vmem>>) offsets(%dma_start3A_405 : memref<64xi32, #tpu.memory_space<vmem>>) semaphore(%arg8 : memref<!tpu.dma_semaphore, #tpu.memory_space<semaphore_mem>>)
    %dma_start3A_409 = arith.constant 128 : i32
    %dma_start3A_410 = arith.constant 0 : i32
    %dma_start3A_411 = tpu.memref_slice %arg7[%dma_start3A_409, %dma_start3A_410] : memref<320x128xf32, #tpu.memory_space<vmem>> -> memref<64x128xf32, #tpu.memory_space<vmem>>
    %dma_start3A_412 = arith.constant 128 : i32
    %dma_start3A_413 = tpu.memref_slice %arg6[%dma_start3A_412] : memref<8640xi32, #tpu.memory_space<vmem>> -> memref<64xi32, #tpu.memory_space<vmem>>
    %dma_start3A_414 = arith.constant 0 : i32
    %dma_start3A_415 = arith.constant 0 : i32
    %dma_start3A_416 = tpu.memref_slice %arg5[%dma_start3A_414, %dma_start3A_415] : memref<10112x128xf32, #tpu.memory_space<vmem_shared>> -> memref<10112x128xf32, #tpu.memory_space<vmem_shared>>
    tpu.enqueue_indirect_dma source(%dma_start3A_416 : memref<10112x128xf32, #tpu.memory_space<vmem_shared>>) target(%dma_start3A_411 : memref<64x128xf32, #tpu.memory_space<vmem>>) offsets(%dma_start3A_413 : memref<64xi32, #tpu.memory_space<vmem>>) semaphore(%arg8 : memref<!tpu.dma_semaphore, #tpu.memory_space<semaphore_mem>>)
    %dma_start3A_417 = arith.constant 192 : i32
    %dma_start3A_418 = arith.constant 0 : i32
    %dma_start3A_419 = tpu.memref_slice %arg7[%dma_start3A_417, %dma_start3A_418] : memref<320x128xf32, #tpu.memory_space<vmem>> -> memref<64x128xf32, #tpu.memory_space<vmem>>
    %dma_start3A_420 = arith.constant 192 : i32
    %dma_start3A_421 = tpu.memref_slice %arg6[%dma_start3A_420] : memref<8640xi32, #tpu.memory_space<vmem>> -> memref<64xi32, #tpu.memory_space<vmem>>
    %dma_start3A_422 = arith.constant 0 : i32
    %dma_start3A_423 = arith.constant 0 : i32
    %dma_start3A_424 = tpu.memref_slice %arg5[%dma_start3A_422, %dma_start3A_423] : memref<10112x128xf32, #tpu.memory_space<vmem_shared>> -> memref<10112x128xf32, #tpu.memory_space<vmem_shared>>
    tpu.enqueue_indirect_dma source(%dma_start3A_424 : memref<10112x128xf32, #tpu.memory_space<vmem_shared>>) target(%dma_start3A_419 : memref<64x128xf32, #tpu.memory_space<vmem>>) offsets(%dma_start3A_421 : memref<64xi32, #tpu.memory_space<vmem>>) semaphore(%arg8 : memref<!tpu.dma_semaphore, #tpu.memory_space<semaphore_mem>>)
    %dma_start3A_425 = arith.constant 256 : i32
    %dma_start3A_426 = arith.constant 0 : i32
    %dma_start3A_427 = tpu.memref_slice %arg7[%dma_start3A_425, %dma_start3A_426] : memref<320x128xf32, #tpu.memory_space<vmem>> -> memref<64x128xf32, #tpu.memory_space<vmem>>
    %dma_start3A_428 = arith.constant 256 : i32
    %dma_start3A_429 = tpu.memref_slice %arg6[%dma_start3A_428] : memref<8640xi32, #tpu.memory_space<vmem>> -> memref<64xi32, #tpu.memory_space<vmem>>
    %dma_start3A_430 = arith.constant 0 : i32
    %dma_start3A_431 = arith.constant 0 : i32
    %dma_start3A_432 = tpu.memref_slice %arg5[%dma_start3A_430, %dma_start3A_431] : memref<10112x128xf32, #tpu.memory_space<vmem_shared>> -> memref<10112x128xf32, #tpu.memory_space<vmem_shared>>
    tpu.enqueue_indirect_dma source(%dma_start3A_432 : memref<10112x128xf32, #tpu.memory_space<vmem_shared>>) target(%dma_start3A_427 : memref<64x128xf32, #tpu.memory_space<vmem>>) offsets(%dma_start3A_429 : memref<64xi32, #tpu.memory_space<vmem>>) semaphore(%arg8 : memref<!tpu.dma_semaphore, #tpu.memory_space<semaphore_mem>>)
    %dma_wait3A_433 = arith.constant 0 : i32
    %dma_wait3A_434 = arith.constant 0 : i32
    %dma_wait3A_435 = tpu.memref_slice %arg7[%dma_wait3A_433, %dma_wait3A_434] : memref<320x128xf32, #tpu.memory_space<vmem>> -> memref<64x128xf32, #tpu.memory_space<vmem>>
    %dma_wait3A_436 = arith.constant 0 : i32
    %dma_wait3A_437 = tpu.memref_slice %arg6[%dma_wait3A_436] : memref<8640xi32, #tpu.memory_space<vmem>> -> memref<64xi32, #tpu.memory_space<vmem>>
    %dma_wait3A_438 = arith.constant 0 : i32
    %dma_wait3A_439 = arith.constant 0 : i32
    %dma_wait3A_440 = tpu.memref_slice %arg5[%dma_wait3A_438, %dma_wait3A_439] : memref<10112x128xf32, #tpu.memory_space<vmem_shared>> -> memref<10112x128xf32, #tpu.memory_space<vmem_shared>>
    tpu.wait_indirect_dma semaphore(%arg8 : memref<!tpu.dma_semaphore, #tpu.memory_space<semaphore_mem>>) src(%dma_wait3A_440 : memref<10112x128xf32, #tpu.memory_space<vmem_shared>>) dst(%dma_wait3A_435 : memref<64x128xf32, #tpu.memory_space<vmem>>)
    %dma_wait3A_441 = arith.constant 64 : i32
    %dma_wait3A_442 = arith.constant 0 : i32
    %dma_wait3A_443 = tpu.memref_slice %arg7[%dma_wait3A_441, %dma_wait3A_442] : memref<320x128xf32, #tpu.memory_space<vmem>> -> memref<64x128xf32, #tpu.memory_space<vmem>>
    %dma_wait3A_444 = arith.constant 64 : i32
    %dma_wait3A_445 = tpu.memref_slice %arg6[%dma_wait3A_444] : memref<8640xi32, #tpu.memory_space<vmem>> -> memref<64xi32, #tpu.memory_space<vmem>>
    %dma_wait3A_446 = arith.constant 0 : i32
    %dma_wait3A_447 = arith.constant 0 : i32
    %dma_wait3A_448 = tpu.memref_slice %arg5[%dma_wait3A_446, %dma_wait3A_447] : memref<10112x128xf32, #tpu.memory_space<vmem_shared>> -> memref<10112x128xf32, #tpu.memory_space<vmem_shared>>
    tpu.wait_indirect_dma semaphore(%arg8 : memref<!tpu.dma_semaphore, #tpu.memory_space<semaphore_mem>>) src(%dma_wait3A_448 : memref<10112x128xf32, #tpu.memory_space<vmem_shared>>) dst(%dma_wait3A_443 : memref<64x128xf32, #tpu.memory_space<vmem>>)
    %dma_wait3A_449 = arith.constant 128 : i32
    %dma_wait3A_450 = arith.constant 0 : i32
    %dma_wait3A_451 = tpu.memref_slice %arg7[%dma_wait3A_449, %dma_wait3A_450] : memref<320x128xf32, #tpu.memory_space<vmem>> -> memref<64x128xf32, #tpu.memory_space<vmem>>
    %dma_wait3A_452 = arith.constant 128 : i32
    %dma_wait3A_453 = tpu.memref_slice %arg6[%dma_wait3A_452] : memref<8640xi32, #tpu.memory_space<vmem>> -> memref<64xi32, #tpu.memory_space<vmem>>
    %dma_wait3A_454 = arith.constant 0 : i32
    %dma_wait3A_455 = arith.constant 0 : i32
    %dma_wait3A_456 = tpu.memref_slice %arg5[%dma_wait3A_454, %dma_wait3A_455] : memref<10112x128xf32, #tpu.memory_space<vmem_shared>> -> memref<10112x128xf32, #tpu.memory_space<vmem_shared>>
    tpu.wait_indirect_dma semaphore(%arg8 : memref<!tpu.dma_semaphore, #tpu.memory_space<semaphore_mem>>) src(%dma_wait3A_456 : memref<10112x128xf32, #tpu.memory_space<vmem_shared>>) dst(%dma_wait3A_451 : memref<64x128xf32, #tpu.memory_space<vmem>>)
    %dma_wait3A_457 = arith.constant 192 : i32
    %dma_wait3A_458 = arith.constant 0 : i32
    %dma_wait3A_459 = tpu.memref_slice %arg7[%dma_wait3A_457, %dma_wait3A_458] : memref<320x128xf32, #tpu.memory_space<vmem>> -> memref<64x128xf32, #tpu.memory_space<vmem>>
    %dma_wait3A_460 = arith.constant 192 : i32
    %dma_wait3A_461 = tpu.memref_slice %arg6[%dma_wait3A_460] : memref<8640xi32, #tpu.memory_space<vmem>> -> memref<64xi32, #tpu.memory_space<vmem>>
    %dma_wait3A_462 = arith.constant 0 : i32
    %dma_wait3A_463 = arith.constant 0 : i32
    %dma_wait3A_464 = tpu.memref_slice %arg5[%dma_wait3A_462, %dma_wait3A_463] : memref<10112x128xf32, #tpu.memory_space<vmem_shared>> -> memref<10112x128xf32, #tpu.memory_space<vmem_shared>>
    tpu.wait_indirect_dma semaphore(%arg8 : memref<!tpu.dma_semaphore, #tpu.memory_space<semaphore_mem>>) src(%dma_wait3A_464 : memref<10112x128xf32, #tpu.memory_space<vmem_shared>>) dst(%dma_wait3A_459 : memref<64x128xf32, #tpu.memory_space<vmem>>)
    %dma_wait3A_465 = arith.constant 256 : i32
    %dma_wait3A_466 = arith.constant 0 : i32
    %dma_wait3A_467 = tpu.memref_slice %arg7[%dma_wait3A_465, %dma_wait3A_466] : memref<320x128xf32, #tpu.memory_space<vmem>> -> memref<64x128xf32, #tpu.memory_space<vmem>>
    %dma_wait3A_468 = arith.constant 256 : i32
    %dma_wait3A_469 = tpu.memref_slice %arg6[%dma_wait3A_468] : memref<8640xi32, #tpu.memory_space<vmem>> -> memref<64xi32, #tpu.memory_space<vmem>>
    %dma_wait3A_470 = arith.constant 0 : i32
    %dma_wait3A_471 = arith.constant 0 : i32
    %dma_wait3A_472 = tpu.memref_slice %arg5[%dma_wait3A_470, %dma_wait3A_471] : memref<10112x128xf32, #tpu.memory_space<vmem_shared>> -> memref<10112x128xf32, #tpu.memory_space<vmem_shared>>
    tpu.wait_indirect_dma semaphore(%arg8 : memref<!tpu.dma_semaphore, #tpu.memory_space<semaphore_mem>>) src(%dma_wait3A_472 : memref<10112x128xf32, #tpu.memory_space<vmem_shared>>) dst(%dma_wait3A_467 : memref<64x128xf32, #tpu.memory_space<vmem>>)
    %barrier3A_473 = arith.constant 0 : index
    tpu.barrier barrier_id(%barrier3A_473)
    %scan3A = arith.constant 1 : i32
    %scan3A_474 = arith.constant 26 : i32
    %scan3A_475 = arith.addi %scan3A, %scan3A_474 : i32
    %scan3A_476 = arith.constant 1 : i32
    scf.for %scan3A_478 = %scan3A to %scan3A_475 step %scan3A_476  : i32 {
      %mul3A_479 = arith.constant 10240 : i32
      %mul3A_480 = arith.muli %scan3A_478, %mul3A_479 : i32
      %mul3A_481 = arith.constant 632 : i32
      %mul3A_482 = arith.muli %arg1, %mul3A_481 : i32
      %add3A_483 = arith.addi %mul3A_480, %mul3A_482 : i32
      %mul3A_484 = arith.constant 632 : i32
      %mul3A_485 = arith.muli %arg1, %mul3A_484 : i32
      %dma_start3A_486 = arith.constant 0 : i32
      %dma_start3A_487 = tpu.memref_slice %arg5[%mul3A_485, %dma_start3A_486] : memref<10112x128xf32, #tpu.memory_space<vmem_shared>> -> memref<632x128xf32, #tpu.memory_space<vmem_shared>>
      %dma_start3A_488 = arith.constant 0 : i32
      %dma_start3A_489 = tpu.memref_slice %arg2[%add3A_483, %dma_start3A_488] : memref<276480x128xf32, #tpu.memory_space<hbm>> -> memref<632x128xf32, #tpu.memory_space<hbm>>
      tpu.enqueue_dma source(%dma_start3A_489 : memref<632x128xf32, #tpu.memory_space<hbm>>) target(%dma_start3A_487 : memref<632x128xf32, #tpu.memory_space<vmem_shared>>) target_semaphore(%arg9 : memref<!tpu.dma_semaphore, #tpu.memory_space<semaphore_mem>>)
      %dma_wait3A_490 = arith.constant 0 : i32
      %dma_wait3A_491 = tpu.memref_slice %arg5[%mul3A_485, %dma_wait3A_490] : memref<10112x128xf32, #tpu.memory_space<vmem_shared>> -> memref<632x128xf32, #tpu.memory_space<vmem_shared>>
      %dma_wait3A_492 = arith.constant 0 : i32
      %dma_wait3A_493 = tpu.memref_slice %arg2[%add3A_483, %dma_wait3A_492] : memref<276480x128xf32, #tpu.memory_space<hbm>> -> memref<632x128xf32, #tpu.memory_space<hbm>>
      tpu.wait_dma2 semaphore(%arg9 : memref<!tpu.dma_semaphore, #tpu.memory_space<semaphore_mem>>) src(%dma_wait3A_493 : memref<632x128xf32, #tpu.memory_space<hbm>>) dst(%dma_wait3A_491 : memref<632x128xf32, #tpu.memory_space<vmem_shared>>)
      %barrier3A_494 = arith.constant 0 : index
      tpu.barrier barrier_id(%barrier3A_494)
      %mul3A_495 = arith.constant 320 : i32
      %mul3A_496 = arith.muli %scan3A_478, %mul3A_495 : i32
      %add3A_497 = arith.constant 0 : i32
      %add3A_498 = arith.addi %mul3A_496, %add3A_497 : i32
      %dma_start3A_499 = arith.constant 0 : i32
      %dma_start3A_500 = arith.constant 0 : i32
      %dma_start3A_501 = tpu.memref_slice %arg7[%dma_start3A_499, %dma_start3A_500] : memref<320x128xf32, #tpu.memory_space<vmem>> -> memref<64x128xf32, #tpu.memory_space<vmem>>
      %dma_start3A_502 = tpu.memref_slice %arg6[%add3A_498] : memref<8640xi32, #tpu.memory_space<vmem>> -> memref<64xi32, #tpu.memory_space<vmem>>
      %dma_start3A_503 = arith.constant 0 : i32
      %dma_start3A_504 = arith.constant 0 : i32
      %dma_start3A_505 = tpu.memref_slice %arg5[%dma_start3A_503, %dma_start3A_504] : memref<10112x128xf32, #tpu.memory_space<vmem_shared>> -> memref<10112x128xf32, #tpu.memory_space<vmem_shared>>
      tpu.enqueue_indirect_dma source(%dma_start3A_505 : memref<10112x128xf32, #tpu.memory_space<vmem_shared>>) target(%dma_start3A_501 : memref<64x128xf32, #tpu.memory_space<vmem>>) offsets(%dma_start3A_502 : memref<64xi32, #tpu.memory_space<vmem>>) semaphore(%arg8 : memref<!tpu.dma_semaphore, #tpu.memory_space<semaphore_mem>>) {add = true}
      %mul3A_506 = arith.constant 320 : i32
      %mul3A_507 = arith.muli %scan3A_478, %mul3A_506 : i32
      %add3A_508 = arith.constant 64 : i32
      %add3A_509 = arith.addi %mul3A_507, %add3A_508 : i32
      %dma_start3A_510 = arith.constant 64 : i32
      %dma_start3A_511 = arith.constant 0 : i32
      %dma_start3A_512 = tpu.memref_slice %arg7[%dma_start3A_510, %dma_start3A_511] : memref<320x128xf32, #tpu.memory_space<vmem>> -> memref<64x128xf32, #tpu.memory_space<vmem>>
      %dma_start3A_513 = tpu.memref_slice %arg6[%add3A_509] : memref<8640xi32, #tpu.memory_space<vmem>> -> memref<64xi32, #tpu.memory_space<vmem>>
      %dma_start3A_514 = arith.constant 0 : i32
      %dma_start3A_515 = arith.constant 0 : i32
      %dma_start3A_516 = tpu.memref_slice %arg5[%dma_start3A_514, %dma_start3A_515] : memref<10112x128xf32, #tpu.memory_space<vmem_shared>> -> memref<10112x128xf32, #tpu.memory_space<vmem_shared>>
      tpu.enqueue_indirect_dma source(%dma_start3A_516 : memref<10112x128xf32, #tpu.memory_space<vmem_shared>>) target(%dma_start3A_512 : memref<64x128xf32, #tpu.memory_space<vmem>>) offsets(%dma_start3A_513 : memref<64xi32, #tpu.memory_space<vmem>>) semaphore(%arg8 : memref<!tpu.dma_semaphore, #tpu.memory_space<semaphore_mem>>) {add = true}
      %mul3A_517 = arith.constant 320 : i32
      %mul3A_518 = arith.muli %scan3A_478, %mul3A_517 : i32
      %add3A_519 = arith.constant 128 : i32
      %add3A_520 = arith.addi %mul3A_518, %add3A_519 : i32
      %dma_start3A_521 = arith.constant 128 : i32
      %dma_start3A_522 = arith.constant 0 : i32
      %dma_start3A_523 = tpu.memref_slice %arg7[%dma_start3A_521, %dma_start3A_522] : memref<320x128xf32, #tpu.memory_space<vmem>> -> memref<64x128xf32, #tpu.memory_space<vmem>>
      %dma_start3A_524 = tpu.memref_slice %arg6[%add3A_520] : memref<8640xi32, #tpu.memory_space<vmem>> -> memref<64xi32, #tpu.memory_space<vmem>>
      %dma_start3A_525 = arith.constant 0 : i32
      %dma_start3A_526 = arith.constant 0 : i32
      %dma_start3A_527 = tpu.memref_slice %arg5[%dma_start3A_525, %dma_start3A_526] : memref<10112x128xf32, #tpu.memory_space<vmem_shared>> -> memref<10112x128xf32, #tpu.memory_space<vmem_shared>>
      tpu.enqueue_indirect_dma source(%dma_start3A_527 : memref<10112x128xf32, #tpu.memory_space<vmem_shared>>) target(%dma_start3A_523 : memref<64x128xf32, #tpu.memory_space<vmem>>) offsets(%dma_start3A_524 : memref<64xi32, #tpu.memory_space<vmem>>) semaphore(%arg8 : memref<!tpu.dma_semaphore, #tpu.memory_space<semaphore_mem>>) {add = true}
      %mul3A_528 = arith.constant 320 : i32
      %mul3A_529 = arith.muli %scan3A_478, %mul3A_528 : i32
      %add3A_530 = arith.constant 192 : i32
      %add3A_531 = arith.addi %mul3A_529, %add3A_530 : i32
      %dma_start3A_532 = arith.constant 192 : i32
      %dma_start3A_533 = arith.constant 0 : i32
      %dma_start3A_534 = tpu.memref_slice %arg7[%dma_start3A_532, %dma_start3A_533] : memref<320x128xf32, #tpu.memory_space<vmem>> -> memref<64x128xf32, #tpu.memory_space<vmem>>
      %dma_start3A_535 = tpu.memref_slice %arg6[%add3A_531] : memref<8640xi32, #tpu.memory_space<vmem>> -> memref<64xi32, #tpu.memory_space<vmem>>
      %dma_start3A_536 = arith.constant 0 : i32
      %dma_start3A_537 = arith.constant 0 : i32
      %dma_start3A_538 = tpu.memref_slice %arg5[%dma_start3A_536, %dma_start3A_537] : memref<10112x128xf32, #tpu.memory_space<vmem_shared>> -> memref<10112x128xf32, #tpu.memory_space<vmem_shared>>
      tpu.enqueue_indirect_dma source(%dma_start3A_538 : memref<10112x128xf32, #tpu.memory_space<vmem_shared>>) target(%dma_start3A_534 : memref<64x128xf32, #tpu.memory_space<vmem>>) offsets(%dma_start3A_535 : memref<64xi32, #tpu.memory_space<vmem>>) semaphore(%arg8 : memref<!tpu.dma_semaphore, #tpu.memory_space<semaphore_mem>>) {add = true}
      %mul3A_539 = arith.constant 320 : i32
      %mul3A_540 = arith.muli %scan3A_478, %mul3A_539 : i32
      %add3A_541 = arith.constant 256 : i32
      %add3A_542 = arith.addi %mul3A_540, %add3A_541 : i32
      %dma_start3A_543 = arith.constant 256 : i32
      %dma_start3A_544 = arith.constant 0 : i32
      %dma_start3A_545 = tpu.memref_slice %arg7[%dma_start3A_543, %dma_start3A_544] : memref<320x128xf32, #tpu.memory_space<vmem>> -> memref<64x128xf32, #tpu.memory_space<vmem>>
      %dma_start3A_546 = tpu.memref_slice %arg6[%add3A_542] : memref<8640xi32, #tpu.memory_space<vmem>> -> memref<64xi32, #tpu.memory_space<vmem>>
      %dma_start3A_547 = arith.constant 0 : i32
      %dma_start3A_548 = arith.constant 0 : i32
      %dma_start3A_549 = tpu.memref_slice %arg5[%dma_start3A_547, %dma_start3A_548] : memref<10112x128xf32, #tpu.memory_space<vmem_shared>> -> memref<10112x128xf32, #tpu.memory_space<vmem_shared>>
      tpu.enqueue_indirect_dma source(%dma_start3A_549 : memref<10112x128xf32, #tpu.memory_space<vmem_shared>>) target(%dma_start3A_545 : memref<64x128xf32, #tpu.memory_space<vmem>>) offsets(%dma_start3A_546 : memref<64xi32, #tpu.memory_space<vmem>>) semaphore(%arg8 : memref<!tpu.dma_semaphore, #tpu.memory_space<semaphore_mem>>) {add = true}
      %dma_wait3A_550 = arith.constant 0 : i32
      %dma_wait3A_551 = arith.constant 0 : i32
      %dma_wait3A_552 = tpu.memref_slice %arg7[%dma_wait3A_550, %dma_wait3A_551] : memref<320x128xf32, #tpu.memory_space<vmem>> -> memref<64x128xf32, #tpu.memory_space<vmem>>
      %dma_wait3A_553 = tpu.memref_slice %arg6[%add3A_498] : memref<8640xi32, #tpu.memory_space<vmem>> -> memref<64xi32, #tpu.memory_space<vmem>>
      %dma_wait3A_554 = arith.constant 0 : i32
      %dma_wait3A_555 = arith.constant 0 : i32
      %dma_wait3A_556 = tpu.memref_slice %arg5[%dma_wait3A_554, %dma_wait3A_555] : memref<10112x128xf32, #tpu.memory_space<vmem_shared>> -> memref<10112x128xf32, #tpu.memory_space<vmem_shared>>
      tpu.wait_indirect_dma semaphore(%arg8 : memref<!tpu.dma_semaphore, #tpu.memory_space<semaphore_mem>>) src(%dma_wait3A_556 : memref<10112x128xf32, #tpu.memory_space<vmem_shared>>) dst(%dma_wait3A_552 : memref<64x128xf32, #tpu.memory_space<vmem>>)
      %dma_wait3A_557 = arith.constant 64 : i32
      %dma_wait3A_558 = arith.constant 0 : i32
      %dma_wait3A_559 = tpu.memref_slice %arg7[%dma_wait3A_557, %dma_wait3A_558] : memref<320x128xf32, #tpu.memory_space<vmem>> -> memref<64x128xf32, #tpu.memory_space<vmem>>
      %dma_wait3A_560 = tpu.memref_slice %arg6[%add3A_509] : memref<8640xi32, #tpu.memory_space<vmem>> -> memref<64xi32, #tpu.memory_space<vmem>>
      %dma_wait3A_561 = arith.constant 0 : i32
      %dma_wait3A_562 = arith.constant 0 : i32
      %dma_wait3A_563 = tpu.memref_slice %arg5[%dma_wait3A_561, %dma_wait3A_562] : memref<10112x128xf32, #tpu.memory_space<vmem_shared>> -> memref<10112x128xf32, #tpu.memory_space<vmem_shared>>
      tpu.wait_indirect_dma semaphore(%arg8 : memref<!tpu.dma_semaphore, #tpu.memory_space<semaphore_mem>>) src(%dma_wait3A_563 : memref<10112x128xf32, #tpu.memory_space<vmem_shared>>) dst(%dma_wait3A_559 : memref<64x128xf32, #tpu.memory_space<vmem>>)
      %dma_wait3A_564 = arith.constant 128 : i32
      %dma_wait3A_565 = arith.constant 0 : i32
      %dma_wait3A_566 = tpu.memref_slice %arg7[%dma_wait3A_564, %dma_wait3A_565] : memref<320x128xf32, #tpu.memory_space<vmem>> -> memref<64x128xf32, #tpu.memory_space<vmem>>
      %dma_wait3A_567 = tpu.memref_slice %arg6[%add3A_520] : memref<8640xi32, #tpu.memory_space<vmem>> -> memref<64xi32, #tpu.memory_space<vmem>>
      %dma_wait3A_568 = arith.constant 0 : i32
      %dma_wait3A_569 = arith.constant 0 : i32
      %dma_wait3A_570 = tpu.memref_slice %arg5[%dma_wait3A_568, %dma_wait3A_569] : memref<10112x128xf32, #tpu.memory_space<vmem_shared>> -> memref<10112x128xf32, #tpu.memory_space<vmem_shared>>
      tpu.wait_indirect_dma semaphore(%arg8 : memref<!tpu.dma_semaphore, #tpu.memory_space<semaphore_mem>>) src(%dma_wait3A_570 : memref<10112x128xf32, #tpu.memory_space<vmem_shared>>) dst(%dma_wait3A_566 : memref<64x128xf32, #tpu.memory_space<vmem>>)
      %dma_wait3A_571 = arith.constant 192 : i32
      %dma_wait3A_572 = arith.constant 0 : i32
      %dma_wait3A_573 = tpu.memref_slice %arg7[%dma_wait3A_571, %dma_wait3A_572] : memref<320x128xf32, #tpu.memory_space<vmem>> -> memref<64x128xf32, #tpu.memory_space<vmem>>
      %dma_wait3A_574 = tpu.memref_slice %arg6[%add3A_531] : memref<8640xi32, #tpu.memory_space<vmem>> -> memref<64xi32, #tpu.memory_space<vmem>>
      %dma_wait3A_575 = arith.constant 0 : i32
      %dma_wait3A_576 = arith.constant 0 : i32
      %dma_wait3A_577 = tpu.memref_slice %arg5[%dma_wait3A_575, %dma_wait3A_576] : memref<10112x128xf32, #tpu.memory_space<vmem_shared>> -> memref<10112x128xf32, #tpu.memory_space<vmem_shared>>
      tpu.wait_indirect_dma semaphore(%arg8 : memref<!tpu.dma_semaphore, #tpu.memory_space<semaphore_mem>>) src(%dma_wait3A_577 : memref<10112x128xf32, #tpu.memory_space<vmem_shared>>) dst(%dma_wait3A_573 : memref<64x128xf32, #tpu.memory_space<vmem>>)
      %dma_wait3A_578 = arith.constant 256 : i32
      %dma_wait3A_579 = arith.constant 0 : i32
      %dma_wait3A_580 = tpu.memref_slice %arg7[%dma_wait3A_578, %dma_wait3A_579] : memref<320x128xf32, #tpu.memory_space<vmem>> -> memref<64x128xf32, #tpu.memory_space<vmem>>
      %dma_wait3A_581 = tpu.memref_slice %arg6[%add3A_542] : memref<8640xi32, #tpu.memory_space<vmem>> -> memref<64xi32, #tpu.memory_space<vmem>>
      %dma_wait3A_582 = arith.constant 0 : i32
      %dma_wait3A_583 = arith.constant 0 : i32
      %dma_wait3A_584 = tpu.memref_slice %arg5[%dma_wait3A_582, %dma_wait3A_583] : memref<10112x128xf32, #tpu.memory_space<vmem_shared>> -> memref<10112x128xf32, #tpu.memory_space<vmem_shared>>
      tpu.wait_indirect_dma semaphore(%arg8 : memref<!tpu.dma_semaphore, #tpu.memory_space<semaphore_mem>>) src(%dma_wait3A_584 : memref<10112x128xf32, #tpu.memory_space<vmem_shared>>) dst(%dma_wait3A_580 : memref<64x128xf32, #tpu.memory_space<vmem>>)
      %barrier3A_585 = arith.constant 0 : index
      tpu.barrier barrier_id(%barrier3A_585)
    }
    %scan3A_477 = arith.constant 26 : i32
    "tpu.region"() ({
      %run_scoped3A = tpu.sem_alloc : memref<!tpu.dma_semaphore, #tpu.memory_space<semaphore_mem>>
      %dma_start3A_478 = arith.constant 0 : i32
      %dma_start3A_479 = tpu.memref_slice %arg4[%mul3A_2, %dma_start3A_478] : memref<10240x128xf32, #tpu.memory_space<hbm>> -> memref<320x128xf32, #tpu.memory_space<hbm>>
      %dma_start3A_480 = arith.constant 0 : i32
      %dma_start3A_481 = tpu.memref_slice %arg4[%mul3A_2, %dma_start3A_480] : memref<10240x128xf32, #tpu.memory_space<hbm>> -> memref<320x128xf32, #tpu.memory_space<hbm>>
      tpu.enqueue_dma source(%arg7 : memref<320x128xf32, #tpu.memory_space<vmem>>) target(%dma_start3A_481 : memref<320x128xf32, #tpu.memory_space<hbm>>) target_semaphore(%run_scoped3A : memref<!tpu.dma_semaphore, #tpu.memory_space<semaphore_mem>>)
      %dma_wait3A_482 = arith.constant 0 : i32
      %dma_wait3A_483 = tpu.memref_slice %arg4[%mul3A_2, %dma_wait3A_482] : memref<10240x128xf32, #tpu.memory_space<hbm>> -> memref<320x128xf32, #tpu.memory_space<hbm>>
      %dma_wait3A_484 = arith.constant 0 : i32
      %dma_wait3A_485 = tpu.memref_slice %arg4[%mul3A_2, %dma_wait3A_484] : memref<10240x128xf32, #tpu.memory_space<hbm>> -> memref<320x128xf32, #tpu.memory_space<hbm>>
      tpu.wait_dma2 semaphore(%run_scoped3A : memref<!tpu.dma_semaphore, #tpu.memory_space<semaphore_mem>>) src(%arg7 : memref<320x128xf32, #tpu.memory_space<vmem>>) dst(%dma_wait3A_485 : memref<320x128xf32, #tpu.memory_space<hbm>>)
      tpu.yield
    }) : () -> ()
    return
  }
}

#map = affine_map<(d0, d1) -> (0, 0)>
#map1 = affine_map<(d0, d1) -> (0)>
module attributes {stable_mosaic.version = 14 : i64} {
  func.func @_sc_body(%arg0: i32, %arg1: i32, %arg2: memref<276480x128xf32, #tpu.memory_space<hbm>>, %arg3: memref<276480xi32, #tpu.memory_space<hbm>>, %arg4: memref<10240x128xf32, #tpu.memory_space<hbm>>, %arg5: memref<10112x128xf32, #tpu.memory_space<vmem_shared>>, %arg6: memref<8640xi32, #tpu.memory_space<vmem>>, %arg7: memref<320x128xf32, #tpu.memory_space<vmem>>, %arg8: memref<!tpu.dma_semaphore, #tpu.memory_space<semaphore_mem>>, %arg9: memref<!tpu.dma_semaphore, #tpu.memory_space<semaphore_mem>>) attributes {dimension_semantics = [#tpu.dimension_semantics<core_parallel>, #tpu.dimension_semantics<subcore_parallel>], iteration_bounds = array<i64: 2, 16>, scalar_prefetch = 0 : i64, scratch_operands = 5 : i64, tpu.core_type = #tpu.core_type<sc_vector_subcore>, window_params = [{transform_indices = #map}, {transform_indices = #map1}, {transform_indices = #map}]} {
    %mul3A = arith.constant 2 : i32
    %mul3A_0 = arith.muli %arg1, %mul3A : i32
    %add3A = arith.addi %mul3A_0, %arg0 : i32
    %mul3A_1 = arith.constant 320 : i32
    %mul3A_2 = arith.muli %add3A, %mul3A_1 : i32
    %add3A_3 = arith.constant 0 : i32
    %add3A_4 = arith.addi %add3A_3, %mul3A_2 : i32
    %dma_start3A = arith.constant 0 : i32
    %dma_start3A_5 = tpu.memref_slice %arg6[%dma_start3A] : memref<8640xi32, #tpu.memory_space<vmem>> -> memref<320xi32, #tpu.memory_space<vmem>>
    %dma_start3A_6 = tpu.memref_slice %arg3[%add3A_4] : memref<276480xi32, #tpu.memory_space<hbm>> -> memref<320xi32, #tpu.memory_space<hbm>>
    %dma_start3A_7 = arith.constant 0 : i32
    %dma_start3A_8 = tpu.memref_slice %arg6[%dma_start3A_7] : memref<8640xi32, #tpu.memory_space<vmem>> -> memref<320xi32, #tpu.memory_space<vmem>>
    %dma_start3A_9 = tpu.memref_slice %arg3[%add3A_4] : memref<276480xi32, #tpu.memory_space<hbm>> -> memref<320xi32, #tpu.memory_space<hbm>>
    tpu.enqueue_dma source(%dma_start3A_9 : memref<320xi32, #tpu.memory_space<hbm>>) target(%dma_start3A_8 : memref<320xi32, #tpu.memory_space<vmem>>) target_semaphore(%arg9 : memref<!tpu.dma_semaphore, #tpu.memory_space<semaphore_mem>>)
    %add3A_10 = arith.constant 10240 : i32
    %add3A_11 = arith.addi %add3A_10, %mul3A_2 : i32
    %dma_start3A_12 = arith.constant 320 : i32
    %dma_start3A_13 = tpu.memref_slice %arg6[%dma_start3A_12] : memref<8640xi32, #tpu.memory_space<vmem>> -> memref<320xi32, #tpu.memory_space<vmem>>
    %dma_start3A_14 = tpu.memref_slice %arg3[%add3A_11] : memref<276480xi32, #tpu.memory_space<hbm>> -> memref<320xi32, #tpu.memory_space<hbm>>
    %dma_start3A_15 = arith.constant 320 : i32
    %dma_start3A_16 = tpu.memref_slice %arg6[%dma_start3A_15] : memref<8640xi32, #tpu.memory_space<vmem>> -> memref<320xi32, #tpu.memory_space<vmem>>
    %dma_start3A_17 = tpu.memref_slice %arg3[%add3A_11] : memref<276480xi32, #tpu.memory_space<hbm>> -> memref<320xi32, #tpu.memory_space<hbm>>
    tpu.enqueue_dma source(%dma_start3A_17 : memref<320xi32, #tpu.memory_space<hbm>>) target(%dma_start3A_16 : memref<320xi32, #tpu.memory_space<vmem>>) target_semaphore(%arg9 : memref<!tpu.dma_semaphore, #tpu.memory_space<semaphore_mem>>)
    %add3A_18 = arith.constant 20480 : i32
    %add3A_19 = arith.addi %add3A_18, %mul3A_2 : i32
    %dma_start3A_20 = arith.constant 640 : i32
    %dma_start3A_21 = tpu.memref_slice %arg6[%dma_start3A_20] : memref<8640xi32, #tpu.memory_space<vmem>> -> memref<320xi32, #tpu.memory_space<vmem>>
    %dma_start3A_22 = tpu.memref_slice %arg3[%add3A_19] : memref<276480xi32, #tpu.memory_space<hbm>> -> memref<320xi32, #tpu.memory_space<hbm>>
    %dma_start3A_23 = arith.constant 640 : i32
    %dma_start3A_24 = tpu.memref_slice %arg6[%dma_start3A_23] : memref<8640xi32, #tpu.memory_space<vmem>> -> memref<320xi32, #tpu.memory_space<vmem>>
    %dma_start3A_25 = tpu.memref_slice %arg3[%add3A_19] : memref<276480xi32, #tpu.memory_space<hbm>> -> memref<320xi32, #tpu.memory_space<hbm>>
    tpu.enqueue_dma source(%dma_start3A_25 : memref<320xi32, #tpu.memory_space<hbm>>) target(%dma_start3A_24 : memref<320xi32, #tpu.memory_space<vmem>>) target_semaphore(%arg9 : memref<!tpu.dma_semaphore, #tpu.memory_space<semaphore_mem>>)
    %add3A_26 = arith.constant 30720 : i32
    %add3A_27 = arith.addi %add3A_26, %mul3A_2 : i32
    %dma_start3A_28 = arith.constant 960 : i32
    %dma_start3A_29 = tpu.memref_slice %arg6[%dma_start3A_28] : memref<8640xi32, #tpu.memory_space<vmem>> -> memref<320xi32, #tpu.memory_space<vmem>>
    %dma_start3A_30 = tpu.memref_slice %arg3[%add3A_27] : memref<276480xi32, #tpu.memory_space<hbm>> -> memref<320xi32, #tpu.memory_space<hbm>>
    %dma_start3A_31 = arith.constant 960 : i32
    %dma_start3A_32 = tpu.memref_slice %arg6[%dma_start3A_31] : memref<8640xi32, #tpu.memory_space<vmem>> -> memref<320xi32, #tpu.memory_space<vmem>>
    %dma_start3A_33 = tpu.memref_slice %arg3[%add3A_27] : memref<276480xi32, #tpu.memory_space<hbm>> -> memref<320xi32, #tpu.memory_space<hbm>>
    tpu.enqueue_dma source(%dma_start3A_33 : memref<320xi32, #tpu.memory_space<hbm>>) target(%dma_start3A_32 : memref<320xi32, #tpu.memory_space<vmem>>) target_semaphore(%arg9 : memref<!tpu.dma_semaphore, #tpu.memory_space<semaphore_mem>>)
    %add3A_34 = arith.constant 40960 : i32
    %add3A_35 = arith.addi %add3A_34, %mul3A_2 : i32
    %dma_start3A_36 = arith.constant 1280 : i32
    %dma_start3A_37 = tpu.memref_slice %arg6[%dma_start3A_36] : memref<8640xi32, #tpu.memory_space<vmem>> -> memref<320xi32, #tpu.memory_space<vmem>>
    %dma_start3A_38 = tpu.memref_slice %arg3[%add3A_35] : memref<276480xi32, #tpu.memory_space<hbm>> -> memref<320xi32, #tpu.memory_space<hbm>>
    %dma_start3A_39 = arith.constant 1280 : i32
    %dma_start3A_40 = tpu.memref_slice %arg6[%dma_start3A_39] : memref<8640xi32, #tpu.memory_space<vmem>> -> memref<320xi32, #tpu.memory_space<vmem>>
    %dma_start3A_41 = tpu.memref_slice %arg3[%add3A_35] : memref<276480xi32, #tpu.memory_space<hbm>> -> memref<320xi32, #tpu.memory_space<hbm>>
    tpu.enqueue_dma source(%dma_start3A_41 : memref<320xi32, #tpu.memory_space<hbm>>) target(%dma_start3A_40 : memref<320xi32, #tpu.memory_space<vmem>>) target_semaphore(%arg9 : memref<!tpu.dma_semaphore, #tpu.memory_space<semaphore_mem>>)
    %add3A_42 = arith.constant 51200 : i32
    %add3A_43 = arith.addi %add3A_42, %mul3A_2 : i32
    %dma_start3A_44 = arith.constant 1600 : i32
    %dma_start3A_45 = tpu.memref_slice %arg6[%dma_start3A_44] : memref<8640xi32, #tpu.memory_space<vmem>> -> memref<320xi32, #tpu.memory_space<vmem>>
    %dma_start3A_46 = tpu.memref_slice %arg3[%add3A_43] : memref<276480xi32, #tpu.memory_space<hbm>> -> memref<320xi32, #tpu.memory_space<hbm>>
    %dma_start3A_47 = arith.constant 1600 : i32
    %dma_start3A_48 = tpu.memref_slice %arg6[%dma_start3A_47] : memref<8640xi32, #tpu.memory_space<vmem>> -> memref<320xi32, #tpu.memory_space<vmem>>
    %dma_start3A_49 = tpu.memref_slice %arg3[%add3A_43] : memref<276480xi32, #tpu.memory_space<hbm>> -> memref<320xi32, #tpu.memory_space<hbm>>
    tpu.enqueue_dma source(%dma_start3A_49 : memref<320xi32, #tpu.memory_space<hbm>>) target(%dma_start3A_48 : memref<320xi32, #tpu.memory_space<vmem>>) target_semaphore(%arg9 : memref<!tpu.dma_semaphore, #tpu.memory_space<semaphore_mem>>)
    %add3A_50 = arith.constant 61440 : i32
    %add3A_51 = arith.addi %add3A_50, %mul3A_2 : i32
    %dma_start3A_52 = arith.constant 1920 : i32
    %dma_start3A_53 = tpu.memref_slice %arg6[%dma_start3A_52] : memref<8640xi32, #tpu.memory_space<vmem>> -> memref<320xi32, #tpu.memory_space<vmem>>
    %dma_start3A_54 = tpu.memref_slice %arg3[%add3A_51] : memref<276480xi32, #tpu.memory_space<hbm>> -> memref<320xi32, #tpu.memory_space<hbm>>
    %dma_start3A_55 = arith.constant 1920 : i32
    %dma_start3A_56 = tpu.memref_slice %arg6[%dma_start3A_55] : memref<8640xi32, #tpu.memory_space<vmem>> -> memref<320xi32, #tpu.memory_space<vmem>>
    %dma_start3A_57 = tpu.memref_slice %arg3[%add3A_51] : memref<276480xi32, #tpu.memory_space<hbm>> -> memref<320xi32, #tpu.memory_space<hbm>>
    tpu.enqueue_dma source(%dma_start3A_57 : memref<320xi32, #tpu.memory_space<hbm>>) target(%dma_start3A_56 : memref<320xi32, #tpu.memory_space<vmem>>) target_semaphore(%arg9 : memref<!tpu.dma_semaphore, #tpu.memory_space<semaphore_mem>>)
    %add3A_58 = arith.constant 71680 : i32
    %add3A_59 = arith.addi %add3A_58, %mul3A_2 : i32
    %dma_start3A_60 = arith.constant 2240 : i32
    %dma_start3A_61 = tpu.memref_slice %arg6[%dma_start3A_60] : memref<8640xi32, #tpu.memory_space<vmem>> -> memref<320xi32, #tpu.memory_space<vmem>>
    %dma_start3A_62 = tpu.memref_slice %arg3[%add3A_59] : memref<276480xi32, #tpu.memory_space<hbm>> -> memref<320xi32, #tpu.memory_space<hbm>>
    %dma_start3A_63 = arith.constant 2240 : i32
    %dma_start3A_64 = tpu.memref_slice %arg6[%dma_start3A_63] : memref<8640xi32, #tpu.memory_space<vmem>> -> memref<320xi32, #tpu.memory_space<vmem>>
    %dma_start3A_65 = tpu.memref_slice %arg3[%add3A_59] : memref<276480xi32, #tpu.memory_space<hbm>> -> memref<320xi32, #tpu.memory_space<hbm>>
    tpu.enqueue_dma source(%dma_start3A_65 : memref<320xi32, #tpu.memory_space<hbm>>) target(%dma_start3A_64 : memref<320xi32, #tpu.memory_space<vmem>>) target_semaphore(%arg9 : memref<!tpu.dma_semaphore, #tpu.memory_space<semaphore_mem>>)
    %add3A_66 = arith.constant 81920 : i32
    %add3A_67 = arith.addi %add3A_66, %mul3A_2 : i32
    %dma_start3A_68 = arith.constant 2560 : i32
    %dma_start3A_69 = tpu.memref_slice %arg6[%dma_start3A_68] : memref<8640xi32, #tpu.memory_space<vmem>> -> memref<320xi32, #tpu.memory_space<vmem>>
    %dma_start3A_70 = tpu.memref_slice %arg3[%add3A_67] : memref<276480xi32, #tpu.memory_space<hbm>> -> memref<320xi32, #tpu.memory_space<hbm>>
    %dma_start3A_71 = arith.constant 2560 : i32
    %dma_start3A_72 = tpu.memref_slice %arg6[%dma_start3A_71] : memref<8640xi32, #tpu.memory_space<vmem>> -> memref<320xi32, #tpu.memory_space<vmem>>
    %dma_start3A_73 = tpu.memref_slice %arg3[%add3A_67] : memref<276480xi32, #tpu.memory_space<hbm>> -> memref<320xi32, #tpu.memory_space<hbm>>
    tpu.enqueue_dma source(%dma_start3A_73 : memref<320xi32, #tpu.memory_space<hbm>>) target(%dma_start3A_72 : memref<320xi32, #tpu.memory_space<vmem>>) target_semaphore(%arg9 : memref<!tpu.dma_semaphore, #tpu.memory_space<semaphore_mem>>)
    %add3A_74 = arith.constant 92160 : i32
    %add3A_75 = arith.addi %add3A_74, %mul3A_2 : i32
    %dma_start3A_76 = arith.constant 2880 : i32
    %dma_start3A_77 = tpu.memref_slice %arg6[%dma_start3A_76] : memref<8640xi32, #tpu.memory_space<vmem>> -> memref<320xi32, #tpu.memory_space<vmem>>
    %dma_start3A_78 = tpu.memref_slice %arg3[%add3A_75] : memref<276480xi32, #tpu.memory_space<hbm>> -> memref<320xi32, #tpu.memory_space<hbm>>
    %dma_start3A_79 = arith.constant 2880 : i32
    %dma_start3A_80 = tpu.memref_slice %arg6[%dma_start3A_79] : memref<8640xi32, #tpu.memory_space<vmem>> -> memref<320xi32, #tpu.memory_space<vmem>>
    %dma_start3A_81 = tpu.memref_slice %arg3[%add3A_75] : memref<276480xi32, #tpu.memory_space<hbm>> -> memref<320xi32, #tpu.memory_space<hbm>>
    tpu.enqueue_dma source(%dma_start3A_81 : memref<320xi32, #tpu.memory_space<hbm>>) target(%dma_start3A_80 : memref<320xi32, #tpu.memory_space<vmem>>) target_semaphore(%arg9 : memref<!tpu.dma_semaphore, #tpu.memory_space<semaphore_mem>>)
    %add3A_82 = arith.constant 102400 : i32
    %add3A_83 = arith.addi %add3A_82, %mul3A_2 : i32
    %dma_start3A_84 = arith.constant 3200 : i32
    %dma_start3A_85 = tpu.memref_slice %arg6[%dma_start3A_84] : memref<8640xi32, #tpu.memory_space<vmem>> -> memref<320xi32, #tpu.memory_space<vmem>>
    %dma_start3A_86 = tpu.memref_slice %arg3[%add3A_83] : memref<276480xi32, #tpu.memory_space<hbm>> -> memref<320xi32, #tpu.memory_space<hbm>>
    %dma_start3A_87 = arith.constant 3200 : i32
    %dma_start3A_88 = tpu.memref_slice %arg6[%dma_start3A_87] : memref<8640xi32, #tpu.memory_space<vmem>> -> memref<320xi32, #tpu.memory_space<vmem>>
    %dma_start3A_89 = tpu.memref_slice %arg3[%add3A_83] : memref<276480xi32, #tpu.memory_space<hbm>> -> memref<320xi32, #tpu.memory_space<hbm>>
    tpu.enqueue_dma source(%dma_start3A_89 : memref<320xi32, #tpu.memory_space<hbm>>) target(%dma_start3A_88 : memref<320xi32, #tpu.memory_space<vmem>>) target_semaphore(%arg9 : memref<!tpu.dma_semaphore, #tpu.memory_space<semaphore_mem>>)
    %add3A_90 = arith.constant 112640 : i32
    %add3A_91 = arith.addi %add3A_90, %mul3A_2 : i32
    %dma_start3A_92 = arith.constant 3520 : i32
    %dma_start3A_93 = tpu.memref_slice %arg6[%dma_start3A_92] : memref<8640xi32, #tpu.memory_space<vmem>> -> memref<320xi32, #tpu.memory_space<vmem>>
    %dma_start3A_94 = tpu.memref_slice %arg3[%add3A_91] : memref<276480xi32, #tpu.memory_space<hbm>> -> memref<320xi32, #tpu.memory_space<hbm>>
    %dma_start3A_95 = arith.constant 3520 : i32
    %dma_start3A_96 = tpu.memref_slice %arg6[%dma_start3A_95] : memref<8640xi32, #tpu.memory_space<vmem>> -> memref<320xi32, #tpu.memory_space<vmem>>
    %dma_start3A_97 = tpu.memref_slice %arg3[%add3A_91] : memref<276480xi32, #tpu.memory_space<hbm>> -> memref<320xi32, #tpu.memory_space<hbm>>
    tpu.enqueue_dma source(%dma_start3A_97 : memref<320xi32, #tpu.memory_space<hbm>>) target(%dma_start3A_96 : memref<320xi32, #tpu.memory_space<vmem>>) target_semaphore(%arg9 : memref<!tpu.dma_semaphore, #tpu.memory_space<semaphore_mem>>)
    %add3A_98 = arith.constant 122880 : i32
    %add3A_99 = arith.addi %add3A_98, %mul3A_2 : i32
    %dma_start3A_100 = arith.constant 3840 : i32
    %dma_start3A_101 = tpu.memref_slice %arg6[%dma_start3A_100] : memref<8640xi32, #tpu.memory_space<vmem>> -> memref<320xi32, #tpu.memory_space<vmem>>
    %dma_start3A_102 = tpu.memref_slice %arg3[%add3A_99] : memref<276480xi32, #tpu.memory_space<hbm>> -> memref<320xi32, #tpu.memory_space<hbm>>
    %dma_start3A_103 = arith.constant 3840 : i32
    %dma_start3A_104 = tpu.memref_slice %arg6[%dma_start3A_103] : memref<8640xi32, #tpu.memory_space<vmem>> -> memref<320xi32, #tpu.memory_space<vmem>>
    %dma_start3A_105 = tpu.memref_slice %arg3[%add3A_99] : memref<276480xi32, #tpu.memory_space<hbm>> -> memref<320xi32, #tpu.memory_space<hbm>>
    tpu.enqueue_dma source(%dma_start3A_105 : memref<320xi32, #tpu.memory_space<hbm>>) target(%dma_start3A_104 : memref<320xi32, #tpu.memory_space<vmem>>) target_semaphore(%arg9 : memref<!tpu.dma_semaphore, #tpu.memory_space<semaphore_mem>>)
    %add3A_106 = arith.constant 133120 : i32
    %add3A_107 = arith.addi %add3A_106, %mul3A_2 : i32
    %dma_start3A_108 = arith.constant 4160 : i32
    %dma_start3A_109 = tpu.memref_slice %arg6[%dma_start3A_108] : memref<8640xi32, #tpu.memory_space<vmem>> -> memref<320xi32, #tpu.memory_space<vmem>>
    %dma_start3A_110 = tpu.memref_slice %arg3[%add3A_107] : memref<276480xi32, #tpu.memory_space<hbm>> -> memref<320xi32, #tpu.memory_space<hbm>>
    %dma_start3A_111 = arith.constant 4160 : i32
    %dma_start3A_112 = tpu.memref_slice %arg6[%dma_start3A_111] : memref<8640xi32, #tpu.memory_space<vmem>> -> memref<320xi32, #tpu.memory_space<vmem>>
    %dma_start3A_113 = tpu.memref_slice %arg3[%add3A_107] : memref<276480xi32, #tpu.memory_space<hbm>> -> memref<320xi32, #tpu.memory_space<hbm>>
    tpu.enqueue_dma source(%dma_start3A_113 : memref<320xi32, #tpu.memory_space<hbm>>) target(%dma_start3A_112 : memref<320xi32, #tpu.memory_space<vmem>>) target_semaphore(%arg9 : memref<!tpu.dma_semaphore, #tpu.memory_space<semaphore_mem>>)
    %add3A_114 = arith.constant 143360 : i32
    %add3A_115 = arith.addi %add3A_114, %mul3A_2 : i32
    %dma_start3A_116 = arith.constant 4480 : i32
    %dma_start3A_117 = tpu.memref_slice %arg6[%dma_start3A_116] : memref<8640xi32, #tpu.memory_space<vmem>> -> memref<320xi32, #tpu.memory_space<vmem>>
    %dma_start3A_118 = tpu.memref_slice %arg3[%add3A_115] : memref<276480xi32, #tpu.memory_space<hbm>> -> memref<320xi32, #tpu.memory_space<hbm>>
    %dma_start3A_119 = arith.constant 4480 : i32
    %dma_start3A_120 = tpu.memref_slice %arg6[%dma_start3A_119] : memref<8640xi32, #tpu.memory_space<vmem>> -> memref<320xi32, #tpu.memory_space<vmem>>
    %dma_start3A_121 = tpu.memref_slice %arg3[%add3A_115] : memref<276480xi32, #tpu.memory_space<hbm>> -> memref<320xi32, #tpu.memory_space<hbm>>
    tpu.enqueue_dma source(%dma_start3A_121 : memref<320xi32, #tpu.memory_space<hbm>>) target(%dma_start3A_120 : memref<320xi32, #tpu.memory_space<vmem>>) target_semaphore(%arg9 : memref<!tpu.dma_semaphore, #tpu.memory_space<semaphore_mem>>)
    %add3A_122 = arith.constant 153600 : i32
    %add3A_123 = arith.addi %add3A_122, %mul3A_2 : i32
    %dma_start3A_124 = arith.constant 4800 : i32
    %dma_start3A_125 = tpu.memref_slice %arg6[%dma_start3A_124] : memref<8640xi32, #tpu.memory_space<vmem>> -> memref<320xi32, #tpu.memory_space<vmem>>
    %dma_start3A_126 = tpu.memref_slice %arg3[%add3A_123] : memref<276480xi32, #tpu.memory_space<hbm>> -> memref<320xi32, #tpu.memory_space<hbm>>
    %dma_start3A_127 = arith.constant 4800 : i32
    %dma_start3A_128 = tpu.memref_slice %arg6[%dma_start3A_127] : memref<8640xi32, #tpu.memory_space<vmem>> -> memref<320xi32, #tpu.memory_space<vmem>>
    %dma_start3A_129 = tpu.memref_slice %arg3[%add3A_123] : memref<276480xi32, #tpu.memory_space<hbm>> -> memref<320xi32, #tpu.memory_space<hbm>>
    tpu.enqueue_dma source(%dma_start3A_129 : memref<320xi32, #tpu.memory_space<hbm>>) target(%dma_start3A_128 : memref<320xi32, #tpu.memory_space<vmem>>) target_semaphore(%arg9 : memref<!tpu.dma_semaphore, #tpu.memory_space<semaphore_mem>>)
    %add3A_130 = arith.constant 163840 : i32
    %add3A_131 = arith.addi %add3A_130, %mul3A_2 : i32
    %dma_start3A_132 = arith.constant 5120 : i32
    %dma_start3A_133 = tpu.memref_slice %arg6[%dma_start3A_132] : memref<8640xi32, #tpu.memory_space<vmem>> -> memref<320xi32, #tpu.memory_space<vmem>>
    %dma_start3A_134 = tpu.memref_slice %arg3[%add3A_131] : memref<276480xi32, #tpu.memory_space<hbm>> -> memref<320xi32, #tpu.memory_space<hbm>>
    %dma_start3A_135 = arith.constant 5120 : i32
    %dma_start3A_136 = tpu.memref_slice %arg6[%dma_start3A_135] : memref<8640xi32, #tpu.memory_space<vmem>> -> memref<320xi32, #tpu.memory_space<vmem>>
    %dma_start3A_137 = tpu.memref_slice %arg3[%add3A_131] : memref<276480xi32, #tpu.memory_space<hbm>> -> memref<320xi32, #tpu.memory_space<hbm>>
    tpu.enqueue_dma source(%dma_start3A_137 : memref<320xi32, #tpu.memory_space<hbm>>) target(%dma_start3A_136 : memref<320xi32, #tpu.memory_space<vmem>>) target_semaphore(%arg9 : memref<!tpu.dma_semaphore, #tpu.memory_space<semaphore_mem>>)
    %add3A_138 = arith.constant 174080 : i32
    %add3A_139 = arith.addi %add3A_138, %mul3A_2 : i32
    %dma_start3A_140 = arith.constant 5440 : i32
    %dma_start3A_141 = tpu.memref_slice %arg6[%dma_start3A_140] : memref<8640xi32, #tpu.memory_space<vmem>> -> memref<320xi32, #tpu.memory_space<vmem>>
    %dma_start3A_142 = tpu.memref_slice %arg3[%add3A_139] : memref<276480xi32, #tpu.memory_space<hbm>> -> memref<320xi32, #tpu.memory_space<hbm>>
    %dma_start3A_143 = arith.constant 5440 : i32
    %dma_start3A_144 = tpu.memref_slice %arg6[%dma_start3A_143] : memref<8640xi32, #tpu.memory_space<vmem>> -> memref<320xi32, #tpu.memory_space<vmem>>
    %dma_start3A_145 = tpu.memref_slice %arg3[%add3A_139] : memref<276480xi32, #tpu.memory_space<hbm>> -> memref<320xi32, #tpu.memory_space<hbm>>
    tpu.enqueue_dma source(%dma_start3A_145 : memref<320xi32, #tpu.memory_space<hbm>>) target(%dma_start3A_144 : memref<320xi32, #tpu.memory_space<vmem>>) target_semaphore(%arg9 : memref<!tpu.dma_semaphore, #tpu.memory_space<semaphore_mem>>)
    %add3A_146 = arith.constant 184320 : i32
    %add3A_147 = arith.addi %add3A_146, %mul3A_2 : i32
    %dma_start3A_148 = arith.constant 5760 : i32
    %dma_start3A_149 = tpu.memref_slice %arg6[%dma_start3A_148] : memref<8640xi32, #tpu.memory_space<vmem>> -> memref<320xi32, #tpu.memory_space<vmem>>
    %dma_start3A_150 = tpu.memref_slice %arg3[%add3A_147] : memref<276480xi32, #tpu.memory_space<hbm>> -> memref<320xi32, #tpu.memory_space<hbm>>
    %dma_start3A_151 = arith.constant 5760 : i32
    %dma_start3A_152 = tpu.memref_slice %arg6[%dma_start3A_151] : memref<8640xi32, #tpu.memory_space<vmem>> -> memref<320xi32, #tpu.memory_space<vmem>>
    %dma_start3A_153 = tpu.memref_slice %arg3[%add3A_147] : memref<276480xi32, #tpu.memory_space<hbm>> -> memref<320xi32, #tpu.memory_space<hbm>>
    tpu.enqueue_dma source(%dma_start3A_153 : memref<320xi32, #tpu.memory_space<hbm>>) target(%dma_start3A_152 : memref<320xi32, #tpu.memory_space<vmem>>) target_semaphore(%arg9 : memref<!tpu.dma_semaphore, #tpu.memory_space<semaphore_mem>>)
    %add3A_154 = arith.constant 194560 : i32
    %add3A_155 = arith.addi %add3A_154, %mul3A_2 : i32
    %dma_start3A_156 = arith.constant 6080 : i32
    %dma_start3A_157 = tpu.memref_slice %arg6[%dma_start3A_156] : memref<8640xi32, #tpu.memory_space<vmem>> -> memref<320xi32, #tpu.memory_space<vmem>>
    %dma_start3A_158 = tpu.memref_slice %arg3[%add3A_155] : memref<276480xi32, #tpu.memory_space<hbm>> -> memref<320xi32, #tpu.memory_space<hbm>>
    %dma_start3A_159 = arith.constant 6080 : i32
    %dma_start3A_160 = tpu.memref_slice %arg6[%dma_start3A_159] : memref<8640xi32, #tpu.memory_space<vmem>> -> memref<320xi32, #tpu.memory_space<vmem>>
    %dma_start3A_161 = tpu.memref_slice %arg3[%add3A_155] : memref<276480xi32, #tpu.memory_space<hbm>> -> memref<320xi32, #tpu.memory_space<hbm>>
    tpu.enqueue_dma source(%dma_start3A_161 : memref<320xi32, #tpu.memory_space<hbm>>) target(%dma_start3A_160 : memref<320xi32, #tpu.memory_space<vmem>>) target_semaphore(%arg9 : memref<!tpu.dma_semaphore, #tpu.memory_space<semaphore_mem>>)
    %add3A_162 = arith.constant 204800 : i32
    %add3A_163 = arith.addi %add3A_162, %mul3A_2 : i32
    %dma_start3A_164 = arith.constant 6400 : i32
    %dma_start3A_165 = tpu.memref_slice %arg6[%dma_start3A_164] : memref<8640xi32, #tpu.memory_space<vmem>> -> memref<320xi32, #tpu.memory_space<vmem>>
    %dma_start3A_166 = tpu.memref_slice %arg3[%add3A_163] : memref<276480xi32, #tpu.memory_space<hbm>> -> memref<320xi32, #tpu.memory_space<hbm>>
    %dma_start3A_167 = arith.constant 6400 : i32
    %dma_start3A_168 = tpu.memref_slice %arg6[%dma_start3A_167] : memref<8640xi32, #tpu.memory_space<vmem>> -> memref<320xi32, #tpu.memory_space<vmem>>
    %dma_start3A_169 = tpu.memref_slice %arg3[%add3A_163] : memref<276480xi32, #tpu.memory_space<hbm>> -> memref<320xi32, #tpu.memory_space<hbm>>
    tpu.enqueue_dma source(%dma_start3A_169 : memref<320xi32, #tpu.memory_space<hbm>>) target(%dma_start3A_168 : memref<320xi32, #tpu.memory_space<vmem>>) target_semaphore(%arg9 : memref<!tpu.dma_semaphore, #tpu.memory_space<semaphore_mem>>)
    %add3A_170 = arith.constant 215040 : i32
    %add3A_171 = arith.addi %add3A_170, %mul3A_2 : i32
    %dma_start3A_172 = arith.constant 6720 : i32
    %dma_start3A_173 = tpu.memref_slice %arg6[%dma_start3A_172] : memref<8640xi32, #tpu.memory_space<vmem>> -> memref<320xi32, #tpu.memory_space<vmem>>
    %dma_start3A_174 = tpu.memref_slice %arg3[%add3A_171] : memref<276480xi32, #tpu.memory_space<hbm>> -> memref<320xi32, #tpu.memory_space<hbm>>
    %dma_start3A_175 = arith.constant 6720 : i32
    %dma_start3A_176 = tpu.memref_slice %arg6[%dma_start3A_175] : memref<8640xi32, #tpu.memory_space<vmem>> -> memref<320xi32, #tpu.memory_space<vmem>>
    %dma_start3A_177 = tpu.memref_slice %arg3[%add3A_171] : memref<276480xi32, #tpu.memory_space<hbm>> -> memref<320xi32, #tpu.memory_space<hbm>>
    tpu.enqueue_dma source(%dma_start3A_177 : memref<320xi32, #tpu.memory_space<hbm>>) target(%dma_start3A_176 : memref<320xi32, #tpu.memory_space<vmem>>) target_semaphore(%arg9 : memref<!tpu.dma_semaphore, #tpu.memory_space<semaphore_mem>>)
    %add3A_178 = arith.constant 225280 : i32
    %add3A_179 = arith.addi %add3A_178, %mul3A_2 : i32
    %dma_start3A_180 = arith.constant 7040 : i32
    %dma_start3A_181 = tpu.memref_slice %arg6[%dma_start3A_180] : memref<8640xi32, #tpu.memory_space<vmem>> -> memref<320xi32, #tpu.memory_space<vmem>>
    %dma_start3A_182 = tpu.memref_slice %arg3[%add3A_179] : memref<276480xi32, #tpu.memory_space<hbm>> -> memref<320xi32, #tpu.memory_space<hbm>>
    %dma_start3A_183 = arith.constant 7040 : i32
    %dma_start3A_184 = tpu.memref_slice %arg6[%dma_start3A_183] : memref<8640xi32, #tpu.memory_space<vmem>> -> memref<320xi32, #tpu.memory_space<vmem>>
    %dma_start3A_185 = tpu.memref_slice %arg3[%add3A_179] : memref<276480xi32, #tpu.memory_space<hbm>> -> memref<320xi32, #tpu.memory_space<hbm>>
    tpu.enqueue_dma source(%dma_start3A_185 : memref<320xi32, #tpu.memory_space<hbm>>) target(%dma_start3A_184 : memref<320xi32, #tpu.memory_space<vmem>>) target_semaphore(%arg9 : memref<!tpu.dma_semaphore, #tpu.memory_space<semaphore_mem>>)
    %add3A_186 = arith.constant 235520 : i32
    %add3A_187 = arith.addi %add3A_186, %mul3A_2 : i32
    %dma_start3A_188 = arith.constant 7360 : i32
    %dma_start3A_189 = tpu.memref_slice %arg6[%dma_start3A_188] : memref<8640xi32, #tpu.memory_space<vmem>> -> memref<320xi32, #tpu.memory_space<vmem>>
    %dma_start3A_190 = tpu.memref_slice %arg3[%add3A_187] : memref<276480xi32, #tpu.memory_space<hbm>> -> memref<320xi32, #tpu.memory_space<hbm>>
    %dma_start3A_191 = arith.constant 7360 : i32
    %dma_start3A_192 = tpu.memref_slice %arg6[%dma_start3A_191] : memref<8640xi32, #tpu.memory_space<vmem>> -> memref<320xi32, #tpu.memory_space<vmem>>
    %dma_start3A_193 = tpu.memref_slice %arg3[%add3A_187] : memref<276480xi32, #tpu.memory_space<hbm>> -> memref<320xi32, #tpu.memory_space<hbm>>
    tpu.enqueue_dma source(%dma_start3A_193 : memref<320xi32, #tpu.memory_space<hbm>>) target(%dma_start3A_192 : memref<320xi32, #tpu.memory_space<vmem>>) target_semaphore(%arg9 : memref<!tpu.dma_semaphore, #tpu.memory_space<semaphore_mem>>)
    %add3A_194 = arith.constant 245760 : i32
    %add3A_195 = arith.addi %add3A_194, %mul3A_2 : i32
    %dma_start3A_196 = arith.constant 7680 : i32
    %dma_start3A_197 = tpu.memref_slice %arg6[%dma_start3A_196] : memref<8640xi32, #tpu.memory_space<vmem>> -> memref<320xi32, #tpu.memory_space<vmem>>
    %dma_start3A_198 = tpu.memref_slice %arg3[%add3A_195] : memref<276480xi32, #tpu.memory_space<hbm>> -> memref<320xi32, #tpu.memory_space<hbm>>
    %dma_start3A_199 = arith.constant 7680 : i32
    %dma_start3A_200 = tpu.memref_slice %arg6[%dma_start3A_199] : memref<8640xi32, #tpu.memory_space<vmem>> -> memref<320xi32, #tpu.memory_space<vmem>>
    %dma_start3A_201 = tpu.memref_slice %arg3[%add3A_195] : memref<276480xi32, #tpu.memory_space<hbm>> -> memref<320xi32, #tpu.memory_space<hbm>>
    tpu.enqueue_dma source(%dma_start3A_201 : memref<320xi32, #tpu.memory_space<hbm>>) target(%dma_start3A_200 : memref<320xi32, #tpu.memory_space<vmem>>) target_semaphore(%arg9 : memref<!tpu.dma_semaphore, #tpu.memory_space<semaphore_mem>>)
    %add3A_202 = arith.constant 256000 : i32
    %add3A_203 = arith.addi %add3A_202, %mul3A_2 : i32
    %dma_start3A_204 = arith.constant 8000 : i32
    %dma_start3A_205 = tpu.memref_slice %arg6[%dma_start3A_204] : memref<8640xi32, #tpu.memory_space<vmem>> -> memref<320xi32, #tpu.memory_space<vmem>>
    %dma_start3A_206 = tpu.memref_slice %arg3[%add3A_203] : memref<276480xi32, #tpu.memory_space<hbm>> -> memref<320xi32, #tpu.memory_space<hbm>>
    %dma_start3A_207 = arith.constant 8000 : i32
    %dma_start3A_208 = tpu.memref_slice %arg6[%dma_start3A_207] : memref<8640xi32, #tpu.memory_space<vmem>> -> memref<320xi32, #tpu.memory_space<vmem>>
    %dma_start3A_209 = tpu.memref_slice %arg3[%add3A_203] : memref<276480xi32, #tpu.memory_space<hbm>> -> memref<320xi32, #tpu.memory_space<hbm>>
    tpu.enqueue_dma source(%dma_start3A_209 : memref<320xi32, #tpu.memory_space<hbm>>) target(%dma_start3A_208 : memref<320xi32, #tpu.memory_space<vmem>>) target_semaphore(%arg9 : memref<!tpu.dma_semaphore, #tpu.memory_space<semaphore_mem>>)
    %add3A_210 = arith.constant 266240 : i32
    %add3A_211 = arith.addi %add3A_210, %mul3A_2 : i32
    %dma_start3A_212 = arith.constant 8320 : i32
    %dma_start3A_213 = tpu.memref_slice %arg6[%dma_start3A_212] : memref<8640xi32, #tpu.memory_space<vmem>> -> memref<320xi32, #tpu.memory_space<vmem>>
    %dma_start3A_214 = tpu.memref_slice %arg3[%add3A_211] : memref<276480xi32, #tpu.memory_space<hbm>> -> memref<320xi32, #tpu.memory_space<hbm>>
    %dma_start3A_215 = arith.constant 8320 : i32
    %dma_start3A_216 = tpu.memref_slice %arg6[%dma_start3A_215] : memref<8640xi32, #tpu.memory_space<vmem>> -> memref<320xi32, #tpu.memory_space<vmem>>
    %dma_start3A_217 = tpu.memref_slice %arg3[%add3A_211] : memref<276480xi32, #tpu.memory_space<hbm>> -> memref<320xi32, #tpu.memory_space<hbm>>
    tpu.enqueue_dma source(%dma_start3A_217 : memref<320xi32, #tpu.memory_space<hbm>>) target(%dma_start3A_216 : memref<320xi32, #tpu.memory_space<vmem>>) target_semaphore(%arg9 : memref<!tpu.dma_semaphore, #tpu.memory_space<semaphore_mem>>)
    %dma_wait3A = arith.constant 0 : i32
    %dma_wait3A_218 = tpu.memref_slice %arg6[%dma_wait3A] : memref<8640xi32, #tpu.memory_space<vmem>> -> memref<320xi32, #tpu.memory_space<vmem>>
    %dma_wait3A_219 = tpu.memref_slice %arg3[%add3A_4] : memref<276480xi32, #tpu.memory_space<hbm>> -> memref<320xi32, #tpu.memory_space<hbm>>
    %dma_wait3A_220 = arith.constant 0 : i32
    %dma_wait3A_221 = tpu.memref_slice %arg6[%dma_wait3A_220] : memref<8640xi32, #tpu.memory_space<vmem>> -> memref<320xi32, #tpu.memory_space<vmem>>
    %dma_wait3A_222 = tpu.memref_slice %arg3[%add3A_4] : memref<276480xi32, #tpu.memory_space<hbm>> -> memref<320xi32, #tpu.memory_space<hbm>>
    tpu.wait_dma2 semaphore(%arg9 : memref<!tpu.dma_semaphore, #tpu.memory_space<semaphore_mem>>) src(%dma_wait3A_222 : memref<320xi32, #tpu.memory_space<hbm>>) dst(%dma_wait3A_221 : memref<320xi32, #tpu.memory_space<vmem>>)
    %dma_wait3A_223 = arith.constant 320 : i32
    %dma_wait3A_224 = tpu.memref_slice %arg6[%dma_wait3A_223] : memref<8640xi32, #tpu.memory_space<vmem>> -> memref<320xi32, #tpu.memory_space<vmem>>
    %dma_wait3A_225 = tpu.memref_slice %arg3[%add3A_11] : memref<276480xi32, #tpu.memory_space<hbm>> -> memref<320xi32, #tpu.memory_space<hbm>>
    %dma_wait3A_226 = arith.constant 320 : i32
    %dma_wait3A_227 = tpu.memref_slice %arg6[%dma_wait3A_226] : memref<8640xi32, #tpu.memory_space<vmem>> -> memref<320xi32, #tpu.memory_space<vmem>>
    %dma_wait3A_228 = tpu.memref_slice %arg3[%add3A_11] : memref<276480xi32, #tpu.memory_space<hbm>> -> memref<320xi32, #tpu.memory_space<hbm>>
    tpu.wait_dma2 semaphore(%arg9 : memref<!tpu.dma_semaphore, #tpu.memory_space<semaphore_mem>>) src(%dma_wait3A_228 : memref<320xi32, #tpu.memory_space<hbm>>) dst(%dma_wait3A_227 : memref<320xi32, #tpu.memory_space<vmem>>)
    %dma_wait3A_229 = arith.constant 640 : i32
    %dma_wait3A_230 = tpu.memref_slice %arg6[%dma_wait3A_229] : memref<8640xi32, #tpu.memory_space<vmem>> -> memref<320xi32, #tpu.memory_space<vmem>>
    %dma_wait3A_231 = tpu.memref_slice %arg3[%add3A_19] : memref<276480xi32, #tpu.memory_space<hbm>> -> memref<320xi32, #tpu.memory_space<hbm>>
    %dma_wait3A_232 = arith.constant 640 : i32
    %dma_wait3A_233 = tpu.memref_slice %arg6[%dma_wait3A_232] : memref<8640xi32, #tpu.memory_space<vmem>> -> memref<320xi32, #tpu.memory_space<vmem>>
    %dma_wait3A_234 = tpu.memref_slice %arg3[%add3A_19] : memref<276480xi32, #tpu.memory_space<hbm>> -> memref<320xi32, #tpu.memory_space<hbm>>
    tpu.wait_dma2 semaphore(%arg9 : memref<!tpu.dma_semaphore, #tpu.memory_space<semaphore_mem>>) src(%dma_wait3A_234 : memref<320xi32, #tpu.memory_space<hbm>>) dst(%dma_wait3A_233 : memref<320xi32, #tpu.memory_space<vmem>>)
    %dma_wait3A_235 = arith.constant 960 : i32
    %dma_wait3A_236 = tpu.memref_slice %arg6[%dma_wait3A_235] : memref<8640xi32, #tpu.memory_space<vmem>> -> memref<320xi32, #tpu.memory_space<vmem>>
    %dma_wait3A_237 = tpu.memref_slice %arg3[%add3A_27] : memref<276480xi32, #tpu.memory_space<hbm>> -> memref<320xi32, #tpu.memory_space<hbm>>
    %dma_wait3A_238 = arith.constant 960 : i32
    %dma_wait3A_239 = tpu.memref_slice %arg6[%dma_wait3A_238] : memref<8640xi32, #tpu.memory_space<vmem>> -> memref<320xi32, #tpu.memory_space<vmem>>
    %dma_wait3A_240 = tpu.memref_slice %arg3[%add3A_27] : memref<276480xi32, #tpu.memory_space<hbm>> -> memref<320xi32, #tpu.memory_space<hbm>>
    tpu.wait_dma2 semaphore(%arg9 : memref<!tpu.dma_semaphore, #tpu.memory_space<semaphore_mem>>) src(%dma_wait3A_240 : memref<320xi32, #tpu.memory_space<hbm>>) dst(%dma_wait3A_239 : memref<320xi32, #tpu.memory_space<vmem>>)
    %dma_wait3A_241 = arith.constant 1280 : i32
    %dma_wait3A_242 = tpu.memref_slice %arg6[%dma_wait3A_241] : memref<8640xi32, #tpu.memory_space<vmem>> -> memref<320xi32, #tpu.memory_space<vmem>>
    %dma_wait3A_243 = tpu.memref_slice %arg3[%add3A_35] : memref<276480xi32, #tpu.memory_space<hbm>> -> memref<320xi32, #tpu.memory_space<hbm>>
    %dma_wait3A_244 = arith.constant 1280 : i32
    %dma_wait3A_245 = tpu.memref_slice %arg6[%dma_wait3A_244] : memref<8640xi32, #tpu.memory_space<vmem>> -> memref<320xi32, #tpu.memory_space<vmem>>
    %dma_wait3A_246 = tpu.memref_slice %arg3[%add3A_35] : memref<276480xi32, #tpu.memory_space<hbm>> -> memref<320xi32, #tpu.memory_space<hbm>>
    tpu.wait_dma2 semaphore(%arg9 : memref<!tpu.dma_semaphore, #tpu.memory_space<semaphore_mem>>) src(%dma_wait3A_246 : memref<320xi32, #tpu.memory_space<hbm>>) dst(%dma_wait3A_245 : memref<320xi32, #tpu.memory_space<vmem>>)
    %dma_wait3A_247 = arith.constant 1600 : i32
    %dma_wait3A_248 = tpu.memref_slice %arg6[%dma_wait3A_247] : memref<8640xi32, #tpu.memory_space<vmem>> -> memref<320xi32, #tpu.memory_space<vmem>>
    %dma_wait3A_249 = tpu.memref_slice %arg3[%add3A_43] : memref<276480xi32, #tpu.memory_space<hbm>> -> memref<320xi32, #tpu.memory_space<hbm>>
    %dma_wait3A_250 = arith.constant 1600 : i32
    %dma_wait3A_251 = tpu.memref_slice %arg6[%dma_wait3A_250] : memref<8640xi32, #tpu.memory_space<vmem>> -> memref<320xi32, #tpu.memory_space<vmem>>
    %dma_wait3A_252 = tpu.memref_slice %arg3[%add3A_43] : memref<276480xi32, #tpu.memory_space<hbm>> -> memref<320xi32, #tpu.memory_space<hbm>>
    tpu.wait_dma2 semaphore(%arg9 : memref<!tpu.dma_semaphore, #tpu.memory_space<semaphore_mem>>) src(%dma_wait3A_252 : memref<320xi32, #tpu.memory_space<hbm>>) dst(%dma_wait3A_251 : memref<320xi32, #tpu.memory_space<vmem>>)
    %dma_wait3A_253 = arith.constant 1920 : i32
    %dma_wait3A_254 = tpu.memref_slice %arg6[%dma_wait3A_253] : memref<8640xi32, #tpu.memory_space<vmem>> -> memref<320xi32, #tpu.memory_space<vmem>>
    %dma_wait3A_255 = tpu.memref_slice %arg3[%add3A_51] : memref<276480xi32, #tpu.memory_space<hbm>> -> memref<320xi32, #tpu.memory_space<hbm>>
    %dma_wait3A_256 = arith.constant 1920 : i32
    %dma_wait3A_257 = tpu.memref_slice %arg6[%dma_wait3A_256] : memref<8640xi32, #tpu.memory_space<vmem>> -> memref<320xi32, #tpu.memory_space<vmem>>
    %dma_wait3A_258 = tpu.memref_slice %arg3[%add3A_51] : memref<276480xi32, #tpu.memory_space<hbm>> -> memref<320xi32, #tpu.memory_space<hbm>>
    tpu.wait_dma2 semaphore(%arg9 : memref<!tpu.dma_semaphore, #tpu.memory_space<semaphore_mem>>) src(%dma_wait3A_258 : memref<320xi32, #tpu.memory_space<hbm>>) dst(%dma_wait3A_257 : memref<320xi32, #tpu.memory_space<vmem>>)
    %dma_wait3A_259 = arith.constant 2240 : i32
    %dma_wait3A_260 = tpu.memref_slice %arg6[%dma_wait3A_259] : memref<8640xi32, #tpu.memory_space<vmem>> -> memref<320xi32, #tpu.memory_space<vmem>>
    %dma_wait3A_261 = tpu.memref_slice %arg3[%add3A_59] : memref<276480xi32, #tpu.memory_space<hbm>> -> memref<320xi32, #tpu.memory_space<hbm>>
    %dma_wait3A_262 = arith.constant 2240 : i32
    %dma_wait3A_263 = tpu.memref_slice %arg6[%dma_wait3A_262] : memref<8640xi32, #tpu.memory_space<vmem>> -> memref<320xi32, #tpu.memory_space<vmem>>
    %dma_wait3A_264 = tpu.memref_slice %arg3[%add3A_59] : memref<276480xi32, #tpu.memory_space<hbm>> -> memref<320xi32, #tpu.memory_space<hbm>>
    tpu.wait_dma2 semaphore(%arg9 : memref<!tpu.dma_semaphore, #tpu.memory_space<semaphore_mem>>) src(%dma_wait3A_264 : memref<320xi32, #tpu.memory_space<hbm>>) dst(%dma_wait3A_263 : memref<320xi32, #tpu.memory_space<vmem>>)
    %dma_wait3A_265 = arith.constant 2560 : i32
    %dma_wait3A_266 = tpu.memref_slice %arg6[%dma_wait3A_265] : memref<8640xi32, #tpu.memory_space<vmem>> -> memref<320xi32, #tpu.memory_space<vmem>>
    %dma_wait3A_267 = tpu.memref_slice %arg3[%add3A_67] : memref<276480xi32, #tpu.memory_space<hbm>> -> memref<320xi32, #tpu.memory_space<hbm>>
    %dma_wait3A_268 = arith.constant 2560 : i32
    %dma_wait3A_269 = tpu.memref_slice %arg6[%dma_wait3A_268] : memref<8640xi32, #tpu.memory_space<vmem>> -> memref<320xi32, #tpu.memory_space<vmem>>
    %dma_wait3A_270 = tpu.memref_slice %arg3[%add3A_67] : memref<276480xi32, #tpu.memory_space<hbm>> -> memref<320xi32, #tpu.memory_space<hbm>>
    tpu.wait_dma2 semaphore(%arg9 : memref<!tpu.dma_semaphore, #tpu.memory_space<semaphore_mem>>) src(%dma_wait3A_270 : memref<320xi32, #tpu.memory_space<hbm>>) dst(%dma_wait3A_269 : memref<320xi32, #tpu.memory_space<vmem>>)
    %dma_wait3A_271 = arith.constant 2880 : i32
    %dma_wait3A_272 = tpu.memref_slice %arg6[%dma_wait3A_271] : memref<8640xi32, #tpu.memory_space<vmem>> -> memref<320xi32, #tpu.memory_space<vmem>>
    %dma_wait3A_273 = tpu.memref_slice %arg3[%add3A_75] : memref<276480xi32, #tpu.memory_space<hbm>> -> memref<320xi32, #tpu.memory_space<hbm>>
    %dma_wait3A_274 = arith.constant 2880 : i32
    %dma_wait3A_275 = tpu.memref_slice %arg6[%dma_wait3A_274] : memref<8640xi32, #tpu.memory_space<vmem>> -> memref<320xi32, #tpu.memory_space<vmem>>
    %dma_wait3A_276 = tpu.memref_slice %arg3[%add3A_75] : memref<276480xi32, #tpu.memory_space<hbm>> -> memref<320xi32, #tpu.memory_space<hbm>>
    tpu.wait_dma2 semaphore(%arg9 : memref<!tpu.dma_semaphore, #tpu.memory_space<semaphore_mem>>) src(%dma_wait3A_276 : memref<320xi32, #tpu.memory_space<hbm>>) dst(%dma_wait3A_275 : memref<320xi32, #tpu.memory_space<vmem>>)
    %dma_wait3A_277 = arith.constant 3200 : i32
    %dma_wait3A_278 = tpu.memref_slice %arg6[%dma_wait3A_277] : memref<8640xi32, #tpu.memory_space<vmem>> -> memref<320xi32, #tpu.memory_space<vmem>>
    %dma_wait3A_279 = tpu.memref_slice %arg3[%add3A_83] : memref<276480xi32, #tpu.memory_space<hbm>> -> memref<320xi32, #tpu.memory_space<hbm>>
    %dma_wait3A_280 = arith.constant 3200 : i32
    %dma_wait3A_281 = tpu.memref_slice %arg6[%dma_wait3A_280] : memref<8640xi32, #tpu.memory_space<vmem>> -> memref<320xi32, #tpu.memory_space<vmem>>
    %dma_wait3A_282 = tpu.memref_slice %arg3[%add3A_83] : memref<276480xi32, #tpu.memory_space<hbm>> -> memref<320xi32, #tpu.memory_space<hbm>>
    tpu.wait_dma2 semaphore(%arg9 : memref<!tpu.dma_semaphore, #tpu.memory_space<semaphore_mem>>) src(%dma_wait3A_282 : memref<320xi32, #tpu.memory_space<hbm>>) dst(%dma_wait3A_281 : memref<320xi32, #tpu.memory_space<vmem>>)
    %dma_wait3A_283 = arith.constant 3520 : i32
    %dma_wait3A_284 = tpu.memref_slice %arg6[%dma_wait3A_283] : memref<8640xi32, #tpu.memory_space<vmem>> -> memref<320xi32, #tpu.memory_space<vmem>>
    %dma_wait3A_285 = tpu.memref_slice %arg3[%add3A_91] : memref<276480xi32, #tpu.memory_space<hbm>> -> memref<320xi32, #tpu.memory_space<hbm>>
    %dma_wait3A_286 = arith.constant 3520 : i32
    %dma_wait3A_287 = tpu.memref_slice %arg6[%dma_wait3A_286] : memref<8640xi32, #tpu.memory_space<vmem>> -> memref<320xi32, #tpu.memory_space<vmem>>
    %dma_wait3A_288 = tpu.memref_slice %arg3[%add3A_91] : memref<276480xi32, #tpu.memory_space<hbm>> -> memref<320xi32, #tpu.memory_space<hbm>>
    tpu.wait_dma2 semaphore(%arg9 : memref<!tpu.dma_semaphore, #tpu.memory_space<semaphore_mem>>) src(%dma_wait3A_288 : memref<320xi32, #tpu.memory_space<hbm>>) dst(%dma_wait3A_287 : memref<320xi32, #tpu.memory_space<vmem>>)
    %dma_wait3A_289 = arith.constant 3840 : i32
    %dma_wait3A_290 = tpu.memref_slice %arg6[%dma_wait3A_289] : memref<8640xi32, #tpu.memory_space<vmem>> -> memref<320xi32, #tpu.memory_space<vmem>>
    %dma_wait3A_291 = tpu.memref_slice %arg3[%add3A_99] : memref<276480xi32, #tpu.memory_space<hbm>> -> memref<320xi32, #tpu.memory_space<hbm>>
    %dma_wait3A_292 = arith.constant 3840 : i32
    %dma_wait3A_293 = tpu.memref_slice %arg6[%dma_wait3A_292] : memref<8640xi32, #tpu.memory_space<vmem>> -> memref<320xi32, #tpu.memory_space<vmem>>
    %dma_wait3A_294 = tpu.memref_slice %arg3[%add3A_99] : memref<276480xi32, #tpu.memory_space<hbm>> -> memref<320xi32, #tpu.memory_space<hbm>>
    tpu.wait_dma2 semaphore(%arg9 : memref<!tpu.dma_semaphore, #tpu.memory_space<semaphore_mem>>) src(%dma_wait3A_294 : memref<320xi32, #tpu.memory_space<hbm>>) dst(%dma_wait3A_293 : memref<320xi32, #tpu.memory_space<vmem>>)
    %dma_wait3A_295 = arith.constant 4160 : i32
    %dma_wait3A_296 = tpu.memref_slice %arg6[%dma_wait3A_295] : memref<8640xi32, #tpu.memory_space<vmem>> -> memref<320xi32, #tpu.memory_space<vmem>>
    %dma_wait3A_297 = tpu.memref_slice %arg3[%add3A_107] : memref<276480xi32, #tpu.memory_space<hbm>> -> memref<320xi32, #tpu.memory_space<hbm>>
    %dma_wait3A_298 = arith.constant 4160 : i32
    %dma_wait3A_299 = tpu.memref_slice %arg6[%dma_wait3A_298] : memref<8640xi32, #tpu.memory_space<vmem>> -> memref<320xi32, #tpu.memory_space<vmem>>
    %dma_wait3A_300 = tpu.memref_slice %arg3[%add3A_107] : memref<276480xi32, #tpu.memory_space<hbm>> -> memref<320xi32, #tpu.memory_space<hbm>>
    tpu.wait_dma2 semaphore(%arg9 : memref<!tpu.dma_semaphore, #tpu.memory_space<semaphore_mem>>) src(%dma_wait3A_300 : memref<320xi32, #tpu.memory_space<hbm>>) dst(%dma_wait3A_299 : memref<320xi32, #tpu.memory_space<vmem>>)
    %dma_wait3A_301 = arith.constant 4480 : i32
    %dma_wait3A_302 = tpu.memref_slice %arg6[%dma_wait3A_301] : memref<8640xi32, #tpu.memory_space<vmem>> -> memref<320xi32, #tpu.memory_space<vmem>>
    %dma_wait3A_303 = tpu.memref_slice %arg3[%add3A_115] : memref<276480xi32, #tpu.memory_space<hbm>> -> memref<320xi32, #tpu.memory_space<hbm>>
    %dma_wait3A_304 = arith.constant 4480 : i32
    %dma_wait3A_305 = tpu.memref_slice %arg6[%dma_wait3A_304] : memref<8640xi32, #tpu.memory_space<vmem>> -> memref<320xi32, #tpu.memory_space<vmem>>
    %dma_wait3A_306 = tpu.memref_slice %arg3[%add3A_115] : memref<276480xi32, #tpu.memory_space<hbm>> -> memref<320xi32, #tpu.memory_space<hbm>>
    tpu.wait_dma2 semaphore(%arg9 : memref<!tpu.dma_semaphore, #tpu.memory_space<semaphore_mem>>) src(%dma_wait3A_306 : memref<320xi32, #tpu.memory_space<hbm>>) dst(%dma_wait3A_305 : memref<320xi32, #tpu.memory_space<vmem>>)
    %dma_wait3A_307 = arith.constant 4800 : i32
    %dma_wait3A_308 = tpu.memref_slice %arg6[%dma_wait3A_307] : memref<8640xi32, #tpu.memory_space<vmem>> -> memref<320xi32, #tpu.memory_space<vmem>>
    %dma_wait3A_309 = tpu.memref_slice %arg3[%add3A_123] : memref<276480xi32, #tpu.memory_space<hbm>> -> memref<320xi32, #tpu.memory_space<hbm>>
    %dma_wait3A_310 = arith.constant 4800 : i32
    %dma_wait3A_311 = tpu.memref_slice %arg6[%dma_wait3A_310] : memref<8640xi32, #tpu.memory_space<vmem>> -> memref<320xi32, #tpu.memory_space<vmem>>
    %dma_wait3A_312 = tpu.memref_slice %arg3[%add3A_123] : memref<276480xi32, #tpu.memory_space<hbm>> -> memref<320xi32, #tpu.memory_space<hbm>>
    tpu.wait_dma2 semaphore(%arg9 : memref<!tpu.dma_semaphore, #tpu.memory_space<semaphore_mem>>) src(%dma_wait3A_312 : memref<320xi32, #tpu.memory_space<hbm>>) dst(%dma_wait3A_311 : memref<320xi32, #tpu.memory_space<vmem>>)
    %dma_wait3A_313 = arith.constant 5120 : i32
    %dma_wait3A_314 = tpu.memref_slice %arg6[%dma_wait3A_313] : memref<8640xi32, #tpu.memory_space<vmem>> -> memref<320xi32, #tpu.memory_space<vmem>>
    %dma_wait3A_315 = tpu.memref_slice %arg3[%add3A_131] : memref<276480xi32, #tpu.memory_space<hbm>> -> memref<320xi32, #tpu.memory_space<hbm>>
    %dma_wait3A_316 = arith.constant 5120 : i32
    %dma_wait3A_317 = tpu.memref_slice %arg6[%dma_wait3A_316] : memref<8640xi32, #tpu.memory_space<vmem>> -> memref<320xi32, #tpu.memory_space<vmem>>
    %dma_wait3A_318 = tpu.memref_slice %arg3[%add3A_131] : memref<276480xi32, #tpu.memory_space<hbm>> -> memref<320xi32, #tpu.memory_space<hbm>>
    tpu.wait_dma2 semaphore(%arg9 : memref<!tpu.dma_semaphore, #tpu.memory_space<semaphore_mem>>) src(%dma_wait3A_318 : memref<320xi32, #tpu.memory_space<hbm>>) dst(%dma_wait3A_317 : memref<320xi32, #tpu.memory_space<vmem>>)
    %dma_wait3A_319 = arith.constant 5440 : i32
    %dma_wait3A_320 = tpu.memref_slice %arg6[%dma_wait3A_319] : memref<8640xi32, #tpu.memory_space<vmem>> -> memref<320xi32, #tpu.memory_space<vmem>>
    %dma_wait3A_321 = tpu.memref_slice %arg3[%add3A_139] : memref<276480xi32, #tpu.memory_space<hbm>> -> memref<320xi32, #tpu.memory_space<hbm>>
    %dma_wait3A_322 = arith.constant 5440 : i32
    %dma_wait3A_323 = tpu.memref_slice %arg6[%dma_wait3A_322] : memref<8640xi32, #tpu.memory_space<vmem>> -> memref<320xi32, #tpu.memory_space<vmem>>
    %dma_wait3A_324 = tpu.memref_slice %arg3[%add3A_139] : memref<276480xi32, #tpu.memory_space<hbm>> -> memref<320xi32, #tpu.memory_space<hbm>>
    tpu.wait_dma2 semaphore(%arg9 : memref<!tpu.dma_semaphore, #tpu.memory_space<semaphore_mem>>) src(%dma_wait3A_324 : memref<320xi32, #tpu.memory_space<hbm>>) dst(%dma_wait3A_323 : memref<320xi32, #tpu.memory_space<vmem>>)
    %dma_wait3A_325 = arith.constant 5760 : i32
    %dma_wait3A_326 = tpu.memref_slice %arg6[%dma_wait3A_325] : memref<8640xi32, #tpu.memory_space<vmem>> -> memref<320xi32, #tpu.memory_space<vmem>>
    %dma_wait3A_327 = tpu.memref_slice %arg3[%add3A_147] : memref<276480xi32, #tpu.memory_space<hbm>> -> memref<320xi32, #tpu.memory_space<hbm>>
    %dma_wait3A_328 = arith.constant 5760 : i32
    %dma_wait3A_329 = tpu.memref_slice %arg6[%dma_wait3A_328] : memref<8640xi32, #tpu.memory_space<vmem>> -> memref<320xi32, #tpu.memory_space<vmem>>
    %dma_wait3A_330 = tpu.memref_slice %arg3[%add3A_147] : memref<276480xi32, #tpu.memory_space<hbm>> -> memref<320xi32, #tpu.memory_space<hbm>>
    tpu.wait_dma2 semaphore(%arg9 : memref<!tpu.dma_semaphore, #tpu.memory_space<semaphore_mem>>) src(%dma_wait3A_330 : memref<320xi32, #tpu.memory_space<hbm>>) dst(%dma_wait3A_329 : memref<320xi32, #tpu.memory_space<vmem>>)
    %dma_wait3A_331 = arith.constant 6080 : i32
    %dma_wait3A_332 = tpu.memref_slice %arg6[%dma_wait3A_331] : memref<8640xi32, #tpu.memory_space<vmem>> -> memref<320xi32, #tpu.memory_space<vmem>>
    %dma_wait3A_333 = tpu.memref_slice %arg3[%add3A_155] : memref<276480xi32, #tpu.memory_space<hbm>> -> memref<320xi32, #tpu.memory_space<hbm>>
    %dma_wait3A_334 = arith.constant 6080 : i32
    %dma_wait3A_335 = tpu.memref_slice %arg6[%dma_wait3A_334] : memref<8640xi32, #tpu.memory_space<vmem>> -> memref<320xi32, #tpu.memory_space<vmem>>
    %dma_wait3A_336 = tpu.memref_slice %arg3[%add3A_155] : memref<276480xi32, #tpu.memory_space<hbm>> -> memref<320xi32, #tpu.memory_space<hbm>>
    tpu.wait_dma2 semaphore(%arg9 : memref<!tpu.dma_semaphore, #tpu.memory_space<semaphore_mem>>) src(%dma_wait3A_336 : memref<320xi32, #tpu.memory_space<hbm>>) dst(%dma_wait3A_335 : memref<320xi32, #tpu.memory_space<vmem>>)
    %dma_wait3A_337 = arith.constant 6400 : i32
    %dma_wait3A_338 = tpu.memref_slice %arg6[%dma_wait3A_337] : memref<8640xi32, #tpu.memory_space<vmem>> -> memref<320xi32, #tpu.memory_space<vmem>>
    %dma_wait3A_339 = tpu.memref_slice %arg3[%add3A_163] : memref<276480xi32, #tpu.memory_space<hbm>> -> memref<320xi32, #tpu.memory_space<hbm>>
    %dma_wait3A_340 = arith.constant 6400 : i32
    %dma_wait3A_341 = tpu.memref_slice %arg6[%dma_wait3A_340] : memref<8640xi32, #tpu.memory_space<vmem>> -> memref<320xi32, #tpu.memory_space<vmem>>
    %dma_wait3A_342 = tpu.memref_slice %arg3[%add3A_163] : memref<276480xi32, #tpu.memory_space<hbm>> -> memref<320xi32, #tpu.memory_space<hbm>>
    tpu.wait_dma2 semaphore(%arg9 : memref<!tpu.dma_semaphore, #tpu.memory_space<semaphore_mem>>) src(%dma_wait3A_342 : memref<320xi32, #tpu.memory_space<hbm>>) dst(%dma_wait3A_341 : memref<320xi32, #tpu.memory_space<vmem>>)
    %dma_wait3A_343 = arith.constant 6720 : i32
    %dma_wait3A_344 = tpu.memref_slice %arg6[%dma_wait3A_343] : memref<8640xi32, #tpu.memory_space<vmem>> -> memref<320xi32, #tpu.memory_space<vmem>>
    %dma_wait3A_345 = tpu.memref_slice %arg3[%add3A_171] : memref<276480xi32, #tpu.memory_space<hbm>> -> memref<320xi32, #tpu.memory_space<hbm>>
    %dma_wait3A_346 = arith.constant 6720 : i32
    %dma_wait3A_347 = tpu.memref_slice %arg6[%dma_wait3A_346] : memref<8640xi32, #tpu.memory_space<vmem>> -> memref<320xi32, #tpu.memory_space<vmem>>
    %dma_wait3A_348 = tpu.memref_slice %arg3[%add3A_171] : memref<276480xi32, #tpu.memory_space<hbm>> -> memref<320xi32, #tpu.memory_space<hbm>>
    tpu.wait_dma2 semaphore(%arg9 : memref<!tpu.dma_semaphore, #tpu.memory_space<semaphore_mem>>) src(%dma_wait3A_348 : memref<320xi32, #tpu.memory_space<hbm>>) dst(%dma_wait3A_347 : memref<320xi32, #tpu.memory_space<vmem>>)
    %dma_wait3A_349 = arith.constant 7040 : i32
    %dma_wait3A_350 = tpu.memref_slice %arg6[%dma_wait3A_349] : memref<8640xi32, #tpu.memory_space<vmem>> -> memref<320xi32, #tpu.memory_space<vmem>>
    %dma_wait3A_351 = tpu.memref_slice %arg3[%add3A_179] : memref<276480xi32, #tpu.memory_space<hbm>> -> memref<320xi32, #tpu.memory_space<hbm>>
    %dma_wait3A_352 = arith.constant 7040 : i32
    %dma_wait3A_353 = tpu.memref_slice %arg6[%dma_wait3A_352] : memref<8640xi32, #tpu.memory_space<vmem>> -> memref<320xi32, #tpu.memory_space<vmem>>
    %dma_wait3A_354 = tpu.memref_slice %arg3[%add3A_179] : memref<276480xi32, #tpu.memory_space<hbm>> -> memref<320xi32, #tpu.memory_space<hbm>>
    tpu.wait_dma2 semaphore(%arg9 : memref<!tpu.dma_semaphore, #tpu.memory_space<semaphore_mem>>) src(%dma_wait3A_354 : memref<320xi32, #tpu.memory_space<hbm>>) dst(%dma_wait3A_353 : memref<320xi32, #tpu.memory_space<vmem>>)
    %dma_wait3A_355 = arith.constant 7360 : i32
    %dma_wait3A_356 = tpu.memref_slice %arg6[%dma_wait3A_355] : memref<8640xi32, #tpu.memory_space<vmem>> -> memref<320xi32, #tpu.memory_space<vmem>>
    %dma_wait3A_357 = tpu.memref_slice %arg3[%add3A_187] : memref<276480xi32, #tpu.memory_space<hbm>> -> memref<320xi32, #tpu.memory_space<hbm>>
    %dma_wait3A_358 = arith.constant 7360 : i32
    %dma_wait3A_359 = tpu.memref_slice %arg6[%dma_wait3A_358] : memref<8640xi32, #tpu.memory_space<vmem>> -> memref<320xi32, #tpu.memory_space<vmem>>
    %dma_wait3A_360 = tpu.memref_slice %arg3[%add3A_187] : memref<276480xi32, #tpu.memory_space<hbm>> -> memref<320xi32, #tpu.memory_space<hbm>>
    tpu.wait_dma2 semaphore(%arg9 : memref<!tpu.dma_semaphore, #tpu.memory_space<semaphore_mem>>) src(%dma_wait3A_360 : memref<320xi32, #tpu.memory_space<hbm>>) dst(%dma_wait3A_359 : memref<320xi32, #tpu.memory_space<vmem>>)
    %dma_wait3A_361 = arith.constant 7680 : i32
    %dma_wait3A_362 = tpu.memref_slice %arg6[%dma_wait3A_361] : memref<8640xi32, #tpu.memory_space<vmem>> -> memref<320xi32, #tpu.memory_space<vmem>>
    %dma_wait3A_363 = tpu.memref_slice %arg3[%add3A_195] : memref<276480xi32, #tpu.memory_space<hbm>> -> memref<320xi32, #tpu.memory_space<hbm>>
    %dma_wait3A_364 = arith.constant 7680 : i32
    %dma_wait3A_365 = tpu.memref_slice %arg6[%dma_wait3A_364] : memref<8640xi32, #tpu.memory_space<vmem>> -> memref<320xi32, #tpu.memory_space<vmem>>
    %dma_wait3A_366 = tpu.memref_slice %arg3[%add3A_195] : memref<276480xi32, #tpu.memory_space<hbm>> -> memref<320xi32, #tpu.memory_space<hbm>>
    tpu.wait_dma2 semaphore(%arg9 : memref<!tpu.dma_semaphore, #tpu.memory_space<semaphore_mem>>) src(%dma_wait3A_366 : memref<320xi32, #tpu.memory_space<hbm>>) dst(%dma_wait3A_365 : memref<320xi32, #tpu.memory_space<vmem>>)
    %dma_wait3A_367 = arith.constant 8000 : i32
    %dma_wait3A_368 = tpu.memref_slice %arg6[%dma_wait3A_367] : memref<8640xi32, #tpu.memory_space<vmem>> -> memref<320xi32, #tpu.memory_space<vmem>>
    %dma_wait3A_369 = tpu.memref_slice %arg3[%add3A_203] : memref<276480xi32, #tpu.memory_space<hbm>> -> memref<320xi32, #tpu.memory_space<hbm>>
    %dma_wait3A_370 = arith.constant 8000 : i32
    %dma_wait3A_371 = tpu.memref_slice %arg6[%dma_wait3A_370] : memref<8640xi32, #tpu.memory_space<vmem>> -> memref<320xi32, #tpu.memory_space<vmem>>
    %dma_wait3A_372 = tpu.memref_slice %arg3[%add3A_203] : memref<276480xi32, #tpu.memory_space<hbm>> -> memref<320xi32, #tpu.memory_space<hbm>>
    tpu.wait_dma2 semaphore(%arg9 : memref<!tpu.dma_semaphore, #tpu.memory_space<semaphore_mem>>) src(%dma_wait3A_372 : memref<320xi32, #tpu.memory_space<hbm>>) dst(%dma_wait3A_371 : memref<320xi32, #tpu.memory_space<vmem>>)
    %dma_wait3A_373 = arith.constant 8320 : i32
    %dma_wait3A_374 = tpu.memref_slice %arg6[%dma_wait3A_373] : memref<8640xi32, #tpu.memory_space<vmem>> -> memref<320xi32, #tpu.memory_space<vmem>>
    %dma_wait3A_375 = tpu.memref_slice %arg3[%add3A_211] : memref<276480xi32, #tpu.memory_space<hbm>> -> memref<320xi32, #tpu.memory_space<hbm>>
    %dma_wait3A_376 = arith.constant 8320 : i32
    %dma_wait3A_377 = tpu.memref_slice %arg6[%dma_wait3A_376] : memref<8640xi32, #tpu.memory_space<vmem>> -> memref<320xi32, #tpu.memory_space<vmem>>
    %dma_wait3A_378 = tpu.memref_slice %arg3[%add3A_211] : memref<276480xi32, #tpu.memory_space<hbm>> -> memref<320xi32, #tpu.memory_space<hbm>>
    tpu.wait_dma2 semaphore(%arg9 : memref<!tpu.dma_semaphore, #tpu.memory_space<semaphore_mem>>) src(%dma_wait3A_378 : memref<320xi32, #tpu.memory_space<hbm>>) dst(%dma_wait3A_377 : memref<320xi32, #tpu.memory_space<vmem>>)
    %mul3A_379 = arith.constant 632 : i32
    %mul3A_380 = arith.muli %arg1, %mul3A_379 : i32
    %add3A_381 = arith.constant 0 : i32
    %add3A_382 = arith.addi %add3A_381, %mul3A_380 : i32
    %mul3A_383 = arith.constant 632 : i32
    %mul3A_384 = arith.muli %arg1, %mul3A_383 : i32
    %dma_start3A_385 = arith.constant 0 : i32
    %dma_start3A_386 = tpu.memref_slice %arg5[%mul3A_384, %dma_start3A_385] : memref<10112x128xf32, #tpu.memory_space<vmem_shared>> -> memref<632x128xf32, #tpu.memory_space<vmem_shared>>
    %dma_start3A_387 = arith.constant 0 : i32
    %dma_start3A_388 = tpu.memref_slice %arg2[%add3A_382, %dma_start3A_387] : memref<276480x128xf32, #tpu.memory_space<hbm>> -> memref<632x128xf32, #tpu.memory_space<hbm>>
    tpu.enqueue_dma source(%dma_start3A_388 : memref<632x128xf32, #tpu.memory_space<hbm>>) target(%dma_start3A_386 : memref<632x128xf32, #tpu.memory_space<vmem_shared>>) target_semaphore(%arg9 : memref<!tpu.dma_semaphore, #tpu.memory_space<semaphore_mem>>)
    %dma_wait3A_389 = arith.constant 0 : i32
    %dma_wait3A_390 = tpu.memref_slice %arg5[%mul3A_384, %dma_wait3A_389] : memref<10112x128xf32, #tpu.memory_space<vmem_shared>> -> memref<632x128xf32, #tpu.memory_space<vmem_shared>>
    %dma_wait3A_391 = arith.constant 0 : i32
    %dma_wait3A_392 = tpu.memref_slice %arg2[%add3A_382, %dma_wait3A_391] : memref<276480x128xf32, #tpu.memory_space<hbm>> -> memref<632x128xf32, #tpu.memory_space<hbm>>
    tpu.wait_dma2 semaphore(%arg9 : memref<!tpu.dma_semaphore, #tpu.memory_space<semaphore_mem>>) src(%dma_wait3A_392 : memref<632x128xf32, #tpu.memory_space<hbm>>) dst(%dma_wait3A_390 : memref<632x128xf32, #tpu.memory_space<vmem_shared>>)
    %barrier3A = arith.constant 0 : index
    tpu.barrier barrier_id(%barrier3A)
    %dma_start3A_393 = arith.constant 0 : i32
    %dma_start3A_394 = arith.constant 0 : i32
    %dma_start3A_395 = tpu.memref_slice %arg7[%dma_start3A_393, %dma_start3A_394] : memref<320x128xf32, #tpu.memory_space<vmem>> -> memref<64x128xf32, #tpu.memory_space<vmem>>
    %dma_start3A_396 = arith.constant 0 : i32
    %dma_start3A_397 = tpu.memref_slice %arg6[%dma_start3A_396] : memref<8640xi32, #tpu.memory_space<vmem>> -> memref<64xi32, #tpu.memory_space<vmem>>
    %dma_start3A_398 = arith.constant 0 : i32
    %dma_start3A_399 = arith.constant 0 : i32
    %dma_start3A_400 = tpu.memref_slice %arg5[%dma_start3A_398, %dma_start3A_399] : memref<10112x128xf32, #tpu.memory_space<vmem_shared>> -> memref<10112x128xf32, #tpu.memory_space<vmem_shared>>
    tpu.enqueue_indirect_dma source(%dma_start3A_400 : memref<10112x128xf32, #tpu.memory_space<vmem_shared>>) target(%dma_start3A_395 : memref<64x128xf32, #tpu.memory_space<vmem>>) offsets(%dma_start3A_397 : memref<64xi32, #tpu.memory_space<vmem>>) semaphore(%arg8 : memref<!tpu.dma_semaphore, #tpu.memory_space<semaphore_mem>>)
    %dma_start3A_401 = arith.constant 64 : i32
    %dma_start3A_402 = arith.constant 0 : i32
    %dma_start3A_403 = tpu.memref_slice %arg7[%dma_start3A_401, %dma_start3A_402] : memref<320x128xf32, #tpu.memory_space<vmem>> -> memref<64x128xf32, #tpu.memory_space<vmem>>
    %dma_start3A_404 = arith.constant 64 : i32
    %dma_start3A_405 = tpu.memref_slice %arg6[%dma_start3A_404] : memref<8640xi32, #tpu.memory_space<vmem>> -> memref<64xi32, #tpu.memory_space<vmem>>
    %dma_start3A_406 = arith.constant 0 : i32
    %dma_start3A_407 = arith.constant 0 : i32
    %dma_start3A_408 = tpu.memref_slice %arg5[%dma_start3A_406, %dma_start3A_407] : memref<10112x128xf32, #tpu.memory_space<vmem_shared>> -> memref<10112x128xf32, #tpu.memory_space<vmem_shared>>
    tpu.enqueue_indirect_dma source(%dma_start3A_408 : memref<10112x128xf32, #tpu.memory_space<vmem_shared>>) target(%dma_start3A_403 : memref<64x128xf32, #tpu.memory_space<vmem>>) offsets(%dma_start3A_405 : memref<64xi32, #tpu.memory_space<vmem>>) semaphore(%arg8 : memref<!tpu.dma_semaphore, #tpu.memory_space<semaphore_mem>>)
    %dma_start3A_409 = arith.constant 128 : i32
    %dma_start3A_410 = arith.constant 0 : i32
    %dma_start3A_411 = tpu.memref_slice %arg7[%dma_start3A_409, %dma_start3A_410] : memref<320x128xf32, #tpu.memory_space<vmem>> -> memref<64x128xf32, #tpu.memory_space<vmem>>
    %dma_start3A_412 = arith.constant 128 : i32
    %dma_start3A_413 = tpu.memref_slice %arg6[%dma_start3A_412] : memref<8640xi32, #tpu.memory_space<vmem>> -> memref<64xi32, #tpu.memory_space<vmem>>
    %dma_start3A_414 = arith.constant 0 : i32
    %dma_start3A_415 = arith.constant 0 : i32
    %dma_start3A_416 = tpu.memref_slice %arg5[%dma_start3A_414, %dma_start3A_415] : memref<10112x128xf32, #tpu.memory_space<vmem_shared>> -> memref<10112x128xf32, #tpu.memory_space<vmem_shared>>
    tpu.enqueue_indirect_dma source(%dma_start3A_416 : memref<10112x128xf32, #tpu.memory_space<vmem_shared>>) target(%dma_start3A_411 : memref<64x128xf32, #tpu.memory_space<vmem>>) offsets(%dma_start3A_413 : memref<64xi32, #tpu.memory_space<vmem>>) semaphore(%arg8 : memref<!tpu.dma_semaphore, #tpu.memory_space<semaphore_mem>>)
    %dma_start3A_417 = arith.constant 192 : i32
    %dma_start3A_418 = arith.constant 0 : i32
    %dma_start3A_419 = tpu.memref_slice %arg7[%dma_start3A_417, %dma_start3A_418] : memref<320x128xf32, #tpu.memory_space<vmem>> -> memref<64x128xf32, #tpu.memory_space<vmem>>
    %dma_start3A_420 = arith.constant 192 : i32
    %dma_start3A_421 = tpu.memref_slice %arg6[%dma_start3A_420] : memref<8640xi32, #tpu.memory_space<vmem>> -> memref<64xi32, #tpu.memory_space<vmem>>
    %dma_start3A_422 = arith.constant 0 : i32
    %dma_start3A_423 = arith.constant 0 : i32
    %dma_start3A_424 = tpu.memref_slice %arg5[%dma_start3A_422, %dma_start3A_423] : memref<10112x128xf32, #tpu.memory_space<vmem_shared>> -> memref<10112x128xf32, #tpu.memory_space<vmem_shared>>
    tpu.enqueue_indirect_dma source(%dma_start3A_424 : memref<10112x128xf32, #tpu.memory_space<vmem_shared>>) target(%dma_start3A_419 : memref<64x128xf32, #tpu.memory_space<vmem>>) offsets(%dma_start3A_421 : memref<64xi32, #tpu.memory_space<vmem>>) semaphore(%arg8 : memref<!tpu.dma_semaphore, #tpu.memory_space<semaphore_mem>>)
    %dma_start3A_425 = arith.constant 256 : i32
    %dma_start3A_426 = arith.constant 0 : i32
    %dma_start3A_427 = tpu.memref_slice %arg7[%dma_start3A_425, %dma_start3A_426] : memref<320x128xf32, #tpu.memory_space<vmem>> -> memref<64x128xf32, #tpu.memory_space<vmem>>
    %dma_start3A_428 = arith.constant 256 : i32
    %dma_start3A_429 = tpu.memref_slice %arg6[%dma_start3A_428] : memref<8640xi32, #tpu.memory_space<vmem>> -> memref<64xi32, #tpu.memory_space<vmem>>
    %dma_start3A_430 = arith.constant 0 : i32
    %dma_start3A_431 = arith.constant 0 : i32
    %dma_start3A_432 = tpu.memref_slice %arg5[%dma_start3A_430, %dma_start3A_431] : memref<10112x128xf32, #tpu.memory_space<vmem_shared>> -> memref<10112x128xf32, #tpu.memory_space<vmem_shared>>
    tpu.enqueue_indirect_dma source(%dma_start3A_432 : memref<10112x128xf32, #tpu.memory_space<vmem_shared>>) target(%dma_start3A_427 : memref<64x128xf32, #tpu.memory_space<vmem>>) offsets(%dma_start3A_429 : memref<64xi32, #tpu.memory_space<vmem>>) semaphore(%arg8 : memref<!tpu.dma_semaphore, #tpu.memory_space<semaphore_mem>>)
    %dma_wait3A_433 = arith.constant 0 : i32
    %dma_wait3A_434 = arith.constant 0 : i32
    %dma_wait3A_435 = tpu.memref_slice %arg7[%dma_wait3A_433, %dma_wait3A_434] : memref<320x128xf32, #tpu.memory_space<vmem>> -> memref<64x128xf32, #tpu.memory_space<vmem>>
    %dma_wait3A_436 = arith.constant 0 : i32
    %dma_wait3A_437 = tpu.memref_slice %arg6[%dma_wait3A_436] : memref<8640xi32, #tpu.memory_space<vmem>> -> memref<64xi32, #tpu.memory_space<vmem>>
    %dma_wait3A_438 = arith.constant 0 : i32
    %dma_wait3A_439 = arith.constant 0 : i32
    %dma_wait3A_440 = tpu.memref_slice %arg5[%dma_wait3A_438, %dma_wait3A_439] : memref<10112x128xf32, #tpu.memory_space<vmem_shared>> -> memref<10112x128xf32, #tpu.memory_space<vmem_shared>>
    tpu.wait_indirect_dma semaphore(%arg8 : memref<!tpu.dma_semaphore, #tpu.memory_space<semaphore_mem>>) src(%dma_wait3A_440 : memref<10112x128xf32, #tpu.memory_space<vmem_shared>>) dst(%dma_wait3A_435 : memref<64x128xf32, #tpu.memory_space<vmem>>)
    %dma_wait3A_441 = arith.constant 64 : i32
    %dma_wait3A_442 = arith.constant 0 : i32
    %dma_wait3A_443 = tpu.memref_slice %arg7[%dma_wait3A_441, %dma_wait3A_442] : memref<320x128xf32, #tpu.memory_space<vmem>> -> memref<64x128xf32, #tpu.memory_space<vmem>>
    %dma_wait3A_444 = arith.constant 64 : i32
    %dma_wait3A_445 = tpu.memref_slice %arg6[%dma_wait3A_444] : memref<8640xi32, #tpu.memory_space<vmem>> -> memref<64xi32, #tpu.memory_space<vmem>>
    %dma_wait3A_446 = arith.constant 0 : i32
    %dma_wait3A_447 = arith.constant 0 : i32
    %dma_wait3A_448 = tpu.memref_slice %arg5[%dma_wait3A_446, %dma_wait3A_447] : memref<10112x128xf32, #tpu.memory_space<vmem_shared>> -> memref<10112x128xf32, #tpu.memory_space<vmem_shared>>
    tpu.wait_indirect_dma semaphore(%arg8 : memref<!tpu.dma_semaphore, #tpu.memory_space<semaphore_mem>>) src(%dma_wait3A_448 : memref<10112x128xf32, #tpu.memory_space<vmem_shared>>) dst(%dma_wait3A_443 : memref<64x128xf32, #tpu.memory_space<vmem>>)
    %dma_wait3A_449 = arith.constant 128 : i32
    %dma_wait3A_450 = arith.constant 0 : i32
    %dma_wait3A_451 = tpu.memref_slice %arg7[%dma_wait3A_449, %dma_wait3A_450] : memref<320x128xf32, #tpu.memory_space<vmem>> -> memref<64x128xf32, #tpu.memory_space<vmem>>
    %dma_wait3A_452 = arith.constant 128 : i32
    %dma_wait3A_453 = tpu.memref_slice %arg6[%dma_wait3A_452] : memref<8640xi32, #tpu.memory_space<vmem>> -> memref<64xi32, #tpu.memory_space<vmem>>
    %dma_wait3A_454 = arith.constant 0 : i32
    %dma_wait3A_455 = arith.constant 0 : i32
    %dma_wait3A_456 = tpu.memref_slice %arg5[%dma_wait3A_454, %dma_wait3A_455] : memref<10112x128xf32, #tpu.memory_space<vmem_shared>> -> memref<10112x128xf32, #tpu.memory_space<vmem_shared>>
    tpu.wait_indirect_dma semaphore(%arg8 : memref<!tpu.dma_semaphore, #tpu.memory_space<semaphore_mem>>) src(%dma_wait3A_456 : memref<10112x128xf32, #tpu.memory_space<vmem_shared>>) dst(%dma_wait3A_451 : memref<64x128xf32, #tpu.memory_space<vmem>>)
    %dma_wait3A_457 = arith.constant 192 : i32
    %dma_wait3A_458 = arith.constant 0 : i32
    %dma_wait3A_459 = tpu.memref_slice %arg7[%dma_wait3A_457, %dma_wait3A_458] : memref<320x128xf32, #tpu.memory_space<vmem>> -> memref<64x128xf32, #tpu.memory_space<vmem>>
    %dma_wait3A_460 = arith.constant 192 : i32
    %dma_wait3A_461 = tpu.memref_slice %arg6[%dma_wait3A_460] : memref<8640xi32, #tpu.memory_space<vmem>> -> memref<64xi32, #tpu.memory_space<vmem>>
    %dma_wait3A_462 = arith.constant 0 : i32
    %dma_wait3A_463 = arith.constant 0 : i32
    %dma_wait3A_464 = tpu.memref_slice %arg5[%dma_wait3A_462, %dma_wait3A_463] : memref<10112x128xf32, #tpu.memory_space<vmem_shared>> -> memref<10112x128xf32, #tpu.memory_space<vmem_shared>>
    tpu.wait_indirect_dma semaphore(%arg8 : memref<!tpu.dma_semaphore, #tpu.memory_space<semaphore_mem>>) src(%dma_wait3A_464 : memref<10112x128xf32, #tpu.memory_space<vmem_shared>>) dst(%dma_wait3A_459 : memref<64x128xf32, #tpu.memory_space<vmem>>)
    %dma_wait3A_465 = arith.constant 256 : i32
    %dma_wait3A_466 = arith.constant 0 : i32
    %dma_wait3A_467 = tpu.memref_slice %arg7[%dma_wait3A_465, %dma_wait3A_466] : memref<320x128xf32, #tpu.memory_space<vmem>> -> memref<64x128xf32, #tpu.memory_space<vmem>>
    %dma_wait3A_468 = arith.constant 256 : i32
    %dma_wait3A_469 = tpu.memref_slice %arg6[%dma_wait3A_468] : memref<8640xi32, #tpu.memory_space<vmem>> -> memref<64xi32, #tpu.memory_space<vmem>>
    %dma_wait3A_470 = arith.constant 0 : i32
    %dma_wait3A_471 = arith.constant 0 : i32
    %dma_wait3A_472 = tpu.memref_slice %arg5[%dma_wait3A_470, %dma_wait3A_471] : memref<10112x128xf32, #tpu.memory_space<vmem_shared>> -> memref<10112x128xf32, #tpu.memory_space<vmem_shared>>
    tpu.wait_indirect_dma semaphore(%arg8 : memref<!tpu.dma_semaphore, #tpu.memory_space<semaphore_mem>>) src(%dma_wait3A_472 : memref<10112x128xf32, #tpu.memory_space<vmem_shared>>) dst(%dma_wait3A_467 : memref<64x128xf32, #tpu.memory_space<vmem>>)
    %barrier3A_473 = arith.constant 0 : index
    tpu.barrier barrier_id(%barrier3A_473)
    %scan3A = arith.constant 1 : i32
    %scan3A_474 = arith.constant 26 : i32
    %scan3A_475 = arith.addi %scan3A, %scan3A_474 : i32
    %scan3A_476 = arith.constant 1 : i32
    scf.for %scan3A_478 = %scan3A to %scan3A_475 step %scan3A_476  : i32 {
      %mul3A_479 = arith.constant 10240 : i32
      %mul3A_480 = arith.muli %scan3A_478, %mul3A_479 : i32
      %mul3A_481 = arith.constant 632 : i32
      %mul3A_482 = arith.muli %arg1, %mul3A_481 : i32
      %add3A_483 = arith.addi %mul3A_480, %mul3A_482 : i32
      %mul3A_484 = arith.constant 632 : i32
      %mul3A_485 = arith.muli %arg1, %mul3A_484 : i32
      %dma_start3A_486 = arith.constant 0 : i32
      %dma_start3A_487 = tpu.memref_slice %arg5[%mul3A_485, %dma_start3A_486] : memref<10112x128xf32, #tpu.memory_space<vmem_shared>> -> memref<632x128xf32, #tpu.memory_space<vmem_shared>>
      %dma_start3A_488 = arith.constant 0 : i32
      %dma_start3A_489 = tpu.memref_slice %arg2[%add3A_483, %dma_start3A_488] : memref<276480x128xf32, #tpu.memory_space<hbm>> -> memref<632x128xf32, #tpu.memory_space<hbm>>
      tpu.enqueue_dma source(%dma_start3A_489 : memref<632x128xf32, #tpu.memory_space<hbm>>) target(%dma_start3A_487 : memref<632x128xf32, #tpu.memory_space<vmem_shared>>) target_semaphore(%arg9 : memref<!tpu.dma_semaphore, #tpu.memory_space<semaphore_mem>>)
      %dma_wait3A_490 = arith.constant 0 : i32
      %dma_wait3A_491 = tpu.memref_slice %arg5[%mul3A_485, %dma_wait3A_490] : memref<10112x128xf32, #tpu.memory_space<vmem_shared>> -> memref<632x128xf32, #tpu.memory_space<vmem_shared>>
      %dma_wait3A_492 = arith.constant 0 : i32
      %dma_wait3A_493 = tpu.memref_slice %arg2[%add3A_483, %dma_wait3A_492] : memref<276480x128xf32, #tpu.memory_space<hbm>> -> memref<632x128xf32, #tpu.memory_space<hbm>>
      tpu.wait_dma2 semaphore(%arg9 : memref<!tpu.dma_semaphore, #tpu.memory_space<semaphore_mem>>) src(%dma_wait3A_493 : memref<632x128xf32, #tpu.memory_space<hbm>>) dst(%dma_wait3A_491 : memref<632x128xf32, #tpu.memory_space<vmem_shared>>)
      %barrier3A_494 = arith.constant 0 : index
      tpu.barrier barrier_id(%barrier3A_494)
      %mul3A_495 = arith.constant 320 : i32
      %mul3A_496 = arith.muli %scan3A_478, %mul3A_495 : i32
      %add3A_497 = arith.constant 0 : i32
      %add3A_498 = arith.addi %mul3A_496, %add3A_497 : i32
      %dma_start3A_499 = arith.constant 0 : i32
      %dma_start3A_500 = arith.constant 0 : i32
      %dma_start3A_501 = tpu.memref_slice %arg7[%dma_start3A_499, %dma_start3A_500] : memref<320x128xf32, #tpu.memory_space<vmem>> -> memref<64x128xf32, #tpu.memory_space<vmem>>
      %dma_start3A_502 = tpu.memref_slice %arg6[%add3A_498] : memref<8640xi32, #tpu.memory_space<vmem>> -> memref<64xi32, #tpu.memory_space<vmem>>
      %dma_start3A_503 = arith.constant 0 : i32
      %dma_start3A_504 = arith.constant 0 : i32
      %dma_start3A_505 = tpu.memref_slice %arg5[%dma_start3A_503, %dma_start3A_504] : memref<10112x128xf32, #tpu.memory_space<vmem_shared>> -> memref<10112x128xf32, #tpu.memory_space<vmem_shared>>
      tpu.enqueue_indirect_dma source(%dma_start3A_505 : memref<10112x128xf32, #tpu.memory_space<vmem_shared>>) target(%dma_start3A_501 : memref<64x128xf32, #tpu.memory_space<vmem>>) offsets(%dma_start3A_502 : memref<64xi32, #tpu.memory_space<vmem>>) semaphore(%arg8 : memref<!tpu.dma_semaphore, #tpu.memory_space<semaphore_mem>>) {add = true}
      %mul3A_506 = arith.constant 320 : i32
      %mul3A_507 = arith.muli %scan3A_478, %mul3A_506 : i32
      %add3A_508 = arith.constant 64 : i32
      %add3A_509 = arith.addi %mul3A_507, %add3A_508 : i32
      %dma_start3A_510 = arith.constant 64 : i32
      %dma_start3A_511 = arith.constant 0 : i32
      %dma_start3A_512 = tpu.memref_slice %arg7[%dma_start3A_510, %dma_start3A_511] : memref<320x128xf32, #tpu.memory_space<vmem>> -> memref<64x128xf32, #tpu.memory_space<vmem>>
      %dma_start3A_513 = tpu.memref_slice %arg6[%add3A_509] : memref<8640xi32, #tpu.memory_space<vmem>> -> memref<64xi32, #tpu.memory_space<vmem>>
      %dma_start3A_514 = arith.constant 0 : i32
      %dma_start3A_515 = arith.constant 0 : i32
      %dma_start3A_516 = tpu.memref_slice %arg5[%dma_start3A_514, %dma_start3A_515] : memref<10112x128xf32, #tpu.memory_space<vmem_shared>> -> memref<10112x128xf32, #tpu.memory_space<vmem_shared>>
      tpu.enqueue_indirect_dma source(%dma_start3A_516 : memref<10112x128xf32, #tpu.memory_space<vmem_shared>>) target(%dma_start3A_512 : memref<64x128xf32, #tpu.memory_space<vmem>>) offsets(%dma_start3A_513 : memref<64xi32, #tpu.memory_space<vmem>>) semaphore(%arg8 : memref<!tpu.dma_semaphore, #tpu.memory_space<semaphore_mem>>) {add = true}
      %mul3A_517 = arith.constant 320 : i32
      %mul3A_518 = arith.muli %scan3A_478, %mul3A_517 : i32
      %add3A_519 = arith.constant 128 : i32
      %add3A_520 = arith.addi %mul3A_518, %add3A_519 : i32
      %dma_start3A_521 = arith.constant 128 : i32
      %dma_start3A_522 = arith.constant 0 : i32
      %dma_start3A_523 = tpu.memref_slice %arg7[%dma_start3A_521, %dma_start3A_522] : memref<320x128xf32, #tpu.memory_space<vmem>> -> memref<64x128xf32, #tpu.memory_space<vmem>>
      %dma_start3A_524 = tpu.memref_slice %arg6[%add3A_520] : memref<8640xi32, #tpu.memory_space<vmem>> -> memref<64xi32, #tpu.memory_space<vmem>>
      %dma_start3A_525 = arith.constant 0 : i32
      %dma_start3A_526 = arith.constant 0 : i32
      %dma_start3A_527 = tpu.memref_slice %arg5[%dma_start3A_525, %dma_start3A_526] : memref<10112x128xf32, #tpu.memory_space<vmem_shared>> -> memref<10112x128xf32, #tpu.memory_space<vmem_shared>>
      tpu.enqueue_indirect_dma source(%dma_start3A_527 : memref<10112x128xf32, #tpu.memory_space<vmem_shared>>) target(%dma_start3A_523 : memref<64x128xf32, #tpu.memory_space<vmem>>) offsets(%dma_start3A_524 : memref<64xi32, #tpu.memory_space<vmem>>) semaphore(%arg8 : memref<!tpu.dma_semaphore, #tpu.memory_space<semaphore_mem>>) {add = true}
      %mul3A_528 = arith.constant 320 : i32
      %mul3A_529 = arith.muli %scan3A_478, %mul3A_528 : i32
      %add3A_530 = arith.constant 192 : i32
      %add3A_531 = arith.addi %mul3A_529, %add3A_530 : i32
      %dma_start3A_532 = arith.constant 192 : i32
      %dma_start3A_533 = arith.constant 0 : i32
      %dma_start3A_534 = tpu.memref_slice %arg7[%dma_start3A_532, %dma_start3A_533] : memref<320x128xf32, #tpu.memory_space<vmem>> -> memref<64x128xf32, #tpu.memory_space<vmem>>
      %dma_start3A_535 = tpu.memref_slice %arg6[%add3A_531] : memref<8640xi32, #tpu.memory_space<vmem>> -> memref<64xi32, #tpu.memory_space<vmem>>
      %dma_start3A_536 = arith.constant 0 : i32
      %dma_start3A_537 = arith.constant 0 : i32
      %dma_start3A_538 = tpu.memref_slice %arg5[%dma_start3A_536, %dma_start3A_537] : memref<10112x128xf32, #tpu.memory_space<vmem_shared>> -> memref<10112x128xf32, #tpu.memory_space<vmem_shared>>
      tpu.enqueue_indirect_dma source(%dma_start3A_538 : memref<10112x128xf32, #tpu.memory_space<vmem_shared>>) target(%dma_start3A_534 : memref<64x128xf32, #tpu.memory_space<vmem>>) offsets(%dma_start3A_535 : memref<64xi32, #tpu.memory_space<vmem>>) semaphore(%arg8 : memref<!tpu.dma_semaphore, #tpu.memory_space<semaphore_mem>>) {add = true}
      %mul3A_539 = arith.constant 320 : i32
      %mul3A_540 = arith.muli %scan3A_478, %mul3A_539 : i32
      %add3A_541 = arith.constant 256 : i32
      %add3A_542 = arith.addi %mul3A_540, %add3A_541 : i32
      %dma_start3A_543 = arith.constant 256 : i32
      %dma_start3A_544 = arith.constant 0 : i32
      %dma_start3A_545 = tpu.memref_slice %arg7[%dma_start3A_543, %dma_start3A_544] : memref<320x128xf32, #tpu.memory_space<vmem>> -> memref<64x128xf32, #tpu.memory_space<vmem>>
      %dma_start3A_546 = tpu.memref_slice %arg6[%add3A_542] : memref<8640xi32, #tpu.memory_space<vmem>> -> memref<64xi32, #tpu.memory_space<vmem>>
      %dma_start3A_547 = arith.constant 0 : i32
      %dma_start3A_548 = arith.constant 0 : i32
      %dma_start3A_549 = tpu.memref_slice %arg5[%dma_start3A_547, %dma_start3A_548] : memref<10112x128xf32, #tpu.memory_space<vmem_shared>> -> memref<10112x128xf32, #tpu.memory_space<vmem_shared>>
      tpu.enqueue_indirect_dma source(%dma_start3A_549 : memref<10112x128xf32, #tpu.memory_space<vmem_shared>>) target(%dma_start3A_545 : memref<64x128xf32, #tpu.memory_space<vmem>>) offsets(%dma_start3A_546 : memref<64xi32, #tpu.memory_space<vmem>>) semaphore(%arg8 : memref<!tpu.dma_semaphore, #tpu.memory_space<semaphore_mem>>) {add = true}
      %dma_wait3A_550 = arith.constant 0 : i32
      %dma_wait3A_551 = arith.constant 0 : i32
      %dma_wait3A_552 = tpu.memref_slice %arg7[%dma_wait3A_550, %dma_wait3A_551] : memref<320x128xf32, #tpu.memory_space<vmem>> -> memref<64x128xf32, #tpu.memory_space<vmem>>
      %dma_wait3A_553 = tpu.memref_slice %arg6[%add3A_498] : memref<8640xi32, #tpu.memory_space<vmem>> -> memref<64xi32, #tpu.memory_space<vmem>>
      %dma_wait3A_554 = arith.constant 0 : i32
      %dma_wait3A_555 = arith.constant 0 : i32
      %dma_wait3A_556 = tpu.memref_slice %arg5[%dma_wait3A_554, %dma_wait3A_555] : memref<10112x128xf32, #tpu.memory_space<vmem_shared>> -> memref<10112x128xf32, #tpu.memory_space<vmem_shared>>
      tpu.wait_indirect_dma semaphore(%arg8 : memref<!tpu.dma_semaphore, #tpu.memory_space<semaphore_mem>>) src(%dma_wait3A_556 : memref<10112x128xf32, #tpu.memory_space<vmem_shared>>) dst(%dma_wait3A_552 : memref<64x128xf32, #tpu.memory_space<vmem>>)
      %dma_wait3A_557 = arith.constant 64 : i32
      %dma_wait3A_558 = arith.constant 0 : i32
      %dma_wait3A_559 = tpu.memref_slice %arg7[%dma_wait3A_557, %dma_wait3A_558] : memref<320x128xf32, #tpu.memory_space<vmem>> -> memref<64x128xf32, #tpu.memory_space<vmem>>
      %dma_wait3A_560 = tpu.memref_slice %arg6[%add3A_509] : memref<8640xi32, #tpu.memory_space<vmem>> -> memref<64xi32, #tpu.memory_space<vmem>>
      %dma_wait3A_561 = arith.constant 0 : i32
      %dma_wait3A_562 = arith.constant 0 : i32
      %dma_wait3A_563 = tpu.memref_slice %arg5[%dma_wait3A_561, %dma_wait3A_562] : memref<10112x128xf32, #tpu.memory_space<vmem_shared>> -> memref<10112x128xf32, #tpu.memory_space<vmem_shared>>
      tpu.wait_indirect_dma semaphore(%arg8 : memref<!tpu.dma_semaphore, #tpu.memory_space<semaphore_mem>>) src(%dma_wait3A_563 : memref<10112x128xf32, #tpu.memory_space<vmem_shared>>) dst(%dma_wait3A_559 : memref<64x128xf32, #tpu.memory_space<vmem>>)
      %dma_wait3A_564 = arith.constant 128 : i32
      %dma_wait3A_565 = arith.constant 0 : i32
      %dma_wait3A_566 = tpu.memref_slice %arg7[%dma_wait3A_564, %dma_wait3A_565] : memref<320x128xf32, #tpu.memory_space<vmem>> -> memref<64x128xf32, #tpu.memory_space<vmem>>
      %dma_wait3A_567 = tpu.memref_slice %arg6[%add3A_520] : memref<8640xi32, #tpu.memory_space<vmem>> -> memref<64xi32, #tpu.memory_space<vmem>>
      %dma_wait3A_568 = arith.constant 0 : i32
      %dma_wait3A_569 = arith.constant 0 : i32
      %dma_wait3A_570 = tpu.memref_slice %arg5[%dma_wait3A_568, %dma_wait3A_569] : memref<10112x128xf32, #tpu.memory_space<vmem_shared>> -> memref<10112x128xf32, #tpu.memory_space<vmem_shared>>
      tpu.wait_indirect_dma semaphore(%arg8 : memref<!tpu.dma_semaphore, #tpu.memory_space<semaphore_mem>>) src(%dma_wait3A_570 : memref<10112x128xf32, #tpu.memory_space<vmem_shared>>) dst(%dma_wait3A_566 : memref<64x128xf32, #tpu.memory_space<vmem>>)
      %dma_wait3A_571 = arith.constant 192 : i32
      %dma_wait3A_572 = arith.constant 0 : i32
      %dma_wait3A_573 = tpu.memref_slice %arg7[%dma_wait3A_571, %dma_wait3A_572] : memref<320x128xf32, #tpu.memory_space<vmem>> -> memref<64x128xf32, #tpu.memory_space<vmem>>
      %dma_wait3A_574 = tpu.memref_slice %arg6[%add3A_531] : memref<8640xi32, #tpu.memory_space<vmem>> -> memref<64xi32, #tpu.memory_space<vmem>>
      %dma_wait3A_575 = arith.constant 0 : i32
      %dma_wait3A_576 = arith.constant 0 : i32
      %dma_wait3A_577 = tpu.memref_slice %arg5[%dma_wait3A_575, %dma_wait3A_576] : memref<10112x128xf32, #tpu.memory_space<vmem_shared>> -> memref<10112x128xf32, #tpu.memory_space<vmem_shared>>
      tpu.wait_indirect_dma semaphore(%arg8 : memref<!tpu.dma_semaphore, #tpu.memory_space<semaphore_mem>>) src(%dma_wait3A_577 : memref<10112x128xf32, #tpu.memory_space<vmem_shared>>) dst(%dma_wait3A_573 : memref<64x128xf32, #tpu.memory_space<vmem>>)
      %dma_wait3A_578 = arith.constant 256 : i32
      %dma_wait3A_579 = arith.constant 0 : i32
      %dma_wait3A_580 = tpu.memref_slice %arg7[%dma_wait3A_578, %dma_wait3A_579] : memref<320x128xf32, #tpu.memory_space<vmem>> -> memref<64x128xf32, #tpu.memory_space<vmem>>
      %dma_wait3A_581 = tpu.memref_slice %arg6[%add3A_542] : memref<8640xi32, #tpu.memory_space<vmem>> -> memref<64xi32, #tpu.memory_space<vmem>>
      %dma_wait3A_582 = arith.constant 0 : i32
      %dma_wait3A_583 = arith.constant 0 : i32
      %dma_wait3A_584 = tpu.memref_slice %arg5[%dma_wait3A_582, %dma_wait3A_583] : memref<10112x128xf32, #tpu.memory_space<vmem_shared>> -> memref<10112x128xf32, #tpu.memory_space<vmem_shared>>
      tpu.wait_indirect_dma semaphore(%arg8 : memref<!tpu.dma_semaphore, #tpu.memory_space<semaphore_mem>>) src(%dma_wait3A_584 : memref<10112x128xf32, #tpu.memory_space<vmem_shared>>) dst(%dma_wait3A_580 : memref<64x128xf32, #tpu.memory_space<vmem>>)
      %barrier3A_585 = arith.constant 0 : index
      tpu.barrier barrier_id(%barrier3A_585)
    }
    %scan3A_477 = arith.constant 26 : i32
    "tpu.region"() ({
      %run_scoped3A = tpu.sem_alloc : memref<!tpu.dma_semaphore, #tpu.memory_space<semaphore_mem>>
      %dma_start3A_478 = arith.constant 0 : i32
      %dma_start3A_479 = tpu.memref_slice %arg4[%mul3A_2, %dma_start3A_478] : memref<10240x128xf32, #tpu.memory_space<hbm>> -> memref<320x128xf32, #tpu.memory_space<hbm>>
      %dma_start3A_480 = arith.constant 0 : i32
      %dma_start3A_481 = tpu.memref_slice %arg4[%mul3A_2, %dma_start3A_480] : memref<10240x128xf32, #tpu.memory_space<hbm>> -> memref<320x128xf32, #tpu.memory_space<hbm>>
      tpu.enqueue_dma source(%arg7 : memref<320x128xf32, #tpu.memory_space<vmem>>) target(%dma_start3A_481 : memref<320x128xf32, #tpu.memory_space<hbm>>) target_semaphore(%run_scoped3A : memref<!tpu.dma_semaphore, #tpu.memory_space<semaphore_mem>>)
      %dma_wait3A_482 = arith.constant 0 : i32
      %dma_wait3A_483 = tpu.memref_slice %arg4[%mul3A_2, %dma_wait3A_482] : memref<10240x128xf32, #tpu.memory_space<hbm>> -> memref<320x128xf32, #tpu.memory_space<hbm>>
      %dma_wait3A_484 = arith.constant 0 : i32
      %dma_wait3A_485 = tpu.memref_slice %arg4[%mul3A_2, %dma_wait3A_484] : memref<10240x128xf32, #tpu.memory_space<hbm>> -> memref<320x128xf32, #tpu.memory_space<hbm>>
      tpu.wait_dma2 semaphore(%run_scoped3A : memref<!tpu.dma_semaphore, #tpu.memory_space<semaphore_mem>>) src(%arg7 : memref<320x128xf32, #tpu.memory_space<vmem>>) dst(%dma_wait3A_485 : memref<320x128xf32, #tpu.memory_space<hbm>>)
      tpu.yield
    }) : () -> ()
    return
  }
}

module attributes {stable_mosaic.version = 14 : i64} {
  func.func @_e1_body(%arg0: i32, %arg1: memref<1024x128xf32, #tpu.memory_space<vmem>>, %arg2: memref<128xf32, #tpu.memory_space<vmem>>, %arg3: memref<128xf32, #tpu.memory_space<vmem>>, %arg4: memref<1024x128xf32, #tpu.memory_space<vmem>>) attributes {dimension_semantics = [#tpu.dimension_semantics<arbitrary>], iteration_bounds = array<i64: 10>, scalar_prefetch = 0 : i64, scratch_operands = 0 : i64, tpu.core_type = #tpu.core_type<tc>, window_params = [{transform_indices = @transform_0, window_bounds = array<i64: 1024, 128>}, {pipeline_mode = #tpu.pipeline_mode<synchronous>, transform_indices = @transform_1, window_bounds = array<i64: 128>}, {pipeline_mode = #tpu.pipeline_mode<synchronous>, transform_indices = @transform_2, window_bounds = array<i64: 128>}, {transform_indices = @transform_3, window_bounds = array<i64: 1024, 128>}]} {
    %get3A = arith.constant 0 : index
    %get3A_0 = arith.constant 0 : index
    %get3A_1 = vector.load %arg1[%get3A, %get3A_0] : memref<1024x128xf32, #tpu.memory_space<vmem>>, vector<1024x128xf32>
    %reduce_sum3A = arith.constant dense<0.000000e+00> : vector<1024xf32>
    %reduce_sum3A_2 = vector.multi_reduction <add>, %get3A_1, %reduce_sum3A [1] : vector<1024x128xf32> to vector<1024xf32>
    %broadcast_in_dim3A = vector.shape_cast %reduce_sum3A_2 : vector<1024xf32> to vector<1024x1xf32>
    %div3A = arith.constant 1.280000e+02 : f32
    %div3A_3 = vector.broadcast %div3A : f32 to vector<1024x1xf32>
    %div3A_4 = arith.divf %broadcast_in_dim3A, %div3A_3 : vector<1024x1xf32>
    %sub3A = vector.broadcast %div3A_4 : vector<1024x1xf32> to vector<1024x128xf32>
    %sub3A_5 = arith.subf %get3A_1, %sub3A : vector<1024x128xf32>
    %integer_pow3A = arith.mulf %sub3A_5, %sub3A_5 : vector<1024x128xf32>
    %reduce_sum3A_6 = arith.constant dense<0.000000e+00> : vector<1024xf32>
    %reduce_sum3A_7 = vector.multi_reduction <add>, %integer_pow3A, %reduce_sum3A_6 [1] : vector<1024x128xf32> to vector<1024xf32>
    %broadcast_in_dim3A_8 = vector.shape_cast %reduce_sum3A_7 : vector<1024xf32> to vector<1024x1xf32>
    %div3A_9 = arith.constant 1.280000e+02 : f32
    %div3A_10 = vector.broadcast %div3A_9 : f32 to vector<1024x1xf32>
    %div3A_11 = arith.divf %broadcast_in_dim3A_8, %div3A_10 : vector<1024x1xf32>
    %sub3A_12 = vector.broadcast %div3A_4 : vector<1024x1xf32> to vector<1024x128xf32>
    %sub3A_13 = arith.subf %get3A_1, %sub3A_12 : vector<1024x128xf32>
    %add3A = arith.constant 9.99999997E-7 : f32
    %add3A_14 = vector.broadcast %add3A : f32 to vector<1024x1xf32>
    %add3A_15 = arith.addf %div3A_11, %add3A_14 : vector<1024x1xf32>
    %rsqrt3A = math.rsqrt %add3A_15 : vector<1024x1xf32>
    %mul3A = vector.broadcast %rsqrt3A : vector<1024x1xf32> to vector<1024x128xf32>
    %mul3A_16 = arith.mulf %sub3A_13, %mul3A : vector<1024x128xf32>
    %get3A_17 = arith.constant 0 : index
    %get3A_18 = vector.load %arg2[%get3A_17] : memref<128xf32, #tpu.memory_space<vmem>>, vector<128xf32>
    %broadcast_in_dim3A_19 = vector.shape_cast %get3A_18 : vector<128xf32> to vector<1x128xf32>
    %mul3A_20 = vector.broadcast %broadcast_in_dim3A_19 : vector<1x128xf32> to vector<1024x128xf32>
    %mul3A_21 = arith.mulf %mul3A_16, %mul3A_20 : vector<1024x128xf32>
    %get3A_22 = arith.constant 0 : index
    %get3A_23 = vector.load %arg3[%get3A_22] : memref<128xf32, #tpu.memory_space<vmem>>, vector<128xf32>
    %broadcast_in_dim3A_24 = vector.shape_cast %get3A_23 : vector<128xf32> to vector<1x128xf32>
    %add3A_25 = vector.broadcast %broadcast_in_dim3A_24 : vector<1x128xf32> to vector<1024x128xf32>
    %add3A_26 = arith.addf %mul3A_21, %add3A_25 : vector<1024x128xf32>
    %logistic3A = arith.negf %add3A_26 : vector<1024x128xf32>
    %logistic3A_27 = math.exp %logistic3A : vector<1024x128xf32>
    %logistic3A_28 = arith.constant 1.000000e+00 : f32
    %logistic3A_29 = vector.broadcast %logistic3A_28 : f32 to vector<1024x128xf32>
    %logistic3A_30 = arith.addf %logistic3A_29, %logistic3A_27 : vector<1024x128xf32>
    %logistic3A_31 = arith.divf %logistic3A_29, %logistic3A_30 : vector<1024x128xf32>
    %mul3A_32 = arith.mulf %add3A_26, %logistic3A_31 : vector<1024x128xf32>
    %mul3A_33 = arith.constant 1024 : i32
    %mul3A_34 = arith.muli %arg0, %mul3A_33 : i32
    %iota3A = tpu.iota {dimensions = array<i32: 0>} : vector<1024x1xi32>
    %add3A_35 = vector.broadcast %mul3A_34 : i32 to vector<1024x1xi32>
    %add3A_36 = arith.addi %add3A_35, %iota3A : vector<1024x1xi32>
    %lt3A = arith.constant 10000 : i32
    %lt3A_37 = vector.broadcast %lt3A : i32 to vector<1024x1xi32>
    %lt3A_38 = arith.cmpi slt, %add3A_36, %lt3A_37 : vector<1024x1xi32>
    %jit3A = arith.constant 0.000000e+00 : f32
    %broadcast_in_dim3A_39 = vector.shape_cast %lt3A_38 : vector<1024x1xi1> to vector<1024x1xi1>
    %broadcast_in_dim3A_40 = vector.broadcast %broadcast_in_dim3A_39 : vector<1024x1xi1> to vector<1024x128xi1>
    %broadcast_in_dim3A_41 = vector.broadcast %jit3A : f32 to vector<1024x128xf32>
    %select_n3A = arith.select %broadcast_in_dim3A_40, %mul3A_32, %broadcast_in_dim3A_41 : vector<1024x128xi1>, vector<1024x128xf32>
    %swap3A = arith.constant 0 : index
    %swap3A_42 = arith.constant 0 : index
    %swap3A_43 = vector.load %arg4[%swap3A, %swap3A_42] : memref<1024x128xf32, #tpu.memory_space<vmem>>, vector<1024x128xf32>
    tpu.vector_store %arg4[%swap3A, %swap3A_42], %select_n3A {strides = array<i32>} : memref<1024x128xf32, #tpu.memory_space<vmem>>, vector<1024x128xf32>,
    return
  }
  func.func @transform_0(%arg0: i32) -> (i32, i32) {
    %c0_i32 = arith.constant 0 : i32
    %c0_i32_0 = arith.constant 0 : i32
    return %arg0, %c0_i32 : i32, i32
  }
  func.func @transform_1(%arg0: i32) -> i32 {
    %c0_i32 = arith.constant 0 : i32
    %c0_i32_0 = arith.constant 0 : i32
    return %c0_i32 : i32
  }
  func.func @transform_2(%arg0: i32) -> i32 {
    %c0_i32 = arith.constant 0 : i32
    %c0_i32_0 = arith.constant 0 : i32
    return %c0_i32 : i32
  }
  func.func @transform_3(%arg0: i32) -> (i32, i32) {
    %c0_i32 = arith.constant 0 : i32
    %c0_i32_0 = arith.constant 0 : i32
    return %arg0, %c0_i32 : i32, i32
  }
}

module attributes {stable_mosaic.version = 14 : i64} {
  func.func @_mm_body(%arg0: i32, %arg1: i32, %arg2: memref<1024x128xf32, #tpu.memory_space<vmem>>, %arg3: memref<1x128x128xf32, #tpu.memory_space<vmem>>, %arg4: memref<1x1024x128xf32, #tpu.memory_space<vmem>>) attributes {dimension_semantics = [#tpu.dimension_semantics<arbitrary>, #tpu.dimension_semantics<arbitrary>], iteration_bounds = array<i64: 10, 27>, scalar_prefetch = 0 : i64, scratch_operands = 0 : i64, tpu.core_type = #tpu.core_type<tc>, window_params = [{transform_indices = @transform_0, window_bounds = array<i64: 1024, 128>}, {transform_indices = @transform_1, window_bounds = array<i64: 1, 128, 128>}, {transform_indices = @transform_2, window_bounds = array<i64: 1, 1024, 128>}]} {
    %get3A = arith.constant 0 : index
    %get3A_0 = arith.constant 0 : index
    %get3A_1 = vector.load %arg2[%get3A, %get3A_0] : memref<1024x128xf32, #tpu.memory_space<vmem>>, vector<1024x128xf32>
    %get3A_2 = arith.constant 0 : index
    %get3A_3 = arith.constant 0 : index
    %get3A_4 = arith.constant 0 : index
    %get3A_5 = vector.load %arg3[%get3A_2, %get3A_3, %get3A_4] : memref<1x128x128xf32, #tpu.memory_space<vmem>>, vector<1x128x128xf32>
    %get3A_6 = vector.shape_cast %get3A_5 : vector<1x128x128xf32> to vector<128x128xf32>
    %dot_general3A = arith.constant dense<0.000000e+00> : vector<1024x128xf32>
    %dot_general3A_7 = tpu.matmul %get3A_1, %get3A_6, %dot_general3A {dimension_numbers = #tpu.dot_dimension_numbers<[1], [0], [0], [1], [0, 0, 1, 1], [], []>, transpose_lhs_hint = false} : vector<1024x128xf32>, vector<128x128xf32>, vector<1024x128xf32> -> vector<1024x128xf32>
    %swap3A = arith.constant 0 : index
    %swap3A_8 = arith.constant 0 : index
    %swap3A_9 = arith.constant 0 : index
    %swap3A_10 = vector.load %arg4[%swap3A, %swap3A_8, %swap3A_9] : memref<1x1024x128xf32, #tpu.memory_space<vmem>>, vector<1x1024x128xf32>
    %swap3A_11 = vector.shape_cast %swap3A_10 : vector<1x1024x128xf32> to vector<1024x128xf32>
    %swap3A_12 = vector.shape_cast %dot_general3A_7 : vector<1024x128xf32> to vector<1x1024x128xf32>
    tpu.vector_store %arg4[%swap3A, %swap3A_8, %swap3A_9], %swap3A_12 {strides = array<i32>} : memref<1x1024x128xf32, #tpu.memory_space<vmem>>, vector<1x1024x128xf32>,
    return
  }
  func.func @transform_0(%arg0: i32, %arg1: i32) -> (i32, i32) {
    %c0_i32 = arith.constant 0 : i32
    %c0_i32_0 = arith.constant 0 : i32
    return %arg0, %c0_i32 : i32, i32
  }
  func.func @transform_1(%arg0: i32, %arg1: i32) -> (i32, i32, i32) {
    %c0_i32 = arith.constant 0 : i32
    %c0_i32_0 = arith.constant 0 : i32
    %c0_i32_1 = arith.constant 0 : i32
    return %arg1, %c0_i32, %c0_i32_0 : i32, i32, i32
  }
  func.func @transform_2(%arg0: i32, %arg1: i32) -> (i32, i32, i32) {
    %c0_i32 = arith.constant 0 : i32
    %c0_i32_0 = arith.constant 0 : i32
    return %arg1, %arg0, %c0_i32 : i32, i32, i32
  }
}

module attributes {stable_mosaic.version = 14 : i64} {
  func.func @_ss_body(%arg0: memref<1x512xf32, #tpu.memory_space<vmem>>, %arg1: memref<512x256xf32, #tpu.memory_space<vmem>>, %arg2: memref<256xf32, #tpu.memory_space<vmem>>, %arg3: memref<1x256xf32, #tpu.memory_space<vmem>>) attributes {dimension_semantics = [], scalar_prefetch = 0 : i64, scratch_operands = 0 : i64, tpu.core_type = #tpu.core_type<tc>} {
    %get3A = arith.constant 0 : index
    %get3A_0 = arith.constant 0 : index
    %get3A_1 = vector.load %arg0[%get3A, %get3A_0] : memref<1x512xf32, #tpu.memory_space<vmem>>, vector<1x512xf32>
    %logistic3A = arith.negf %get3A_1 : vector<1x512xf32>
    %logistic3A_2 = math.exp %logistic3A : vector<1x512xf32>
    %logistic3A_3 = arith.constant 1.000000e+00 : f32
    %logistic3A_4 = vector.broadcast %logistic3A_3 : f32 to vector<1x512xf32>
    %logistic3A_5 = arith.addf %logistic3A_4, %logistic3A_2 : vector<1x512xf32>
    %logistic3A_6 = arith.divf %logistic3A_4, %logistic3A_5 : vector<1x512xf32>
    %mul3A = arith.mulf %get3A_1, %logistic3A_6 : vector<1x512xf32>
    %get3A_7 = arith.constant 0 : index
    %get3A_8 = arith.constant 0 : index
    %get3A_9 = vector.load %arg1[%get3A_7, %get3A_8] : memref<512x256xf32, #tpu.memory_space<vmem>>, vector<512x256xf32>
    %dot_general3A = arith.constant dense<0.000000e+00> : vector<1x256xf32>
    %dot_general3A_10 = tpu.matmul %mul3A, %get3A_9, %dot_general3A {dimension_numbers = #tpu.dot_dimension_numbers<[1], [0], [0], [1], [0, 0, 1, 1], [], []>, transpose_lhs_hint = false} : vector<1x512xf32>, vector<512x256xf32>, vector<1x256xf32> -> vector<1x256xf32>
    %get3A_11 = arith.constant 0 : index
    %get3A_12 = vector.load %arg2[%get3A_11] : memref<256xf32, #tpu.memory_space<vmem>>, vector<256xf32>
    %broadcast_in_dim3A = vector.shape_cast %get3A_12 : vector<256xf32> to vector<1x256xf32>
    %add3A = arith.addf %dot_general3A_10, %broadcast_in_dim3A : vector<1x256xf32>
    %swap3A = arith.constant 0 : index
    %swap3A_13 = arith.constant 0 : index
    %swap3A_14 = vector.load %arg3[%swap3A, %swap3A_13] : memref<1x256xf32, #tpu.memory_space<vmem>>, vector<1x256xf32>
    tpu.vector_store %arg3[%swap3A, %swap3A_13], %add3A {strides = array<i32>} : memref<1x256xf32, #tpu.memory_space<vmem>>, vector<1x256xf32>,
    return
  }
}

module attributes {stable_mosaic.version = 14 : i64} {
  func.func @_final_body(%arg0: i32, %arg1: memref<1000x128xf32, #tpu.memory_space<vmem>>, %arg2: memref<128xf32, #tpu.memory_space<vmem>>, %arg3: memref<1000x128xf32, #tpu.memory_space<vmem>>, %arg4: memref<1000x128xf32, #tpu.memory_space<vmem>>) attributes {dimension_semantics = [#tpu.dimension_semantics<arbitrary>], iteration_bounds = array<i64: 10>, scalar_prefetch = 0 : i64, scratch_operands = 0 : i64, tpu.core_type = #tpu.core_type<tc>, window_params = [{transform_indices = @transform_0, window_bounds = array<i64: 1000, 128>}, {pipeline_mode = #tpu.pipeline_mode<synchronous>, transform_indices = @transform_1, window_bounds = array<i64: 128>}, {transform_indices = @transform_2, window_bounds = array<i64: 1000, 128>}, {transform_indices = @transform_3, window_bounds = array<i64: 1000, 128>}]} {
    %get3A = arith.constant 0 : index
    %get3A_0 = arith.constant 0 : index
    %get3A_1 = vector.load %arg1[%get3A, %get3A_0] : memref<1000x128xf32, #tpu.memory_space<vmem>>, vector<1000x128xf32>
    %get3A_2 = arith.constant 0 : index
    %get3A_3 = vector.load %arg2[%get3A_2] : memref<128xf32, #tpu.memory_space<vmem>>, vector<128xf32>
    %broadcast_in_dim3A = vector.shape_cast %get3A_3 : vector<128xf32> to vector<1x128xf32>
    %add3A = vector.broadcast %broadcast_in_dim3A : vector<1x128xf32> to vector<1000x128xf32>
    %add3A_4 = arith.addf %get3A_1, %add3A : vector<1000x128xf32>
    %get3A_5 = arith.constant 0 : index
    %get3A_6 = arith.constant 0 : index
    %get3A_7 = vector.load %arg3[%get3A_5, %get3A_6] : memref<1000x128xf32, #tpu.memory_space<vmem>>, vector<1000x128xf32>
    %add3A_8 = arith.addf %add3A_4, %get3A_7 : vector<1000x128xf32>
    %swap3A = arith.constant 0 : index
    %swap3A_9 = arith.constant 0 : index
    %swap3A_10 = vector.load %arg4[%swap3A, %swap3A_9] : memref<1000x128xf32, #tpu.memory_space<vmem>>, vector<1000x128xf32>
    tpu.vector_store %arg4[%swap3A, %swap3A_9], %add3A_8 {strides = array<i32>} : memref<1000x128xf32, #tpu.memory_space<vmem>>, vector<1000x128xf32>,
    return
  }
  func.func @transform_0(%arg0: i32) -> (i32, i32) {
    %c0_i32 = arith.constant 0 : i32
    %c0_i32_0 = arith.constant 0 : i32
    return %arg0, %c0_i32 : i32, i32
  }
  func.func @transform_1(%arg0: i32) -> i32 {
    %c0_i32 = arith.constant 0 : i32
    %c0_i32_0 = arith.constant 0 : i32
    return %c0_i32 : i32
  }
  func.func @transform_2(%arg0: i32) -> (i32, i32) {
    %c0_i32 = arith.constant 0 : i32
    %c0_i32_0 = arith.constant 0 : i32
    return %arg0, %c0_i32 : i32, i32
  }
  func.func @transform_3(%arg0: i32) -> (i32, i32) {
    %c0_i32 = arith.constant 0 : i32
    %c0_i32_0 = arith.constant 0 : i32
    return %arg0, %c0_i32 : i32, i32
  }
}

module attributes {stable_mosaic.version = 14 : i64} {
  func.func @_e2_body(%arg0: i32, %arg1: memref<1024x128xf32, #tpu.memory_space<vmem>>, %arg2: memref<128xf32, #tpu.memory_space<vmem>>, %arg3: memref<1x256xf32, #tpu.memory_space<vmem>>, %arg4: memref<1024x128xf32, #tpu.memory_space<vmem>>) attributes {dimension_semantics = [#tpu.dimension_semantics<arbitrary>], iteration_bounds = array<i64: 10>, scalar_prefetch = 0 : i64, scratch_operands = 0 : i64, tpu.core_type = #tpu.core_type<tc>, window_params = [{transform_indices = @transform_0, window_bounds = array<i64: 1024, 128>}, {pipeline_mode = #tpu.pipeline_mode<synchronous>, transform_indices = @transform_1, window_bounds = array<i64: 128>}, {pipeline_mode = #tpu.pipeline_mode<synchronous>, transform_indices = @transform_2, window_bounds = array<i64: 1, 256>}, {transform_indices = @transform_3, window_bounds = array<i64: 1024, 128>}]} {
    %get3A = arith.constant 0 : index
    %get3A_0 = arith.constant 0 : index
    %get3A_1 = vector.load %arg1[%get3A, %get3A_0] : memref<1024x128xf32, #tpu.memory_space<vmem>>, vector<1024x128xf32>
    %get3A_2 = arith.constant 0 : index
    %get3A_3 = vector.load %arg2[%get3A_2] : memref<128xf32, #tpu.memory_space<vmem>>, vector<128xf32>
    %broadcast_in_dim3A = vector.shape_cast %get3A_3 : vector<128xf32> to vector<1x128xf32>
    %add3A = vector.broadcast %broadcast_in_dim3A : vector<1x128xf32> to vector<1024x128xf32>
    %add3A_4 = arith.addf %get3A_1, %add3A : vector<1024x128xf32>
    %reduce_sum3A = arith.constant dense<0.000000e+00> : vector<1024xf32>
    %reduce_sum3A_5 = vector.multi_reduction <add>, %add3A_4, %reduce_sum3A [1] : vector<1024x128xf32> to vector<1024xf32>
    %broadcast_in_dim3A_6 = vector.shape_cast %reduce_sum3A_5 : vector<1024xf32> to vector<1024x1xf32>
    %div3A = arith.constant 1.280000e+02 : f32
    %div3A_7 = vector.broadcast %div3A : f32 to vector<1024x1xf32>
    %div3A_8 = arith.divf %broadcast_in_dim3A_6, %div3A_7 : vector<1024x1xf32>
    %sub3A = vector.broadcast %div3A_8 : vector<1024x1xf32> to vector<1024x128xf32>
    %sub3A_9 = arith.subf %add3A_4, %sub3A : vector<1024x128xf32>
    %integer_pow3A = arith.mulf %sub3A_9, %sub3A_9 : vector<1024x128xf32>
    %reduce_sum3A_10 = arith.constant dense<0.000000e+00> : vector<1024xf32>
    %reduce_sum3A_11 = vector.multi_reduction <add>, %integer_pow3A, %reduce_sum3A_10 [1] : vector<1024x128xf32> to vector<1024xf32>
    %broadcast_in_dim3A_12 = vector.shape_cast %reduce_sum3A_11 : vector<1024xf32> to vector<1024x1xf32>
    %div3A_13 = arith.constant 1.280000e+02 : f32
    %div3A_14 = vector.broadcast %div3A_13 : f32 to vector<1024x1xf32>
    %div3A_15 = arith.divf %broadcast_in_dim3A_12, %div3A_14 : vector<1024x1xf32>
    %sub3A_16 = vector.broadcast %div3A_8 : vector<1024x1xf32> to vector<1024x128xf32>
    %sub3A_17 = arith.subf %add3A_4, %sub3A_16 : vector<1024x128xf32>
    %add3A_18 = arith.constant 9.99999997E-7 : f32
    %add3A_19 = vector.broadcast %add3A_18 : f32 to vector<1024x1xf32>
    %add3A_20 = arith.addf %div3A_15, %add3A_19 : vector<1024x1xf32>
    %rsqrt3A = math.rsqrt %add3A_20 : vector<1024x1xf32>
    %mul3A = vector.broadcast %rsqrt3A : vector<1024x1xf32> to vector<1024x128xf32>
    %mul3A_21 = arith.mulf %sub3A_17, %mul3A : vector<1024x128xf32>
    %get3A_22 = arith.constant 0 : index
    %get3A_23 = arith.constant 0 : index
    %get3A_24 = vector.load %arg3[%get3A_22, %get3A_23] : memref<1x256xf32, #tpu.memory_space<vmem>>, vector<1x128xf32>
    %get3A_25 = vector.shape_cast %get3A_24 : vector<1x128xf32> to vector<128xf32>
    %get3A_26 = arith.constant 0 : index
    %get3A_27 = arith.constant 128 : index
    %get3A_28 = vector.load %arg3[%get3A_26, %get3A_27] : memref<1x256xf32, #tpu.memory_space<vmem>>, vector<1x128xf32>
    %get3A_29 = vector.shape_cast %get3A_28 : vector<1x128xf32> to vector<128xf32>
    %add3A_30 = arith.constant 1.000000e+00 : f32
    %add3A_31 = vector.broadcast %add3A_30 : f32 to vector<128xf32>
    %add3A_32 = arith.addf %add3A_31, %get3A_25 : vector<128xf32>
    %broadcast_in_dim3A_33 = vector.shape_cast %add3A_32 : vector<128xf32> to vector<1x128xf32>
    %mul3A_34 = vector.broadcast %broadcast_in_dim3A_33 : vector<1x128xf32> to vector<1024x128xf32>
    %mul3A_35 = arith.mulf %mul3A_21, %mul3A_34 : vector<1024x128xf32>
    %broadcast_in_dim3A_36 = vector.shape_cast %get3A_29 : vector<128xf32> to vector<1x128xf32>
    %add3A_37 = vector.broadcast %broadcast_in_dim3A_36 : vector<1x128xf32> to vector<1024x128xf32>
    %add3A_38 = arith.addf %mul3A_35, %add3A_37 : vector<1024x128xf32>
    %logistic3A = arith.negf %add3A_38 : vector<1024x128xf32>
    %logistic3A_39 = math.exp %logistic3A : vector<1024x128xf32>
    %logistic3A_40 = arith.constant 1.000000e+00 : f32
    %logistic3A_41 = vector.broadcast %logistic3A_40 : f32 to vector<1024x128xf32>
    %logistic3A_42 = arith.addf %logistic3A_41, %logistic3A_39 : vector<1024x128xf32>
    %logistic3A_43 = arith.divf %logistic3A_41, %logistic3A_42 : vector<1024x128xf32>
    %mul3A_44 = arith.mulf %add3A_38, %logistic3A_43 : vector<1024x128xf32>
    %mul3A_45 = arith.constant 1024 : i32
    %mul3A_46 = arith.muli %arg0, %mul3A_45 : i32
    %iota3A = tpu.iota {dimensions = array<i32: 0>} : vector<1024x1xi32>
    %add3A_47 = vector.broadcast %mul3A_46 : i32 to vector<1024x1xi32>
    %add3A_48 = arith.addi %add3A_47, %iota3A : vector<1024x1xi32>
    %lt3A = arith.constant 10000 : i32
    %lt3A_49 = vector.broadcast %lt3A : i32 to vector<1024x1xi32>
    %lt3A_50 = arith.cmpi slt, %add3A_48, %lt3A_49 : vector<1024x1xi32>
    %jit3A = arith.constant 0.000000e+00 : f32
    %broadcast_in_dim3A_51 = vector.shape_cast %lt3A_50 : vector<1024x1xi1> to vector<1024x1xi1>
    %broadcast_in_dim3A_52 = vector.broadcast %broadcast_in_dim3A_51 : vector<1024x1xi1> to vector<1024x128xi1>
    %broadcast_in_dim3A_53 = vector.broadcast %jit3A : f32 to vector<1024x128xf32>
    %select_n3A = arith.select %broadcast_in_dim3A_52, %mul3A_44, %broadcast_in_dim3A_53 : vector<1024x128xi1>, vector<1024x128xf32>
    %swap3A = arith.constant 0 : index
    %swap3A_54 = arith.constant 0 : index
    %swap3A_55 = vector.load %arg4[%swap3A, %swap3A_54] : memref<1024x128xf32, #tpu.memory_space<vmem>>, vector<1024x128xf32>
    tpu.vector_store %arg4[%swap3A, %swap3A_54], %select_n3A {strides = array<i32>} : memref<1024x128xf32, #tpu.memory_space<vmem>>, vector<1024x128xf32>,
    return
  }
  func.func @transform_0(%arg0: i32) -> (i32, i32) {
    %c0_i32 = arith.constant 0 : i32
    %c0_i32_0 = arith.constant 0 : i32
    return %arg0, %c0_i32 : i32, i32
  }
  func.func @transform_1(%arg0: i32) -> i32 {
    %c0_i32 = arith.constant 0 : i32
    %c0_i32_0 = arith.constant 0 : i32
    return %c0_i32 : i32
  }
  func.func @transform_2(%arg0: i32) -> (i32, i32) {
    %c0_i32 = arith.constant 0 : i32
    %c0_i32_0 = arith.constant 0 : i32
    %c0_i32_1 = arith.constant 0 : i32
    return %c0_i32, %c0_i32_0 : i32, i32
  }
  func.func @transform_3(%arg0: i32) -> (i32, i32) {
    %c0_i32 = arith.constant 0 : i32
    %c0_i32_0 = arith.constant 0 : i32
    return %arg0, %c0_i32 : i32, i32
  }
}

</mosaic_0001>

<sc_bundles>
// kernel: kernel.10.cloned.1.call-start
scs
__scs_entry_jumppad:
0x0: {  	(pc) =	sbr.rel $0x88, $3  }
0x1: {  	(tag) =	ssettag $0x0;
	lr =	simm.s32 $0x1  }
0x2: {  	[smem:$0x3F96] =	sst lr;
	_ =	strace $0xD0000000  }
0x3: {  	_ = 	snop  }
0x4: {  	_ = 	snop  }
0x5: {  	_ = 	snop  }
0x6: {  	_ = 	snop  }
0x7: {  	_ = 	snop  }
__scs_overlays_trampoline_lowered:
0x8: {  	[smem:$0x3FA5] =	sst s0  }
0x9: {  	[smem:$0x3FA6] =	sst s1  }
0xa: {  	[smem:$0x3FA7] =	sst s2  }
0xb: {  	[smem:$0x3FA8] =	sst s3  }
0xc: {  	[smem:$0x3FA9] =	sst s4  }
0xd: {  	[smem:$0x3FAA] =	sst s5  }
0xe: {  	[smem:$0x3FAB] =	sst s6  }
0xf: {  	[smem:$0x3FAC] =	sst s7  }
0x10: {  	[smem:$0x3FAD] =	sst s8  }
0x11: {  	[smem:$0x3FAE] =	sst s9;
	s0 =	simm.s32 @!p0 $0x0  }
0x12: {  	s1 =	sld [smem:$0x3F94];
	s0 =	simm.s32 @p0 $0x1  }
0x13: {  	[smem:$0x3FAF] =	sst s0;
	s0 =	simm.s32 @!p1 $0x0  }
0x14: {  	s2 =	sld [smem:$0x3F93];
	s0 =	simm.s32 @p1 $0x1  }
0x15: {  	[smem:$0x3FB0] =	sst s0;
	s0 =	simm.s32 @!p2 $0x0  }
0x16: {  	s3 =	sld [smem:$0x3FDB];
	s0 =	simm.s32 @p2 $0x1  }
0x17: {  	s4 =	simm.s32 $0x1BF5;
	[smem:$0x3FB2] =	sst s0  }
0x18: {  	s0 =	sld [smem:$0x3F95];
	_ =	swait.ge [sflag:s4], $0x0  }
0x19: {  	s7 =	sld [smem:$0x3F96]  }
0x1a: {  	s8 =	sadd.s32 $0xFFFFE003, lr  }
0x1b: {  	s9 =	sadd.s32 $0xFFFFFEF7, lr;
	s5 =	simm.s32 $0xFFFFFFFF;
	p2 =	slt.u32 s8, $0xFFFFF086  }
0x1c: {  	p1 =	slt.u32 s9, $0xF7A;
	s5 =	simm.s32 @!p2 $0x0  }
0x1d: {  	s5 =	simm.s32 @p1 $0x1;
	p0 =	seq.s32 s7, s2  }
0x1e: {  	s7 =	smul.u32 @!p0 $0xF7A, s2;
	p2 =	seq.s32 @!p0 s5, $0x0  }
0x1f: {  	s9 =	smul.u32 $0xF7A, s1;
	s8 =	simm.s32 @!p0 $0x1BF5;
	p2 =	por !p2, p0  }
0x20: {  	[sflag:s8] =	ssyncset.s32 @!p0 $0xFFFFF086;
	s6 =	sadd.s32 @!p0 s3, s7;
	s7 =	simm.s32 @!p0 $0x108  }
0x21: {  	s3 =	sadd.s32 s3, s9;
	s6 =	sadd.s32 @!p0 $0x88, s6;
	s7 =	simm.s32 @p2 $0x1082  }
0x22: {  	[simem:s7], [sflag:s8] =	dma.local @!p0 [hbm:s6], $0xF7A  }
0x23: {  	s9 =	sor.u32 $0xD0000000, s2;
	s6 =	simm.s32 $0x108;
	_ =	swait.ge @!p0 [sflag:s8], $0x0  }
0x24: {  	s3 =	sadd.s32 $0x88, s3;
	s6 =	simm.s32 @!p1 $0x1082;
	[sflag:s4] =	ssyncset.s32 $0xFFFFF086  }
0x25: {  	[simem:s6], [sflag:s4] =	dma.local [hbm:s3], $0xF7A  }
0x26: {  	[smem:$0x3F96] =	sst s1;
	(tag) =	ssettag s2;
	_ =	strace s9  }
0x27: {  	s1 =	sld [smem:$0x3FA6]  }
0x28: {  	s2 =	sld [smem:$0x3FA7]  }
0x29: {  	s4 =	sld [smem:$0x3FA9]  }
0x2a: {  	p0 =	seq.s32 s5, $0x0;
	s5 =	sld [smem:$0x3FAA]  }
0x2b: {  	s6 =	sld [smem:$0x3FAB]  }
0x2c: {  	s7 =	sld [smem:$0x3FAC]  }
0x2d: {  	s3 =	simm.s32 $0x108;
	s8 =	sld [smem:$0x3FAD]  }
0x2e: {  	s3 =	simm.s32 @!p0 $0x1082;
	s9 =	sld [smem:$0x3FAE]  }
0x2f: {  	lr =	sadd.s32 s0, s3;
	s0 =	sld [smem:$0x3FA5]  }
0x30: {  	s3 =	sld [smem:$0x3FA8]  }
0x31: {  	[smem:$0x3FB1] =	sst s10  }
0x32: {  	s10 =	sld [smem:$0x3FAF];
	_ =	sdelay $0x3  }
0x33: {  	p0 =	seq.s32 s10, $0x1;
	s10 =	sld [smem:$0x3FB1];
	_ =	sdelay $0x3  }
0x34: {  	[smem:$0x3FB1] =	sst s10  }
0x35: {  	s10 =	sld [smem:$0x3FB0];
	_ =	sdelay $0x3  }
0x36: {  	p1 =	seq.s32 s10, $0x1;
	s10 =	sld [smem:$0x3FB1];
	_ =	sdelay $0x3  }
0x37: {  	[smem:$0x3FB1] =	sst s10  }
0x38: {  	s10 =	sld [smem:$0x3FB2]  }
0x39: {  	_ = 	snop;
	(pc) =	sbr.ind lr, $3  }
0x3a: {  	_ = 	snop  }
0x3b: {  	_ = 	snop  }
0x3c: {  	p2 =	seq.s32 s10, $0x1;
	s10 =	sld [smem:$0x3FB1]  }
0x3d: {  	_ =	shalt  }
0x3e: {  	_ =	shalt  }
0x3f: {  	_ =	shalt  }
0x40: {  	_ =	shalt  }
0x41: {  	_ =	shalt  }
0x42: {  	_ =	shalt  }
0x43: {  	_ =	shalt  }
0x44: {  	_ =	shalt  }
0x45: {  	_ =	shalt  }
0x46: {  	_ =	shalt  }
0x47: {  	_ =	shalt  }
0x48: {  	_ =	shalt  }
0x49: {  	_ =	shalt  }
0x4a: {  	_ =	shalt  }
0x4b: {  	_ =	shalt  }
0x4c: {  	_ =	shalt  }
0x4d: {  	_ =	shalt  }
0x4e: {  	_ =	shalt  }
0x4f: {  	_ =	shalt  }
0x50: {  	_ =	shalt  }
0x51: {  	_ =	shalt  }
0x52: {  	_ =	shalt  }
0x53: {  	_ =	shalt  }
0x54: {  	_ =	shalt  }
0x55: {  	_ =	shalt  }
0x56: {  	_ =	shalt  }
0x57: {  	_ =	shalt  }
0x58: {  	_ =	shalt  }
0x59: {  	_ =	shalt  }
0x5a: {  	_ =	shalt  }
0x5b: {  	_ =	shalt  }
0x5c: {  	_ =	shalt  }
0x5d: {  	_ =	shalt  }
0x5e: {  	_ =	shalt  }
0x5f: {  	_ =	shalt  }
0x60: {  	_ =	shalt  }
0x61: {  	_ =	shalt  }
0x62: {  	_ =	shalt  }
0x63: {  	_ =	shalt  }
0x64: {  	_ =	shalt  }
0x65: {  	_ =	shalt  }
0x66: {  	_ =	shalt  }
0x67: {  	_ =	shalt  }
0x68: {  	_ =	shalt  }
0x69: {  	_ =	shalt  }
0x6a: {  	_ =	shalt  }
0x6b: {  	_ =	shalt  }
0x6c: {  	_ =	shalt  }
0x6d: {  	_ =	shalt  }
0x6e: {  	_ =	shalt  }
0x6f: {  	_ =	shalt  }
0x70: {  	_ =	shalt  }
0x71: {  	_ =	shalt  }
0x72: {  	_ =	shalt  }
0x73: {  	_ =	shalt  }
0x74: {  	_ =	shalt  }
0x75: {  	_ =	shalt  }
0x76: {  	_ =	shalt  }
0x77: {  	_ =	shalt  }
0x78: {  	_ =	shalt  }
0x79: {  	_ =	shalt  }
0x7a: {  	_ =	shalt  }
0x7b: {  	_ =	shalt  }
0x7c: {  	_ =	shalt  }
0x7d: {  	_ =	shalt  }
0x7e: {  	_ =	shalt  }
0x7f: {  	_ =	shalt  }
0x80: {  	_ =	shalt  }
0x81: {  	_ =	shalt  }
0x82: {  	_ =	shalt  }
0x83: {  	_ =	shalt  }
0x84: {  	_ =	shalt  }
0x85: {  	_ =	shalt  }
0x86: {  	_ =	shalt  }
0x87: {  	_ =	shalt  }
.Lfunc_end0:
.L_simem_size_0:
called_computation_lowered:
.L_overlay_start_0:
0x88: {  	s2 =	sld [smem:$0x3FD9]  }
0x89: {  	s3 =	sld [smem:$0x3FFE];
	_ =	sdelay $0x1  }
0x8a: {  	s1 =	srdreg.scid  }
0x8b: {  	s0 =	sand.u32 $0x1, s1  }
0x8c: {  	s17 =	sshll.u32 s0, $0xA;
	s2 =	sadd.s32 s3, s2  }
0x8d: {  	s2 =	sadd.s32 s2, s17  }
0x8e: {  	[smem:$0x3FBD] =	sst s2  }
0x8f: {  	_ = 	snop  }
0x90: {  	s2 =	sld [smem:$0x3FD0];
	(tm) =	ssettm $0x1  }
0x91: {  	s18 =	sld [smem:$0x3FFB];
	_ =	sdelay $0x3  }
0x92: {  	_ =	strace s18  }
0x93: {  	s3 =	sld [smem:$0x3FFC];
	_ =	sdelay $0x3  }
0x94: {  	_ =	strace s3  }
0x95: {  	s3 =	sld [smem:$0x3FFD];
	_ =	sdelay $0x3  }
0x96: {  	_ =	strace s3  }
0x97: {  	_ =	strace $0x8FFFFFFF  }
0x98: {  	s19 =	sld [smem:$0x3FDB];
	_ =	sdelay $0x1  }
0x99: {  	s4 =	simm.s32 $_scs_section_size  }
0x9a: {  	s5 =	simm.s32 $_size__tile_overlayer_lowered;
	s6 =	simm.s32 $_tile_overlayer_lowered  }
0x9b: {  	s22 =	simm.s32 $0x1BFF;
	s21 =	sshll.u32 s6, $0x1;
	s3 =	sadd.s32 s4, s19  }
0x9c: {  	s7 =	simm.s32 $0x0;
	s20 =	sshll.u32 s5, $0x1;
	s5 =	sadd.s32 s21, s3  }
0x9d: {  	[timem:s7], [sflag:s22] =	dma.local [hbm:s5], s20  }
0x9e: {  	_ =	swait.ge [sflag:s22], s20  }
0x9f: {  	s4 =	ssub.s32 $0x0, s20;
	[sflag:s22] =	ssyncset.done $0x0  }
0xa0: {  	[sflag:s22] =	ssyncadd.s32 s4;
	_ =	sdelay $0x1  }
0xa1: {  	s23 =	simm.s32 $0x1B8B  }
0xa2: {  	_ =	swait.ge [sflag:s23], $0x1  }
0xa3: {  	[sflag:s23] =	ssyncset.done $0x0  }
0xa4: {  	s25 =	simm.s32 $0x1B8E;
	s24 =	sld [smem:$0x3FFE];
	[sflag:s23] =	ssyncadd.s32 $0xFFFFFFFF  }
0xa5: {  	s26 =	simm.s32 $execute0_lowered;
	[smem:$0x3FD2] =	sst s25  }
0xa6: {  	s5 =	sshll.u32 s26, $0x1;
	_ =	strace $0x80000046;
	[dreg:$0x1] =	wrdreg $0xFFFFFFFF  }
0xa7: {  	s28 =	simm.s32 $_size_execute0_lowered;
	s3 =	sadd.s32 s3, s5;
	[dreg:$0x0] =	wrdreg $0x0  }
0xa8: {  	s5 =	sshll.u32 s28, $0x1;
	[dreg:$0x2] =	wrdreg s3  }
0xa9: {  	[dreg:$0x3] =	wrdreg s5  }
0xaa: {  	[dreg:$0x4] =	wrdreg $0xC0  }
0xab: {  	_ =	task [dreg:s7], $0x5FFFF  }
0xac: {  	[dreg:$0x1] =	wrdreg $0xFFFFFFFF  }
0xad: {  	[dreg:$0x0] =	wrdreg $0x60  }
0xae: {  	[dreg:$0x2] =	wrdreg s24  }
0xaf: {  	[dreg:$0x3] =	wrdreg s2  }
0xb0: {  	[dreg:$0x4] =	wrdreg $0x0  }
0xb1: {  	[dreg:$0x5] =	wrdreg $0x9  }
0xb2: {  	_ =	task.clear_ibuf [dreg:s7], $0x6FFFF;
	_ =	strace $0x90000046  }
0xb3: {  	s29 =	simm.s32 $0x9;
	_ =	strace $0x80000048  }
0xb4: {  	_ =	swait.ge [sflag:s29], $0x1  }
0xb5: {  	[sflag:s29] =	ssyncadd.s32 $0xFFFFFFFF  }
0xb6: {  	_ =	strace $0x90000048  }
0xb7: {  	_ =	sfence  }
0xb8: {  	s30 =	sld [smem:$0x0];
	_ =	sdelay $0x2  }
0xb9: {  	s31 =	sshll.u32 s1, $0xD;
	s1 =	sshrl.u32 s1, $0x2  }
0xba: {  	s3 =	sand.u32 $0x4000, s31;
	s1 =	sadd.s32 s1, s30  }
0xbb: {  	s0 =	sor.u32 s3, s0;
	s1 =	sshll.u32 s1, $0x11  }
0xbc: {  	s0 =	sor.u32 s1, s0  }
0xbd: {  	s0 =	sadd.s32 $0x8F2B, s0  }
0xbe: {  	[sflag:s0] =	ssyncadd.remote.s32 $0x1  }
0xbf: {  	_ =	sfence.sel $0xFFFF  }
0xc0: {  	[dreg:$0x0] =	wrdreg $0xFFFFFFFF;
	(pc) =	sbr.abs _section_cstart, $3  }
0xc1: {  	[dreg:$0x1] =	wrdreg $0xFFFFFFFF  }
0xc2: {  	_ =	task.clear_ibuf [dreg:s7], $0x2FFFF;
	_ =	strace $0x9FFFFFFF  }
0xc3: {  	(tm) =	ssettm $0x7FFFFFFF  }
tec
execute0_lowered:
.L_overlay_start_1:
0x0: {  	(tag) =	ssettag $0x1  }
0x1: {  	s0 =	rddreg [dreg:$0x0]  }
0x2: {  	s9 =	stileid.u32;
	s3 =	srdreg.scid  }
0x3: {  	s4 =	sand.u32 $0x1, s3;
	s5 =	sshll.u32 s9, $0x1;
	s6 =	smul.u32 $0x2780, s9  }
0x4: {  	s1 =	rddreg [dreg:$0x1];
	s18 =	smul.u32 $0x4F000, s9;
	s5 =	sor.u32 s4, s5  }
0x5: {  	s2 =	rddreg [dreg:$0x2];
	s3 =	simm.s32 $0x0;
	s7 =	smul.u32 $0x140, s5  }
0x6: {  	[smem:$0x7FF] =	sst s3;
	s8 =	ssub.s32 $0x2, s4;
	s5 =	smul.u32 $0x1400, s5  }
0x7: {  	_ =	strace $0x80000047;
	s6 =	sadd.s32 s6, s0;
	s25 =	sshrl.u32 s8, $0x1  }
0x8: {  	s26 =	ssub.s32 s8, s25;
	s25 =	sadd.s32 $0x1E00, s6;
	s0 =	sadd.s32 s5, s0  }
0x9: {  	s5 =	sshrl.u32 s18, $0x2;
	[dreg:$0x15] =	wrdreg s25;
	s26 =	smax.u32 s26, $0x1  }
0xa: {  	s24 =	sshrl.u32 s7, $0x3;
	s5 =	sadd.s32 s5, s2;
	[dreg:$0x17] =	wrdreg s26  }
0xb: {  	s4 =	sadd.s32 s1, s24;
	s0 =	sadd.s32 $0x439E00, s0;
	[dreg:$0x14] =	wrdreg s5  }
0xc: {  	s7 =	sadd.s32 $0x500, s4;
	[dreg:$0x16] =	wrdreg s0  }
0xd: {  	s8 =	sadd.s32 $0xA00, s4;
	[dreg:$0x4] =	wrdreg s7  }
0xe: {  	s10 =	sadd.s32 $0xF00, s4;
	[dreg:$0x5] =	wrdreg s8  }
0xf: {  	s11 =	sadd.s32 $0x1400, s4;
	[dreg:$0x6] =	wrdreg s10  }
0x10: {  	s12 =	sadd.s32 $0x1900, s4;
	[dreg:$0x7] =	wrdreg s11  }
0x11: {  	s13 =	sadd.s32 $0x1E00, s4;
	[dreg:$0x8] =	wrdreg s12  }
0x12: {  	s14 =	sadd.s32 $0x2300, s4;
	[dreg:$0x9] =	wrdreg s13  }
0x13: {  	s15 =	sadd.s32 $0x2800, s4;
	[dreg:$0xa] =	wrdreg s14  }
0x14: {  	s9 =	simm.s32 $0x2;
	s16 =	sadd.s32 $0x2D00, s4;
	[dreg:$0xb] =	wrdreg s15  }
0x15: {  	s18 =	simm.s32 $0x0;
	s17 =	sadd.s32 $0x3200, s4;
	[dreg:$0xc] =	wrdreg s16  }
0x16: {  	s19 =	sadd.s32 $0x3700, s4;
	s20 =	sadd.s32 $0x3C00, s4;
	[dreg:$0xd] =	wrdreg s17  }
0x17: {  	s21 =	sadd.s32 $0x4100, s4;
	s22 =	sadd.s32 $0x4600, s4;
	[dreg:$0xe] =	wrdreg s19  }
0x18: {  	s23 =	sadd.s32 $0x4B00, s4;
	s24 =	sadd.s32 $0x5000, s4;
	[dreg:$0xf] =	wrdreg s20  }
0x19: {  	s26 =	sadd.s32 $0x5500, s4;
	s28 =	sadd.s32 $0x5A00, s4;
	[dreg:$0x10] =	wrdreg s21  }
0x1a: {  	s29 =	sadd.s32 $0x5F00, s4;
	s30 =	sadd.s32 $0x6400, s4;
	[dreg:$0x11] =	wrdreg s22  }
0x1b: {  	s31 =	sadd.s32 $0x6900, s4;
	s0 =	sadd.s32 $0x6E00, s4;
	[dreg:$0x12] =	wrdreg s23  }
0x1c: {  	s1 =	sadd.s32 $0x7300, s4;
	s5 =	sadd.s32 $0x7800, s4;
	[dreg:$0x13] =	wrdreg s24  }
0x1d: {  	s22 =	sadd.s32 $0x29E00, s6;
	s6 =	sadd.s32 $0x7D00, s4;
	s7 =	sadd.s32 $0x8200, s4  }
0x1e: {  	s8 =	simm.s32 $0x13C00;
	s10 =	simm.s32 $0x40;
	s11 =	simm.s32 $0x15E00  }
0x1f: {  	s12 =	simm.s32 $0x17E00;
	s13 =	simm.s32 $0x19E00;
	s14 =	simm.s32 $0x1BE00  }
0x20: {  	s15 =	simm.s32 $0x1DE00;
	s16 =	simm.s32 $0x1;
	s17 =	simm.s32 $0x3  }
.LBB2_1:
0x21: {  	[tilespmem:s8], [sflag:$0x2] =	stream.linear.gather [hbm4b:s4+s3], $0x140, $0x38;
	[tilespmem:$0x1FE00] =	vst v63  }
0x22: {  	s19 =	rddreg [dreg:$0x4];
	s20 =	simm.s32 $0x13D40  }
0x23: {  	[tilespmem:s20], [sflag:$0x2] =	stream.linear.gather [hbm4b:s19+s3], $0x140, $0x38;
	[tilespmem:$0x1FE00] =	vst v63  }
0x24: {  	s24 =	rddreg [dreg:$0x5];
	s25 =	simm.s32 $0x13E80  }
0x25: {  	[tilespmem:s25], [sflag:$0x2] =	stream.linear.gather [hbm4b:s24+s3], $0x140, $0x38;
	[tilespmem:$0x1FE00] =	vst v63  }
0x26: {  	s21 =	rddreg [dreg:$0x6];
	s23 =	simm.s32 $0x13FC0  }
0x27: {  	[tilespmem:s23], [sflag:$0x2] =	stream.linear.gather [hbm4b:s21+s3], $0x140, $0x38;
	[tilespmem:$0x1FE00] =	vst v63  }
0x28: {  	s24 =	rddreg [dreg:$0x7];
	s25 =	simm.s32 $0x14100  }
0x29: {  	[tilespmem:s25], [sflag:$0x2] =	stream.linear.gather [hbm4b:s24+s3], $0x140, $0x38;
	[tilespmem:$0x1FE00] =	vst v63  }
0x2a: {  	s21 =	rddreg [dreg:$0x8];
	s23 =	simm.s32 $0x14240  }
0x2b: {  	[tilespmem:s23], [sflag:$0x2] =	stream.linear.gather [hbm4b:s21+s3], $0x140, $0x38;
	[tilespmem:$0x1FE00] =	vst v63  }
0x2c: {  	s24 =	rddreg [dreg:$0x9];
	s25 =	simm.s32 $0x14380  }
0x2d: {  	[tilespmem:s25], [sflag:$0x2] =	stream.linear.gather [hbm4b:s24+s3], $0x140, $0x38;
	[tilespmem:$0x1FE00] =	vst v63  }
0x2e: {  	s21 =	rddreg [dreg:$0xa];
	s23 =	simm.s32 $0x144C0  }
0x2f: {  	[tilespmem:s23], [sflag:$0x2] =	stream.linear.gather [hbm4b:s21+s3], $0x140, $0x38;
	[tilespmem:$0x1FE00] =	vst v63  }
0x30: {  	s24 =	rddreg [dreg:$0xb];
	s25 =	simm.s32 $0x14600  }
0x31: {  	[tilespmem:s25], [sflag:$0x2] =	stream.linear.gather [hbm4b:s24+s3], $0x140, $0x38;
	[tilespmem:$0x1FE00] =	vst v63  }
0x32: {  	s21 =	rddreg [dreg:$0xc];
	s23 =	simm.s32 $0x14740  }
0x33: {  	[tilespmem:s23], [sflag:$0x2] =	stream.linear.gather [hbm4b:s21+s3], $0x140, $0x38;
	[tilespmem:$0x1FE00] =	vst v63  }
0x34: {  	s24 =	rddreg [dreg:$0xd];
	s25 =	simm.s32 $0x14880  }
0x35: {  	[tilespmem:s25], [sflag:$0x2] =	stream.linear.gather [hbm4b:s24+s3], $0x140, $0x38;
	[tilespmem:$0x1FE00] =	vst v63  }
0x36: {  	s21 =	rddreg [dreg:$0xe];
	s23 =	simm.s32 $0x149C0  }
0x37: {  	[tilespmem:s23], [sflag:$0x2] =	stream.linear.gather [hbm4b:s21+s3], $0x140, $0x38;
	[tilespmem:$0x1FE00] =	vst v63  }
0x38: {  	s24 =	rddreg [dreg:$0xf];
	s25 =	simm.s32 $0x14B00  }
0x39: {  	[tilespmem:s25], [sflag:$0x2] =	stream.linear.gather [hbm4b:s24+s3], $0x140, $0x38;
	[tilespmem:$0x1FE00] =	vst v63  }
0x3a: {  	s21 =	rddreg [dreg:$0x10];
	s23 =	simm.s32 $0x14C40  }
0x3b: {  	[tilespmem:s23], [sflag:$0x2] =	stream.linear.gather [hbm4b:s21+s3], $0x140, $0x38;
	[tilespmem:$0x1FE00] =	vst v63  }
0x3c: {  	s24 =	rddreg [dreg:$0x11];
	s25 =	simm.s32 $0x14D80  }
0x3d: {  	[tilespmem:s25], [sflag:$0x2] =	stream.linear.gather [hbm4b:s24+s3], $0x140, $0x38;
	[tilespmem:$0x1FE00] =	vst v63  }
0x3e: {  	s21 =	rddreg [dreg:$0x12];
	s23 =	simm.s32 $0x14EC0  }
0x3f: {  	[tilespmem:s23], [sflag:$0x2] =	stream.linear.gather [hbm4b:s21+s3], $0x140, $0x38;
	[tilespmem:$0x1FE00] =	vst v63  }
0x40: {  	s24 =	rddreg [dreg:$0x13];
	s25 =	simm.s32 $0x15000  }
0x41: {  	[tilespmem:s25], [sflag:$0x2] =	stream.linear.gather [hbm4b:s24+s3], $0x140, $0x38;
	[tilespmem:$0x1FE00] =	vst v63  }
0x42: {  	s20 =	simm.s32 $0x15140  }
0x43: {  	[tilespmem:s20], [sflag:$0x2] =	stream.linear.gather [hbm4b:s26+s3], $0x140, $0x38;
	[tilespmem:$0x1FE00] =	vst v63  }
0x44: {  	s21 =	simm.s32 $0x15280  }
0x45: {  	[tilespmem:s21], [sflag:$0x2] =	stream.linear.gather [hbm4b:s28+s3], $0x140, $0x38;
	[tilespmem:$0x1FE00] =	vst v63  }
0x46: {  	s23 =	simm.s32 $0x153C0  }
0x47: {  	[tilespmem:s23], [sflag:$0x2] =	stream.linear.gather [hbm4b:s29+s3], $0x140, $0x38;
	[tilespmem:$0x1FE00] =	vst v63  }
0x48: {  	s24 =	simm.s32 $0x15500  }
0x49: {  	[tilespmem:s24], [sflag:$0x2] =	stream.linear.gather [hbm4b:s30+s3], $0x140, $0x38;
	[tilespmem:$0x1FE00] =	vst v63  }
0x4a: {  	s25 =	simm.s32 $0x15640  }
0x4b: {  	[tilespmem:s25], [sflag:$0x2] =	stream.linear.gather [hbm4b:s31+s3], $0x140, $0x38;
	[tilespmem:$0x1FE00] =	vst v63  }
0x4c: {  	s20 =	simm.s32 $0x15780  }
0x4d: {  	[tilespmem:s20], [sflag:$0x2] =	stream.linear.gather [hbm4b:s0+s3], $0x140, $0x38;
	[tilespmem:$0x1FE00] =	vst v63  }
0x4e: {  	s21 =	simm.s32 $0x158C0  }
0x4f: {  	[tilespmem:s21], [sflag:$0x2] =	stream.linear.gather [hbm4b:s1+s3], $0x140, $0x38;
	[tilespmem:$0x1FE00] =	vst v63  }
0x50: {  	s23 =	simm.s32 $0x15A00  }
0x51: {  	[tilespmem:s23], [sflag:$0x2] =	stream.linear.gather [hbm4b:s5+s3], $0x140, $0x38;
	[tilespmem:$0x1FE00] =	vst v63  }
0x52: {  	s24 =	simm.s32 $0x15B40  }
0x53: {  	[tilespmem:s24], [sflag:$0x2] =	stream.linear.gather [hbm4b:s6+s3], $0x140, $0x38;
	[tilespmem:$0x1FE00] =	vst v63  }
0x54: {  	s25 =	simm.s32 $0x15C80  }
0x55: {  	[tilespmem:s25], [sflag:$0x2] =	stream.linear.gather [hbm4b:s7+s3], $0x140, $0x38;
	[tilespmem:$0x1FE00] =	vst v63  }
0x56: {  	_ =	swait.ge [sflag:s9], $0x140  }
0x57: {  	[sflag:s9] =	ssyncset.done $0x0  }
0x58: {  	[sflag:s9] =	ssyncadd.s32 $0xFFFFFEC0  }
0x59: {  	_ =	swait.ge [sflag:s9], $0x140  }
0x5a: {  	[sflag:s9] =	ssyncset.done $0x0  }
0x5b: {  	[sflag:s9] =	ssyncadd.s32 $0xFFFFFEC0  }
0x5c: {  	_ =	swait.ge [sflag:s9], $0x140  }
0x5d: {  	[sflag:s9] =	ssyncset.done $0x0  }
0x5e: {  	[sflag:s9] =	ssyncadd.s32 $0xFFFFFEC0  }
0x5f: {  	_ =	swait.ge [sflag:s9], $0x140  }
0x60: {  	[sflag:s9] =	ssyncset.done $0x0  }
0x61: {  	[sflag:s9] =	ssyncadd.s32 $0xFFFFFEC0  }
0x62: {  	_ =	swait.ge [sflag:s9], $0x140  }
0x63: {  	[sflag:s9] =	ssyncset.done $0x0  }
0x64: {  	[sflag:s9] =	ssyncadd.s32 $0xFFFFFEC0  }
0x65: {  	_ =	swait.ge [sflag:s9], $0x140  }
0x66: {  	[sflag:s9] =	ssyncset.done $0x0  }
0x67: {  	[sflag:s9] =	ssyncadd.s32 $0xFFFFFEC0  }
0x68: {  	_ =	swait.ge [sflag:s9], $0x140  }
0x69: {  	[sflag:s9] =	ssyncset.done $0x0  }
0x6a: {  	[sflag:s9] =	ssyncadd.s32 $0xFFFFFEC0  }
0x6b: {  	_ =	swait.ge [sflag:s9], $0x140  }
0x6c: {  	[sflag:s9] =	ssyncset.done $0x0  }
0x6d: {  	[sflag:s9] =	ssyncadd.s32 $0xFFFFFEC0  }
0x6e: {  	_ =	swait.ge [sflag:s9], $0x140  }
0x6f: {  	[sflag:s9] =	ssyncset.done $0x0  }
0x70: {  	[sflag:s9] =	ssyncadd.s32 $0xFFFFFEC0  }
0x71: {  	_ =	swait.ge [sflag:s9], $0x140  }
0x72: {  	[sflag:s9] =	ssyncset.done $0x0  }
0x73: {  	[sflag:s9] =	ssyncadd.s32 $0xFFFFFEC0  }
0x74: {  	_ =	swait.ge [sflag:s9], $0x140  }
0x75: {  	[sflag:s9] =	ssyncset.done $0x0  }
0x76: {  	[sflag:s9] =	ssyncadd.s32 $0xFFFFFEC0  }
0x77: {  	_ =	swait.ge [sflag:s9], $0x140  }
0x78: {  	[sflag:s9] =	ssyncset.done $0x0  }
0x79: {  	[sflag:s9] =	ssyncadd.s32 $0xFFFFFEC0  }
0x7a: {  	_ =	swait.ge [sflag:s9], $0x140  }
0x7b: {  	[sflag:s9] =	ssyncset.done $0x0  }
0x7c: {  	[sflag:s9] =	ssyncadd.s32 $0xFFFFFEC0  }
0x7d: {  	_ =	swait.ge [sflag:s9], $0x140  }
0x7e: {  	[sflag:s9] =	ssyncset.done $0x0  }
0x7f: {  	[sflag:s9] =	ssyncadd.s32 $0xFFFFFEC0  }
0x80: {  	_ =	swait.ge [sflag:s9], $0x140  }
0x81: {  	[sflag:s9] =	ssyncset.done $0x0  }
0x82: {  	[sflag:s9] =	ssyncadd.s32 $0xFFFFFEC0  }
0x83: {  	_ =	swait.ge [sflag:s9], $0x140  }
0x84: {  	[sflag:s9] =	ssyncset.done $0x0  }
0x85: {  	[sflag:s9] =	ssyncadd.s32 $0xFFFFFEC0  }
0x86: {  	_ =	swait.ge [sflag:s9], $0x140  }
0x87: {  	[sflag:s9] =	ssyncset.done $0x0  }
0x88: {  	[sflag:s9] =	ssyncadd.s32 $0xFFFFFEC0  }
0x89: {  	_ =	swait.ge [sflag:s9], $0x140  }
0x8a: {  	[sflag:s9] =	ssyncset.done $0x0  }
0x8b: {  	[sflag:s9] =	ssyncadd.s32 $0xFFFFFEC0  }
0x8c: {  	_ =	swait.ge [sflag:s9], $0x140  }
0x8d: {  	[sflag:s9] =	ssyncset.done $0x0  }
0x8e: {  	[sflag:s9] =	ssyncadd.s32 $0xFFFFFEC0  }
0x8f: {  	_ =	swait.ge [sflag:s9], $0x140  }
0x90: {  	[sflag:s9] =	ssyncset.done $0x0  }
0x91: {  	[sflag:s9] =	ssyncadd.s32 $0xFFFFFEC0  }
0x92: {  	_ =	swait.ge [sflag:s9], $0x140  }
0x93: {  	[sflag:s9] =	ssyncset.done $0x0  }
0x94: {  	[sflag:s9] =	ssyncadd.s32 $0xFFFFFEC0  }
0x95: {  	_ =	swait.ge [sflag:s9], $0x140  }
0x96: {  	[sflag:s9] =	ssyncset.done $0x0  }
0x97: {  	[sflag:s9] =	ssyncadd.s32 $0xFFFFFEC0  }
0x98: {  	_ =	swait.ge [sflag:s9], $0x140  }
0x99: {  	[sflag:s9] =	ssyncset.done $0x0  }
0x9a: {  	[sflag:s9] =	ssyncadd.s32 $0xFFFFFEC0  }
0x9b: {  	_ =	swait.ge [sflag:s9], $0x140  }
0x9c: {  	[sflag:s9] =	ssyncset.done $0x0  }
0x9d: {  	[sflag:s9] =	ssyncadd.s32 $0xFFFFFEC0  }
0x9e: {  	_ =	swait.ge [sflag:s9], $0x140  }
0x9f: {  	[sflag:s9] =	ssyncset.done $0x0  }
0xa0: {  	[sflag:s9] =	ssyncadd.s32 $0xFFFFFEC0  }
0xa1: {  	_ =	swait.ge [sflag:s9], $0x140  }
0xa2: {  	[sflag:s9] =	ssyncset.done $0x0  }
0xa3: {  	s20 =	stileid.u32;
	[sflag:s9] =	ssyncadd.s32 $0xFFFFFEC0  }
0xa4: {  	s19 =	sshll.u32 s20, $0x6;
	_ =	swait.ge [sflag:s9], $0x140  }
0xa5: {  	s19 =	sor.u32 $0x1C02, s19;
	[sflag:s9] =	ssyncset.done $0x0;
	s21 =	rddreg [dreg:$0x14]  }
0xa6: {  	[sflag:s9] =	ssyncadd.s32 $0xFFFFFEC0;
	s20 =	sshrl.u32 s21, $0x3;
	s21 =	rddreg [dreg:$0x15]  }
0xa7: {  	[spmem:s20], [sflag:s19] =	dma.local [hbm:s21], $0x2780  }
0xa8: {  	_ =	swait.ge [sflag:s9], $0x2780  }
0xa9: {  	[sflag:s9] =	ssyncset.done $0x0  }
0xaa: {  	[sflag:s9] =	ssyncadd.s32 $0xFFFFD880  }
0xab: {  	[bflag:$0x0] =	sbarrier.arrive $0xFFFF  }
0xac: {  	[tilespmem:s11], [sflag:$0x1] =	stream.indirect.gather [spmem:s2], $0x80, s8, s10, $0xb8;
	[tilespmem:$0x1FE00] =	vst v63  }
0xad: {  	s23 =	simm.s32 $0x13C40  }
0xae: {  	[tilespmem:s12], [sflag:$0x1] =	stream.indirect.gather [spmem:s2], $0x80, s23, s10, $0xb8;
	[tilespmem:$0x1FE00] =	vst v63  }
0xaf: {  	s24 =	simm.s32 $0x13C80  }
0xb0: {  	[tilespmem:s13], [sflag:$0x1] =	stream.indirect.gather [spmem:s2], $0x80, s24, s10, $0xb8;
	[tilespmem:$0x1FE00] =	vst v63  }
0xb1: {  	s25 =	simm.s32 $0x13CC0  }
0xb2: {  	[tilespmem:s14], [sflag:$0x1] =	stream.indirect.gather [spmem:s2], $0x80, s25, s10, $0xb8;
	[tilespmem:$0x1FE00] =	vst v63  }
0xb3: {  	s23 =	simm.s32 $0x13D00  }
0xb4: {  	[tilespmem:s15], [sflag:$0x1] =	stream.indirect.gather [spmem:s2], $0x80, s23, s10, $0xb8;
	[tilespmem:$0x1FE00] =	vst v63  }
0xb5: {  	_ =	swait.ge [sflag:s16], $0x2000  }
0xb6: {  	[sflag:s16] =	ssyncset.done $0x0  }
0xb7: {  	[sflag:s16] =	ssyncadd.s32 $0xFFFFE000  }
0xb8: {  	_ =	swait.ge [sflag:s16], $0x2000  }
0xb9: {  	[sflag:s16] =	ssyncset.done $0x0  }
0xba: {  	[sflag:s16] =	ssyncadd.s32 $0xFFFFE000  }
0xbb: {  	_ =	swait.ge [sflag:s16], $0x2000  }
0xbc: {  	[sflag:s16] =	ssyncset.done $0x0  }
0xbd: {  	[sflag:s16] =	ssyncadd.s32 $0xFFFFE000  }
0xbe: {  	_ =	swait.ge [sflag:s16], $0x2000  }
0xbf: {  	[sflag:s16] =	ssyncset.done $0x0  }
0xc0: {  	[sflag:s16] =	ssyncadd.s32 $0xFFFFE000  }
0xc1: {  	_ =	swait.ge [sflag:s16], $0x2000  }
0xc2: {  	[sflag:s16] =	ssyncset.done $0x0  }
0xc3: {  	[sflag:s16] =	ssyncadd.s32 $0xFFFFE000  }
0xc4: {  	[bflag:$0x0] =	sbarrier.arrive $0xFFFF  }
0xc5: {  	[spmem:s20], [sflag:s19] =	dma.local [hbm:s22], $0x2780  }
0xc6: {  	_ =	swait.ge [sflag:s9], $0x2780  }
0xc7: {  	[sflag:s9] =	ssyncset.done $0x0  }
0xc8: {  	[sflag:s9] =	ssyncadd.s32 $0xFFFFD880  }
0xc9: {  	s24 =	simm.s32 $0x13D40;
	[bflag:$0x0] =	sbarrier.arrive $0xFFFF  }
0xca: {  	[tilespmem:s11], [sflag:$0x1] =	stream.indirect.gather.add.f32 [spmem:s2], $0x80, s24, s10, $0xb8;
	[tilespmem:$0x1FE00] =	vst v63  }
0xcb: {  	s25 =	simm.s32 $0x13D80  }
0xcc: {  	[tilespmem:s12], [sflag:$0x1] =	stream.indirect.gather.add.f32 [spmem:s2], $0x80, s25, s10, $0xb8;
	[tilespmem:$0x1FE00] =	vst v63  }
0xcd: {  	s23 =	simm.s32 $0x13DC0  }
0xce: {  	[tilespmem:s13], [sflag:$0x1] =	stream.indirect.gather.add.f32 [spmem:s2], $0x80, s23, s10, $0xb8;
	[tilespmem:$0x1FE00] =	vst v63  }
0xcf: {  	s24 =	simm.s32 $0x13E00  }
0xd0: {  	[tilespmem:s14], [sflag:$0x1] =	stream.indirect.gather.add.f32 [spmem:s2], $0x80, s24, s10, $0xb8;
	[tilespmem:$0x1FE00] =	vst v63  }
0xd1: {  	s25 =	simm.s32 $0x13E40  }
0xd2: {  	[tilespmem:s15], [sflag:$0x1] =	stream.indirect.gather.add.f32 [spmem:s2], $0x80, s25, s10, $0xb8;
	[tilespmem:$0x1FE00] =	vst v63  }
0xd3: {  	_ =	swait.ge [sflag:s16], $0x2000  }
0xd4: {  	[sflag:s16] =	ssyncset.done $0x0  }
0xd5: {  	[sflag:s16] =	ssyncadd.s32 $0xFFFFE000  }
0xd6: {  	_ =	swait.ge [sflag:s16], $0x2000  }
0xd7: {  	[sflag:s16] =	ssyncset.done $0x0  }
0xd8: {  	[sflag:s16] =	ssyncadd.s32 $0xFFFFE000  }
0xd9: {  	_ =	swait.ge [sflag:s16], $0x2000  }
0xda: {  	[sflag:s16] =	ssyncset.done $0x0  }
0xdb: {  	[sflag:s16] =	ssyncadd.s32 $0xFFFFE000  }
0xdc: {  	_ =	swait.ge [sflag:s16], $0x2000  }
0xdd: {  	[sflag:s16] =	ssyncset.done $0x0  }
0xde: {  	[sflag:s16] =	ssyncadd.s32 $0xFFFFE000  }
0xdf: {  	_ =	swait.ge [sflag:s16], $0x2000  }
0xe0: {  	[sflag:s16] =	ssyncset.done $0x0  }
0xe1: {  	s21 =	simm.s32 $0x500;
	s25 =	smov.u32 s22;
	[sflag:s16] =	ssyncadd.s32 $0xFFFFE000  }
.LBB2_2:
0xe2: {  	p0 =	sne.s32 s21, $0x7D00;
	[bflag:$0x0] =	sbarrier.arrive $0xFFFF;
	s25 =	sadd.s32 $0x28000, s25  }
0xe3: {  	[spmem:s20], [sflag:s19] =	dma.local [hbm:s25], $0x2780  }
0xe4: {  	s23 =	smov.u32 s21;
	s21 =	sadd.s32 $0x500, s21;
	_ =	swait.ge [sflag:s9], $0x2780  }
0xe5: {  	[sflag:s9] =	ssyncset.done $0x0  }
0xe6: {  	s23 =	sshra.s32 s23, $0x2;
	[sflag:s9] =	ssyncadd.s32 $0xFFFFD880  }
0xe7: {  	s24 =	sadd.s32 $0x13D40, s23;
	[bflag:$0x0] =	sbarrier.arrive $0xFFFF  }
0xe8: {  	[tilespmem:s11], [sflag:$0x1] =	stream.indirect.gather.add.f32 [spmem:s2], $0x80, s24, s10, $0xb8;
	[tilespmem:$0x1FE00] =	vst v63  }
0xe9: {  	s24 =	sadd.s32 $0x13D80, s23  }
0xea: {  	[tilespmem:s12], [sflag:$0x1] =	stream.indirect.gather.add.f32 [spmem:s2], $0x80, s24, s10, $0xb8;
	[tilespmem:$0x1FE00] =	vst v63  }
0xeb: {  	s24 =	sadd.s32 $0x13DC0, s23  }
0xec: {  	[tilespmem:s13], [sflag:$0x1] =	stream.indirect.gather.add.f32 [spmem:s2], $0x80, s24, s10, $0xb8;
	[tilespmem:$0x1FE00] =	vst v63  }
0xed: {  	s24 =	sadd.s32 $0x13E00, s23  }
0xee: {  	[tilespmem:s14], [sflag:$0x1] =	stream.indirect.gather.add.f32 [spmem:s2], $0x80, s24, s10, $0xb8;
	[tilespmem:$0x1FE00] =	vst v63  }
0xef: {  	s23 =	sadd.s32 $0x13E40, s23  }
0xf0: {  	[tilespmem:s15], [sflag:$0x1] =	stream.indirect.gather.add.f32 [spmem:s2], $0x80, s23, s10, $0xb8;
	[tilespmem:$0x1FE00] =	vst v63  }
0xf1: {  	_ =	swait.ge [sflag:s16], $0x2000  }
0xf2: {  	[sflag:s16] =	ssyncset.done $0x0  }
0xf3: {  	[sflag:s16] =	ssyncadd.s32 $0xFFFFE000  }
0xf4: {  	_ =	swait.ge [sflag:s16], $0x2000  }
0xf5: {  	[sflag:s16] =	ssyncset.done $0x0  }
0xf6: {  	[sflag:s16] =	ssyncadd.s32 $0xFFFFE000  }
0xf7: {  	_ =	swait.ge [sflag:s16], $0x2000  }
0xf8: {  	[sflag:s16] =	ssyncset.done $0x0  }
0xf9: {  	[sflag:s16] =	ssyncadd.s32 $0xFFFFE000  }
0xfa: {  	_ =	swait.ge [sflag:s16], $0x2000  }
.Ltmp0:
0xfb: {  	[sflag:s16] =	ssyncset.done $0x0;
	(pc) =	sbr.rel @p0 .LBB2_2-.Ltmp0, $4  }
0xfc: {  	[sflag:s16] =	ssyncadd.s32 $0xFFFFE000  }
0xfd: {  	_ =	swait.ge [sflag:s16], $0x2000  }
0xfe: {  	[sflag:s16] =	ssyncset.done $0x0  }
0xff: {  	[sflag:s16] =	ssyncadd.s32 $0xFFFFE000  }
0x100: {  	[bflag:$0x0] =	sbarrier.arrive $0xFFFF  }
0x101: {  	s19 =	rddreg [dreg:$0x16]  }
0x102: {  	[hbm4b:s19+s3] =	stream.linear.scatter [tilespmem:s11], [sflag:$0x3], $0xA000, $0x38;
	[tilespmem:$0x1FE00] =	vst v63  }
0x103: {  	_ =	swait.ge [sflag:s17], $0xA000  }
0x104: {  	s18 =	sadd.s32 $0x1, s18;
	s25 =	rddreg [dreg:$0x17]  }
0x105: {  	p0 =	sne.s32 s18, s25  }
.Ltmp1:
0x106: {  	_ = 	snop;
	(pc) =	sbr.rel @p0 .LBB2_1-.Ltmp1, $3  }
0x107: {  	_ =	sdelay $0x1  }
0x108: {  	[sflag:s17] =	ssyncset.done $0x0  }
0x109: {  	[sflag:s17] =	ssyncadd.s32 $0xFFFF6000  }
0x10a: {  	_ =	sfence.sel $0x180000  }
0x10b: {  	[bflag:$0x0] =	sbarrier.arrive $0xFFFF  }
0x10c: {  	_ =	strace $0x90000047  }
0x10d: {  	s0 =	stileid.u32;
	[bflag:$0x2] =	sbarrier.arrive $0xFFFF  }
0x10e: {  	p0 =	sne.s32 s0, $0x0;
	s0 =	rddreg [dreg:$0x3]  }
0x10f: {  	s0 =	sadd.s32 @!p0 $0x100000, s0  }
0x110: {  	[sflag:s0] =	ssyncadd.tile.s32 @!p0 $0x1;
	_ =	shalt  }
.Lfunc_end2:
_tile_overlayer_lowered:
.L_overlay_start_2:
0x111: {  	(tag) =	ssettag $0x2  }
0x112: {  	s0 =	rddreg [dreg:$0x0];
	s2 =	stileid.u32  }
0x113: {  	s1 =	rddreg [dreg:$0x1];
	p0 =	sne.s32 s2, $0x0  }
0x114: {  	s3 =	rddreg [dreg:$0x2];
	[bflag:$0x3] =	sbarrier.arrive $0xFFFF;
	s2 =	simm.s32 @!p0 $0x1C03  }
0x115: {  	[timem:s3], [sflag:s2] =	dma.local @!p0 [hbm:s0], s1  }
0x116: {  	s0 =	simm.s32 @!p0 $0x3  }
0x117: {  	_ =	swait.ge @!p0 [sflag:s0], s1  }
0x118: {  	s1 =	ssub.s32 @!p0 $0x0, s1;
	[sflag:s0] =	ssyncset.done @!p0 $0x0  }
0x119: {  	[sflag:s0] =	ssyncadd.s32 @!p0 s1  }
0x11a: {  	[bflag:$0x3] =	sbarrier.arrive $0xFFFF  }
0x11b: {  	_ =	shalt  }

// kernel: kernel.13.cloned.1.call-start
scs
__scs_entry_jumppad:
0x0: {  	(pc) =	sbr.rel $0x88, $3  }
0x1: {  	(tag) =	ssettag $0x0;
	lr =	simm.s32 $0x1  }
0x2: {  	[smem:$0x3F96] =	sst lr;
	_ =	strace $0xD0000000  }
0x3: {  	_ = 	snop  }
0x4: {  	_ = 	snop  }
0x5: {  	_ = 	snop  }
0x6: {  	_ = 	snop  }
0x7: {  	_ = 	snop  }
__scs_overlays_trampoline_lowered:
0x8: {  	[smem:$0x3FA5] =	sst s0  }
0x9: {  	[smem:$0x3FA6] =	sst s1  }
0xa: {  	[smem:$0x3FA7] =	sst s2  }
0xb: {  	[smem:$0x3FA8] =	sst s3  }
0xc: {  	[smem:$0x3FA9] =	sst s4  }
0xd: {  	[smem:$0x3FAA] =	sst s5  }
0xe: {  	[smem:$0x3FAB] =	sst s6  }
0xf: {  	[smem:$0x3FAC] =	sst s7  }
0x10: {  	[smem:$0x3FAD] =	sst s8  }
0x11: {  	[smem:$0x3FAE] =	sst s9;
	s0 =	simm.s32 @!p0 $0x0  }
0x12: {  	s1 =	sld [smem:$0x3F94];
	s0 =	simm.s32 @p0 $0x1  }
0x13: {  	[smem:$0x3FAF] =	sst s0;
	s0 =	simm.s32 @!p1 $0x0  }
0x14: {  	s2 =	sld [smem:$0x3F93];
	s0 =	simm.s32 @p1 $0x1  }
0x15: {  	[smem:$0x3FB0] =	sst s0;
	s0 =	simm.s32 @!p2 $0x0  }
0x16: {  	s3 =	sld [smem:$0x3FDB];
	s0 =	simm.s32 @p2 $0x1  }
0x17: {  	s4 =	simm.s32 $0x1BF5;
	[smem:$0x3FB2] =	sst s0  }
0x18: {  	s0 =	sld [smem:$0x3F95];
	_ =	swait.ge [sflag:s4], $0x0  }
0x19: {  	s7 =	sld [smem:$0x3F96]  }
0x1a: {  	s8 =	sadd.s32 $0xFFFFE003, lr  }
0x1b: {  	s9 =	sadd.s32 $0xFFFFFEF7, lr;
	s5 =	simm.s32 $0xFFFFFFFF;
	p2 =	slt.u32 s8, $0xFFFFF086  }
0x1c: {  	p1 =	slt.u32 s9, $0xF7A;
	s5 =	simm.s32 @!p2 $0x0  }
0x1d: {  	s5 =	simm.s32 @p1 $0x1;
	p0 =	seq.s32 s7, s2  }
0x1e: {  	s7 =	smul.u32 @!p0 $0xF7A, s2;
	p2 =	seq.s32 @!p0 s5, $0x0  }
0x1f: {  	s9 =	smul.u32 $0xF7A, s1;
	s8 =	simm.s32 @!p0 $0x1BF5;
	p2 =	por !p2, p0  }
0x20: {  	[sflag:s8] =	ssyncset.s32 @!p0 $0xFFFFF086;
	s6 =	sadd.s32 @!p0 s3, s7;
	s7 =	simm.s32 @!p0 $0x108  }
0x21: {  	s3 =	sadd.s32 s3, s9;
	s6 =	sadd.s32 @!p0 $0x88, s6;
	s7 =	simm.s32 @p2 $0x1082  }
0x22: {  	[simem:s7], [sflag:s8] =	dma.local @!p0 [hbm:s6], $0xF7A  }
0x23: {  	s9 =	sor.u32 $0xD0000000, s2;
	s6 =	simm.s32 $0x108;
	_ =	swait.ge @!p0 [sflag:s8], $0x0  }
0x24: {  	s3 =	sadd.s32 $0x88, s3;
	s6 =	simm.s32 @!p1 $0x1082;
	[sflag:s4] =	ssyncset.s32 $0xFFFFF086  }
0x25: {  	[simem:s6], [sflag:s4] =	dma.local [hbm:s3], $0xF7A  }
0x26: {  	[smem:$0x3F96] =	sst s1;
	(tag) =	ssettag s2;
	_ =	strace s9  }
0x27: {  	s1 =	sld [smem:$0x3FA6]  }
0x28: {  	s2 =	sld [smem:$0x3FA7]  }
0x29: {  	s4 =	sld [smem:$0x3FA9]  }
0x2a: {  	p0 =	seq.s32 s5, $0x0;
	s5 =	sld [smem:$0x3FAA]  }
0x2b: {  	s6 =	sld [smem:$0x3FAB]  }
0x2c: {  	s7 =	sld [smem:$0x3FAC]  }
0x2d: {  	s3 =	simm.s32 $0x108;
	s8 =	sld [smem:$0x3FAD]  }
0x2e: {  	s3 =	simm.s32 @!p0 $0x1082;
	s9 =	sld [smem:$0x3FAE]  }
0x2f: {  	lr =	sadd.s32 s0, s3;
	s0 =	sld [smem:$0x3FA5]  }
0x30: {  	s3 =	sld [smem:$0x3FA8]  }
0x31: {  	[smem:$0x3FB1] =	sst s10  }
0x32: {  	s10 =	sld [smem:$0x3FAF];
	_ =	sdelay $0x3  }
0x33: {  	p0 =	seq.s32 s10, $0x1;
	s10 =	sld [smem:$0x3FB1];
	_ =	sdelay $0x3  }
0x34: {  	[smem:$0x3FB1] =	sst s10  }
0x35: {  	s10 =	sld [smem:$0x3FB0];
	_ =	sdelay $0x3  }
0x36: {  	p1 =	seq.s32 s10, $0x1;
	s10 =	sld [smem:$0x3FB1];
	_ =	sdelay $0x3  }
0x37: {  	[smem:$0x3FB1] =	sst s10  }
0x38: {  	s10 =	sld [smem:$0x3FB2]  }
0x39: {  	_ = 	snop;
	(pc) =	sbr.ind lr, $3  }
0x3a: {  	_ = 	snop  }
0x3b: {  	_ = 	snop  }
0x3c: {  	p2 =	seq.s32 s10, $0x1;
	s10 =	sld [smem:$0x3FB1]  }
0x3d: {  	_ =	shalt  }
0x3e: {  	_ =	shalt  }
0x3f: {  	_ =	shalt  }
0x40: {  	_ =	shalt  }
0x41: {  	_ =	shalt  }
0x42: {  	_ =	shalt  }
0x43: {  	_ =	shalt  }
0x44: {  	_ =	shalt  }
0x45: {  	_ =	shalt  }
0x46: {  	_ =	shalt  }
0x47: {  	_ =	shalt  }
0x48: {  	_ =	shalt  }
0x49: {  	_ =	shalt  }
0x4a: {  	_ =	shalt  }
0x4b: {  	_ =	shalt  }
0x4c: {  	_ =	shalt  }
0x4d: {  	_ =	shalt  }
0x4e: {  	_ =	shalt  }
0x4f: {  	_ =	shalt  }
0x50: {  	_ =	shalt  }
0x51: {  	_ =	shalt  }
0x52: {  	_ =	shalt  }
0x53: {  	_ =	shalt  }
0x54: {  	_ =	shalt  }
0x55: {  	_ =	shalt  }
0x56: {  	_ =	shalt  }
0x57: {  	_ =	shalt  }
0x58: {  	_ =	shalt  }
0x59: {  	_ =	shalt  }
0x5a: {  	_ =	shalt  }
0x5b: {  	_ =	shalt  }
0x5c: {  	_ =	shalt  }
0x5d: {  	_ =	shalt  }
0x5e: {  	_ =	shalt  }
0x5f: {  	_ =	shalt  }
0x60: {  	_ =	shalt  }
0x61: {  	_ =	shalt  }
0x62: {  	_ =	shalt  }
0x63: {  	_ =	shalt  }
0x64: {  	_ =	shalt  }
0x65: {  	_ =	shalt  }
0x66: {  	_ =	shalt  }
0x67: {  	_ =	shalt  }
0x68: {  	_ =	shalt  }
0x69: {  	_ =	shalt  }
0x6a: {  	_ =	shalt  }
0x6b: {  	_ =	shalt  }
0x6c: {  	_ =	shalt  }
0x6d: {  	_ =	shalt  }
0x6e: {  	_ =	shalt  }
0x6f: {  	_ =	shalt  }
0x70: {  	_ =	shalt  }
0x71: {  	_ =	shalt  }
0x72: {  	_ =	shalt  }
0x73: {  	_ =	shalt  }
0x74: {  	_ =	shalt  }
0x75: {  	_ =	shalt  }
0x76: {  	_ =	shalt  }
0x77: {  	_ =	shalt  }
0x78: {  	_ =	shalt  }
0x79: {  	_ =	shalt  }
0x7a: {  	_ =	shalt  }
0x7b: {  	_ =	shalt  }
0x7c: {  	_ =	shalt  }
0x7d: {  	_ =	shalt  }
0x7e: {  	_ =	shalt  }
0x7f: {  	_ =	shalt  }
0x80: {  	_ =	shalt  }
0x81: {  	_ =	shalt  }
0x82: {  	_ =	shalt  }
0x83: {  	_ =	shalt  }
0x84: {  	_ =	shalt  }
0x85: {  	_ =	shalt  }
0x86: {  	_ =	shalt  }
0x87: {  	_ =	shalt  }
.Lfunc_end0:
.L_simem_size_0:
called_computation.1_lowered:
.L_overlay_start_0:
0x88: {  	s2 =	sld [smem:$0x3FD9]  }
0x89: {  	s3 =	sld [smem:$0x3FFE];
	_ =	sdelay $0x1  }
0x8a: {  	s1 =	srdreg.scid  }
0x8b: {  	s0 =	sand.u32 $0x1, s1  }
0x8c: {  	s17 =	sshll.u32 s0, $0xA;
	s2 =	sadd.s32 s3, s2  }
0x8d: {  	s2 =	sadd.s32 s2, s17  }
0x8e: {  	[smem:$0x3FBD] =	sst s2  }
0x8f: {  	_ = 	snop  }
0x90: {  	s2 =	sld [smem:$0x3FD0];
	(tm) =	ssettm $0x1  }
0x91: {  	s18 =	sld [smem:$0x3FFB];
	_ =	sdelay $0x3  }
0x92: {  	_ =	strace s18  }
0x93: {  	s3 =	sld [smem:$0x3FFC];
	_ =	sdelay $0x3  }
0x94: {  	_ =	strace s3  }
0x95: {  	s3 =	sld [smem:$0x3FFD];
	_ =	sdelay $0x3  }
0x96: {  	_ =	strace s3  }
0x97: {  	_ =	strace $0x8FFFFFFF  }
0x98: {  	s19 =	sld [smem:$0x3FDB];
	_ =	sdelay $0x1  }
0x99: {  	s4 =	simm.s32 $_scs_section_size  }
0x9a: {  	s5 =	simm.s32 $_size__tile_overlayer_lowered;
	s6 =	simm.s32 $_tile_overlayer_lowered  }
0x9b: {  	s22 =	simm.s32 $0x1BFF;
	s21 =	sshll.u32 s6, $0x1;
	s3 =	sadd.s32 s4, s19  }
0x9c: {  	s7 =	simm.s32 $0x0;
	s20 =	sshll.u32 s5, $0x1;
	s5 =	sadd.s32 s21, s3  }
0x9d: {  	[timem:s7], [sflag:s22] =	dma.local [hbm:s5], s20  }
0x9e: {  	_ =	swait.ge [sflag:s22], s20  }
0x9f: {  	s4 =	ssub.s32 $0x0, s20;
	[sflag:s22] =	ssyncset.done $0x0  }
0xa0: {  	[sflag:s22] =	ssyncadd.s32 s4;
	_ =	sdelay $0x1  }
0xa1: {  	s23 =	simm.s32 $0x1B8B  }
0xa2: {  	_ =	swait.ge [sflag:s23], $0x1  }
0xa3: {  	[sflag:s23] =	ssyncset.done $0x0  }
0xa4: {  	s25 =	simm.s32 $0x1B8E;
	s24 =	sld [smem:$0x3FFE];
	[sflag:s23] =	ssyncadd.s32 $0xFFFFFFFF  }
0xa5: {  	s26 =	simm.s32 $execute0_lowered;
	[smem:$0x3FD2] =	sst s25  }
0xa6: {  	s5 =	sshll.u32 s26, $0x1;
	_ =	strace $0x80000049;
	[dreg:$0x1] =	wrdreg $0xFFFFFFFF  }
0xa7: {  	s28 =	simm.s32 $_size_execute0_lowered;
	s3 =	sadd.s32 s3, s5;
	[dreg:$0x0] =	wrdreg $0x0  }
0xa8: {  	s5 =	sshll.u32 s28, $0x1;
	[dreg:$0x2] =	wrdreg s3  }
0xa9: {  	[dreg:$0x3] =	wrdreg s5  }
0xaa: {  	[dreg:$0x4] =	wrdreg $0xC0  }
0xab: {  	_ =	task [dreg:s7], $0x5FFFF  }
0xac: {  	[dreg:$0x1] =	wrdreg $0xFFFFFFFF  }
0xad: {  	[dreg:$0x0] =	wrdreg $0x60  }
0xae: {  	[dreg:$0x2] =	wrdreg s24  }
0xaf: {  	[dreg:$0x3] =	wrdreg s2  }
0xb0: {  	[dreg:$0x4] =	wrdreg $0x0  }
0xb1: {  	[dreg:$0x5] =	wrdreg $0x9  }
0xb2: {  	_ =	task.clear_ibuf [dreg:s7], $0x6FFFF;
	_ =	strace $0x90000049  }
0xb3: {  	s29 =	simm.s32 $0x9;
	_ =	strace $0x8000004B  }
0xb4: {  	_ =	swait.ge [sflag:s29], $0x1  }
0xb5: {  	[sflag:s29] =	ssyncadd.s32 $0xFFFFFFFF  }
0xb6: {  	_ =	strace $0x9000004B  }
0xb7: {  	_ =	sfence  }
0xb8: {  	s30 =	sld [smem:$0x0];
	_ =	sdelay $0x2  }
0xb9: {  	s31 =	sshll.u32 s1, $0xD;
	s1 =	sshrl.u32 s1, $0x2  }
0xba: {  	s3 =	sand.u32 $0x4000, s31;
	s1 =	sadd.s32 s1, s30  }
0xbb: {  	s0 =	sor.u32 s3, s0;
	s1 =	sshll.u32 s1, $0x11  }
0xbc: {  	s0 =	sor.u32 s1, s0  }
0xbd: {  	s0 =	sadd.s32 $0x8F2B, s0  }
0xbe: {  	[sflag:s0] =	ssyncadd.remote.s32 $0x1  }
0xbf: {  	_ =	sfence.sel $0xFFFF  }
0xc0: {  	[dreg:$0x0] =	wrdreg $0xFFFFFFFF;
	(pc) =	sbr.abs _section_cstart, $3  }
0xc1: {  	[dreg:$0x1] =	wrdreg $0xFFFFFFFF  }
0xc2: {  	_ =	task.clear_ibuf [dreg:s7], $0x2FFFF;
	_ =	strace $0x9FFFFFFF  }
0xc3: {  	(tm) =	ssettm $0x7FFFFFFF  }
tec
execute0_lowered:
.L_overlay_start_1:
0x0: {  	(tag) =	ssettag $0x1  }
0x1: {  	s0 =	rddreg [dreg:$0x0]  }
0x2: {  	s9 =	stileid.u32;
	s3 =	srdreg.scid  }
0x3: {  	s4 =	sand.u32 $0x1, s3;
	s5 =	sshll.u32 s9, $0x1;
	s6 =	smul.u32 $0x2780, s9  }
0x4: {  	s1 =	rddreg [dreg:$0x1];
	s18 =	smul.u32 $0x4F000, s9;
	s5 =	sor.u32 s4, s5  }
0x5: {  	s2 =	rddreg [dreg:$0x2];
	s3 =	simm.s32 $0x0;
	s7 =	smul.u32 $0x140, s5  }
0x6: {  	[smem:$0x7FF] =	sst s3;
	s8 =	ssub.s32 $0x2, s4;
	s5 =	smul.u32 $0x1400, s5  }
0x7: {  	_ =	strace $0x8000004A;
	s6 =	sadd.s32 s6, s0;
	s25 =	sshrl.u32 s8, $0x1  }
0x8: {  	s26 =	ssub.s32 s8, s25;
	s25 =	sadd.s32 $0x1E00, s6;
	s0 =	sadd.s32 s5, s0  }
0x9: {  	s5 =	sshrl.u32 s18, $0x2;
	[dreg:$0x15] =	wrdreg s25;
	s26 =	smax.u32 s26, $0x1  }
0xa: {  	s24 =	sshrl.u32 s7, $0x3;
	s5 =	sadd.s32 s5, s2;
	[dreg:$0x17] =	wrdreg s26  }
0xb: {  	s4 =	sadd.s32 s1, s24;
	s0 =	sadd.s32 $0x439E00, s0;
	[dreg:$0x14] =	wrdreg s5  }
0xc: {  	s7 =	sadd.s32 $0x500, s4;
	[dreg:$0x16] =	wrdreg s0  }
0xd: {  	s8 =	sadd.s32 $0xA00, s4;
	[dreg:$0x4] =	wrdreg s7  }
0xe: {  	s10 =	sadd.s32 $0xF00, s4;
	[dreg:$0x5] =	wrdreg s8  }
0xf: {  	s11 =	sadd.s32 $0x1400, s4;
	[dreg:$0x6] =	wrdreg s10  }
0x10: {  	s12 =	sadd.s32 $0x1900, s4;
	[dreg:$0x7] =	wrdreg s11  }
0x11: {  	s13 =	sadd.s32 $0x1E00, s4;
	[dreg:$0x8] =	wrdreg s12  }
0x12: {  	s14 =	sadd.s32 $0x2300, s4;
	[dreg:$0x9] =	wrdreg s13  }
0x13: {  	s15 =	sadd.s32 $0x2800, s4;
	[dreg:$0xa] =	wrdreg s14  }
0x14: {  	s9 =	simm.s32 $0x2;
	s16 =	sadd.s32 $0x2D00, s4;
	[dreg:$0xb] =	wrdreg s15  }
0x15: {  	s18 =	simm.s32 $0x0;
	s17 =	sadd.s32 $0x3200, s4;
	[dreg:$0xc] =	wrdreg s16  }
0x16: {  	s19 =	sadd.s32 $0x3700, s4;
	s20 =	sadd.s32 $0x3C00, s4;
	[dreg:$0xd] =	wrdreg s17  }
0x17: {  	s21 =	sadd.s32 $0x4100, s4;
	s22 =	sadd.s32 $0x4600, s4;
	[dreg:$0xe] =	wrdreg s19  }
0x18: {  	s23 =	sadd.s32 $0x4B00, s4;
	s24 =	sadd.s32 $0x5000, s4;
	[dreg:$0xf] =	wrdreg s20  }
0x19: {  	s26 =	sadd.s32 $0x5500, s4;
	s28 =	sadd.s32 $0x5A00, s4;
	[dreg:$0x10] =	wrdreg s21  }
0x1a: {  	s29 =	sadd.s32 $0x5F00, s4;
	s30 =	sadd.s32 $0x6400, s4;
	[dreg:$0x11] =	wrdreg s22  }
0x1b: {  	s31 =	sadd.s32 $0x6900, s4;
	s0 =	sadd.s32 $0x6E00, s4;
	[dreg:$0x12] =	wrdreg s23  }
0x1c: {  	s1 =	sadd.s32 $0x7300, s4;
	s5 =	sadd.s32 $0x7800, s4;
	[dreg:$0x13] =	wrdreg s24  }
0x1d: {  	s22 =	sadd.s32 $0x29E00, s6;
	s6 =	sadd.s32 $0x7D00, s4;
	s7 =	sadd.s32 $0x8200, s4  }
0x1e: {  	s8 =	simm.s32 $0x13C00;
	s10 =	simm.s32 $0x40;
	s11 =	simm.s32 $0x15E00  }
0x1f: {  	s12 =	simm.s32 $0x17E00;
	s13 =	simm.s32 $0x19E00;
	s14 =	simm.s32 $0x1BE00  }
0x20: {  	s15 =	simm.s32 $0x1DE00;
	s16 =	simm.s32 $0x1;
	s17 =	simm.s32 $0x3  }
.LBB2_1:
0x21: {  	[tilespmem:s8], [sflag:$0x2] =	stream.linear.gather [hbm4b:s4+s3], $0x140, $0x38;
	[tilespmem:$0x1FE00] =	vst v63  }
0x22: {  	s19 =	rddreg [dreg:$0x4];
	s20 =	simm.s32 $0x13D40  }
0x23: {  	[tilespmem:s20], [sflag:$0x2] =	stream.linear.gather [hbm4b:s19+s3], $0x140, $0x38;
	[tilespmem:$0x1FE00] =	vst v63  }
0x24: {  	s24 =	rddreg [dreg:$0x5];
	s25 =	simm.s32 $0x13E80  }
0x25: {  	[tilespmem:s25], [sflag:$0x2] =	stream.linear.gather [hbm4b:s24+s3], $0x140, $0x38;
	[tilespmem:$0x1FE00] =	vst v63  }
0x26: {  	s21 =	rddreg [dreg:$0x6];
	s23 =	simm.s32 $0x13FC0  }
0x27: {  	[tilespmem:s23], [sflag:$0x2] =	stream.linear.gather [hbm4b:s21+s3], $0x140, $0x38;
	[tilespmem:$0x1FE00] =	vst v63  }
0x28: {  	s24 =	rddreg [dreg:$0x7];
	s25 =	simm.s32 $0x14100  }
0x29: {  	[tilespmem:s25], [sflag:$0x2] =	stream.linear.gather [hbm4b:s24+s3], $0x140, $0x38;
	[tilespmem:$0x1FE00] =	vst v63  }
0x2a: {  	s21 =	rddreg [dreg:$0x8];
	s23 =	simm.s32 $0x14240  }
0x2b: {  	[tilespmem:s23], [sflag:$0x2] =	stream.linear.gather [hbm4b:s21+s3], $0x140, $0x38;
	[tilespmem:$0x1FE00] =	vst v63  }
0x2c: {  	s24 =	rddreg [dreg:$0x9];
	s25 =	simm.s32 $0x14380  }
0x2d: {  	[tilespmem:s25], [sflag:$0x2] =	stream.linear.gather [hbm4b:s24+s3], $0x140, $0x38;
	[tilespmem:$0x1FE00] =	vst v63  }
0x2e: {  	s21 =	rddreg [dreg:$0xa];
	s23 =	simm.s32 $0x144C0  }
0x2f: {  	[tilespmem:s23], [sflag:$0x2] =	stream.linear.gather [hbm4b:s21+s3], $0x140, $0x38;
	[tilespmem:$0x1FE00] =	vst v63  }
0x30: {  	s24 =	rddreg [dreg:$0xb];
	s25 =	simm.s32 $0x14600  }
0x31: {  	[tilespmem:s25], [sflag:$0x2] =	stream.linear.gather [hbm4b:s24+s3], $0x140, $0x38;
	[tilespmem:$0x1FE00] =	vst v63  }
0x32: {  	s21 =	rddreg [dreg:$0xc];
	s23 =	simm.s32 $0x14740  }
0x33: {  	[tilespmem:s23], [sflag:$0x2] =	stream.linear.gather [hbm4b:s21+s3], $0x140, $0x38;
	[tilespmem:$0x1FE00] =	vst v63  }
0x34: {  	s24 =	rddreg [dreg:$0xd];
	s25 =	simm.s32 $0x14880  }
0x35: {  	[tilespmem:s25], [sflag:$0x2] =	stream.linear.gather [hbm4b:s24+s3], $0x140, $0x38;
	[tilespmem:$0x1FE00] =	vst v63  }
0x36: {  	s21 =	rddreg [dreg:$0xe];
	s23 =	simm.s32 $0x149C0  }
0x37: {  	[tilespmem:s23], [sflag:$0x2] =	stream.linear.gather [hbm4b:s21+s3], $0x140, $0x38;
	[tilespmem:$0x1FE00] =	vst v63  }
0x38: {  	s24 =	rddreg [dreg:$0xf];
	s25 =	simm.s32 $0x14B00  }
0x39: {  	[tilespmem:s25], [sflag:$0x2] =	stream.linear.gather [hbm4b:s24+s3], $0x140, $0x38;
	[tilespmem:$0x1FE00] =	vst v63  }
0x3a: {  	s21 =	rddreg [dreg:$0x10];
	s23 =	simm.s32 $0x14C40  }
0x3b: {  	[tilespmem:s23], [sflag:$0x2] =	stream.linear.gather [hbm4b:s21+s3], $0x140, $0x38;
	[tilespmem:$0x1FE00] =	vst v63  }
0x3c: {  	s24 =	rddreg [dreg:$0x11];
	s25 =	simm.s32 $0x14D80  }
0x3d: {  	[tilespmem:s25], [sflag:$0x2] =	stream.linear.gather [hbm4b:s24+s3], $0x140, $0x38;
	[tilespmem:$0x1FE00] =	vst v63  }
0x3e: {  	s21 =	rddreg [dreg:$0x12];
	s23 =	simm.s32 $0x14EC0  }
0x3f: {  	[tilespmem:s23], [sflag:$0x2] =	stream.linear.gather [hbm4b:s21+s3], $0x140, $0x38;
	[tilespmem:$0x1FE00] =	vst v63  }
0x40: {  	s24 =	rddreg [dreg:$0x13];
	s25 =	simm.s32 $0x15000  }
0x41: {  	[tilespmem:s25], [sflag:$0x2] =	stream.linear.gather [hbm4b:s24+s3], $0x140, $0x38;
	[tilespmem:$0x1FE00] =	vst v63  }
0x42: {  	s20 =	simm.s32 $0x15140  }
0x43: {  	[tilespmem:s20], [sflag:$0x2] =	stream.linear.gather [hbm4b:s26+s3], $0x140, $0x38;
	[tilespmem:$0x1FE00] =	vst v63  }
0x44: {  	s21 =	simm.s32 $0x15280  }
0x45: {  	[tilespmem:s21], [sflag:$0x2] =	stream.linear.gather [hbm4b:s28+s3], $0x140, $0x38;
	[tilespmem:$0x1FE00] =	vst v63  }
0x46: {  	s23 =	simm.s32 $0x153C0  }
0x47: {  	[tilespmem:s23], [sflag:$0x2] =	stream.linear.gather [hbm4b:s29+s3], $0x140, $0x38;
	[tilespmem:$0x1FE00] =	vst v63  }
0x48: {  	s24 =	simm.s32 $0x15500  }
0x49: {  	[tilespmem:s24], [sflag:$0x2] =	stream.linear.gather [hbm4b:s30+s3], $0x140, $0x38;
	[tilespmem:$0x1FE00] =	vst v63  }
0x4a: {  	s25 =	simm.s32 $0x15640  }
0x4b: {  	[tilespmem:s25], [sflag:$0x2] =	stream.linear.gather [hbm4b:s31+s3], $0x140, $0x38;
	[tilespmem:$0x1FE00] =	vst v63  }
0x4c: {  	s20 =	simm.s32 $0x15780  }
0x4d: {  	[tilespmem:s20], [sflag:$0x2] =	stream.linear.gather [hbm4b:s0+s3], $0x140, $0x38;
	[tilespmem:$0x1FE00] =	vst v63  }
0x4e: {  	s21 =	simm.s32 $0x158C0  }
0x4f: {  	[tilespmem:s21], [sflag:$0x2] =	stream.linear.gather [hbm4b:s1+s3], $0x140, $0x38;
	[tilespmem:$0x1FE00] =	vst v63  }
0x50: {  	s23 =	simm.s32 $0x15A00  }
0x51: {  	[tilespmem:s23], [sflag:$0x2] =	stream.linear.gather [hbm4b:s5+s3], $0x140, $0x38;
	[tilespmem:$0x1FE00] =	vst v63  }
0x52: {  	s24 =	simm.s32 $0x15B40  }
0x53: {  	[tilespmem:s24], [sflag:$0x2] =	stream.linear.gather [hbm4b:s6+s3], $0x140, $0x38;
	[tilespmem:$0x1FE00] =	vst v63  }
0x54: {  	s25 =	simm.s32 $0x15C80  }
0x55: {  	[tilespmem:s25], [sflag:$0x2] =	stream.linear.gather [hbm4b:s7+s3], $0x140, $0x38;
	[tilespmem:$0x1FE00] =	vst v63  }
0x56: {  	_ =	swait.ge [sflag:s9], $0x140  }
0x57: {  	[sflag:s9] =	ssyncset.done $0x0  }
0x58: {  	[sflag:s9] =	ssyncadd.s32 $0xFFFFFEC0  }
0x59: {  	_ =	swait.ge [sflag:s9], $0x140  }
0x5a: {  	[sflag:s9] =	ssyncset.done $0x0  }
0x5b: {  	[sflag:s9] =	ssyncadd.s32 $0xFFFFFEC0  }
0x5c: {  	_ =	swait.ge [sflag:s9], $0x140  }
0x5d: {  	[sflag:s9] =	ssyncset.done $0x0  }
0x5e: {  	[sflag:s9] =	ssyncadd.s32 $0xFFFFFEC0  }
0x5f: {  	_ =	swait.ge [sflag:s9], $0x140  }
0x60: {  	[sflag:s9] =	ssyncset.done $0x0  }
0x61: {  	[sflag:s9] =	ssyncadd.s32 $0xFFFFFEC0  }
0x62: {  	_ =	swait.ge [sflag:s9], $0x140  }
0x63: {  	[sflag:s9] =	ssyncset.done $0x0  }
0x64: {  	[sflag:s9] =	ssyncadd.s32 $0xFFFFFEC0  }
0x65: {  	_ =	swait.ge [sflag:s9], $0x140  }
0x66: {  	[sflag:s9] =	ssyncset.done $0x0  }
0x67: {  	[sflag:s9] =	ssyncadd.s32 $0xFFFFFEC0  }
0x68: {  	_ =	swait.ge [sflag:s9], $0x140  }
0x69: {  	[sflag:s9] =	ssyncset.done $0x0  }
0x6a: {  	[sflag:s9] =	ssyncadd.s32 $0xFFFFFEC0  }
0x6b: {  	_ =	swait.ge [sflag:s9], $0x140  }
0x6c: {  	[sflag:s9] =	ssyncset.done $0x0  }
0x6d: {  	[sflag:s9] =	ssyncadd.s32 $0xFFFFFEC0  }
0x6e: {  	_ =	swait.ge [sflag:s9], $0x140  }
0x6f: {  	[sflag:s9] =	ssyncset.done $0x0  }
0x70: {  	[sflag:s9] =	ssyncadd.s32 $0xFFFFFEC0  }
0x71: {  	_ =	swait.ge [sflag:s9], $0x140  }
0x72: {  	[sflag:s9] =	ssyncset.done $0x0  }
0x73: {  	[sflag:s9] =	ssyncadd.s32 $0xFFFFFEC0  }
0x74: {  	_ =	swait.ge [sflag:s9], $0x140  }
0x75: {  	[sflag:s9] =	ssyncset.done $0x0  }
0x76: {  	[sflag:s9] =	ssyncadd.s32 $0xFFFFFEC0  }
0x77: {  	_ =	swait.ge [sflag:s9], $0x140  }
0x78: {  	[sflag:s9] =	ssyncset.done $0x0  }
0x79: {  	[sflag:s9] =	ssyncadd.s32 $0xFFFFFEC0  }
0x7a: {  	_ =	swait.ge [sflag:s9], $0x140  }
0x7b: {  	[sflag:s9] =	ssyncset.done $0x0  }
0x7c: {  	[sflag:s9] =	ssyncadd.s32 $0xFFFFFEC0  }
0x7d: {  	_ =	swait.ge [sflag:s9], $0x140  }
0x7e: {  	[sflag:s9] =	ssyncset.done $0x0  }
0x7f: {  	[sflag:s9] =	ssyncadd.s32 $0xFFFFFEC0  }
0x80: {  	_ =	swait.ge [sflag:s9], $0x140  }
0x81: {  	[sflag:s9] =	ssyncset.done $0x0  }
0x82: {  	[sflag:s9] =	ssyncadd.s32 $0xFFFFFEC0  }
0x83: {  	_ =	swait.ge [sflag:s9], $0x140  }
0x84: {  	[sflag:s9] =	ssyncset.done $0x0  }
0x85: {  	[sflag:s9] =	ssyncadd.s32 $0xFFFFFEC0  }
0x86: {  	_ =	swait.ge [sflag:s9], $0x140  }
0x87: {  	[sflag:s9] =	ssyncset.done $0x0  }
0x88: {  	[sflag:s9] =	ssyncadd.s32 $0xFFFFFEC0  }
0x89: {  	_ =	swait.ge [sflag:s9], $0x140  }
0x8a: {  	[sflag:s9] =	ssyncset.done $0x0  }
0x8b: {  	[sflag:s9] =	ssyncadd.s32 $0xFFFFFEC0  }
0x8c: {  	_ =	swait.ge [sflag:s9], $0x140  }
0x8d: {  	[sflag:s9] =	ssyncset.done $0x0  }
0x8e: {  	[sflag:s9] =	ssyncadd.s32 $0xFFFFFEC0  }
0x8f: {  	_ =	swait.ge [sflag:s9], $0x140  }
0x90: {  	[sflag:s9] =	ssyncset.done $0x0  }
0x91: {  	[sflag:s9] =	ssyncadd.s32 $0xFFFFFEC0  }
0x92: {  	_ =	swait.ge [sflag:s9], $0x140  }
0x93: {  	[sflag:s9] =	ssyncset.done $0x0  }
0x94: {  	[sflag:s9] =	ssyncadd.s32 $0xFFFFFEC0  }
0x95: {  	_ =	swait.ge [sflag:s9], $0x140  }
0x96: {  	[sflag:s9] =	ssyncset.done $0x0  }
0x97: {  	[sflag:s9] =	ssyncadd.s32 $0xFFFFFEC0  }
0x98: {  	_ =	swait.ge [sflag:s9], $0x140  }
0x99: {  	[sflag:s9] =	ssyncset.done $0x0  }
0x9a: {  	[sflag:s9] =	ssyncadd.s32 $0xFFFFFEC0  }
0x9b: {  	_ =	swait.ge [sflag:s9], $0x140  }
0x9c: {  	[sflag:s9] =	ssyncset.done $0x0  }
0x9d: {  	[sflag:s9] =	ssyncadd.s32 $0xFFFFFEC0  }
0x9e: {  	_ =	swait.ge [sflag:s9], $0x140  }
0x9f: {  	[sflag:s9] =	ssyncset.done $0x0  }
0xa0: {  	[sflag:s9] =	ssyncadd.s32 $0xFFFFFEC0  }
0xa1: {  	_ =	swait.ge [sflag:s9], $0x140  }
0xa2: {  	[sflag:s9] =	ssyncset.done $0x0  }
0xa3: {  	s20 =	stileid.u32;
	[sflag:s9] =	ssyncadd.s32 $0xFFFFFEC0  }
0xa4: {  	s19 =	sshll.u32 s20, $0x6;
	_ =	swait.ge [sflag:s9], $0x140  }
0xa5: {  	s19 =	sor.u32 $0x1C02, s19;
	[sflag:s9] =	ssyncset.done $0x0;
	s21 =	rddreg [dreg:$0x14]  }
0xa6: {  	[sflag:s9] =	ssyncadd.s32 $0xFFFFFEC0;
	s20 =	sshrl.u32 s21, $0x3;
	s21 =	rddreg [dreg:$0x15]  }
0xa7: {  	[spmem:s20], [sflag:s19] =	dma.local [hbm:s21], $0x2780  }
0xa8: {  	_ =	swait.ge [sflag:s9], $0x2780  }
0xa9: {  	[sflag:s9] =	ssyncset.done $0x0  }
0xaa: {  	[sflag:s9] =	ssyncadd.s32 $0xFFFFD880  }
0xab: {  	[bflag:$0x0] =	sbarrier.arrive $0xFFFF  }
0xac: {  	[tilespmem:s11], [sflag:$0x1] =	stream.indirect.gather [spmem:s2], $0x80, s8, s10, $0xb8;
	[tilespmem:$0x1FE00] =	vst v63  }
0xad: {  	s23 =	simm.s32 $0x13C40  }
0xae: {  	[tilespmem:s12], [sflag:$0x1] =	stream.indirect.gather [spmem:s2], $0x80, s23, s10, $0xb8;
	[tilespmem:$0x1FE00] =	vst v63  }
0xaf: {  	s24 =	simm.s32 $0x13C80  }
0xb0: {  	[tilespmem:s13], [sflag:$0x1] =	stream.indirect.gather [spmem:s2], $0x80, s24, s10, $0xb8;
	[tilespmem:$0x1FE00] =	vst v63  }
0xb1: {  	s25 =	simm.s32 $0x13CC0  }
0xb2: {  	[tilespmem:s14], [sflag:$0x1] =	stream.indirect.gather [spmem:s2], $0x80, s25, s10, $0xb8;
	[tilespmem:$0x1FE00] =	vst v63  }
0xb3: {  	s23 =	simm.s32 $0x13D00  }
0xb4: {  	[tilespmem:s15], [sflag:$0x1] =	stream.indirect.gather [spmem:s2], $0x80, s23, s10, $0xb8;
	[tilespmem:$0x1FE00] =	vst v63  }
0xb5: {  	_ =	swait.ge [sflag:s16], $0x2000  }
0xb6: {  	[sflag:s16] =	ssyncset.done $0x0  }
0xb7: {  	[sflag:s16] =	ssyncadd.s32 $0xFFFFE000  }
0xb8: {  	_ =	swait.ge [sflag:s16], $0x2000  }
0xb9: {  	[sflag:s16] =	ssyncset.done $0x0  }
0xba: {  	[sflag:s16] =	ssyncadd.s32 $0xFFFFE000  }
0xbb: {  	_ =	swait.ge [sflag:s16], $0x2000  }
0xbc: {  	[sflag:s16] =	ssyncset.done $0x0  }
0xbd: {  	[sflag:s16] =	ssyncadd.s32 $0xFFFFE000  }
0xbe: {  	_ =	swait.ge [sflag:s16], $0x2000  }
0xbf: {  	[sflag:s16] =	ssyncset.done $0x0  }
0xc0: {  	[sflag:s16] =	ssyncadd.s32 $0xFFFFE000  }
0xc1: {  	_ =	swait.ge [sflag:s16], $0x2000  }
0xc2: {  	[sflag:s16] =	ssyncset.done $0x0  }
0xc3: {  	[sflag:s16] =	ssyncadd.s32 $0xFFFFE000  }
0xc4: {  	[bflag:$0x0] =	sbarrier.arrive $0xFFFF  }
0xc5: {  	[spmem:s20], [sflag:s19] =	dma.local [hbm:s22], $0x2780  }
0xc6: {  	_ =	swait.ge [sflag:s9], $0x2780  }
0xc7: {  	[sflag:s9] =	ssyncset.done $0x0  }
0xc8: {  	[sflag:s9] =	ssyncadd.s32 $0xFFFFD880  }
0xc9: {  	s24 =	simm.s32 $0x13D40;
	[bflag:$0x0] =	sbarrier.arrive $0xFFFF  }
0xca: {  	[tilespmem:s11], [sflag:$0x1] =	stream.indirect.gather.add.f32 [spmem:s2], $0x80, s24, s10, $0xb8;
	[tilespmem:$0x1FE00] =	vst v63  }
0xcb: {  	s25 =	simm.s32 $0x13D80  }
0xcc: {  	[tilespmem:s12], [sflag:$0x1] =	stream.indirect.gather.add.f32 [spmem:s2], $0x80, s25, s10, $0xb8;
	[tilespmem:$0x1FE00] =	vst v63  }
0xcd: {  	s23 =	simm.s32 $0x13DC0  }
0xce: {  	[tilespmem:s13], [sflag:$0x1] =	stream.indirect.gather.add.f32 [spmem:s2], $0x80, s23, s10, $0xb8;
	[tilespmem:$0x1FE00] =	vst v63  }
0xcf: {  	s24 =	simm.s32 $0x13E00  }
0xd0: {  	[tilespmem:s14], [sflag:$0x1] =	stream.indirect.gather.add.f32 [spmem:s2], $0x80, s24, s10, $0xb8;
	[tilespmem:$0x1FE00] =	vst v63  }
0xd1: {  	s25 =	simm.s32 $0x13E40  }
0xd2: {  	[tilespmem:s15], [sflag:$0x1] =	stream.indirect.gather.add.f32 [spmem:s2], $0x80, s25, s10, $0xb8;
	[tilespmem:$0x1FE00] =	vst v63  }
0xd3: {  	_ =	swait.ge [sflag:s16], $0x2000  }
0xd4: {  	[sflag:s16] =	ssyncset.done $0x0  }
0xd5: {  	[sflag:s16] =	ssyncadd.s32 $0xFFFFE000  }
0xd6: {  	_ =	swait.ge [sflag:s16], $0x2000  }
0xd7: {  	[sflag:s16] =	ssyncset.done $0x0  }
0xd8: {  	[sflag:s16] =	ssyncadd.s32 $0xFFFFE000  }
0xd9: {  	_ =	swait.ge [sflag:s16], $0x2000  }
0xda: {  	[sflag:s16] =	ssyncset.done $0x0  }
0xdb: {  	[sflag:s16] =	ssyncadd.s32 $0xFFFFE000  }
0xdc: {  	_ =	swait.ge [sflag:s16], $0x2000  }
0xdd: {  	[sflag:s16] =	ssyncset.done $0x0  }
0xde: {  	[sflag:s16] =	ssyncadd.s32 $0xFFFFE000  }
0xdf: {  	_ =	swait.ge [sflag:s16], $0x2000  }
0xe0: {  	[sflag:s16] =	ssyncset.done $0x0  }
0xe1: {  	s21 =	simm.s32 $0x500;
	s25 =	smov.u32 s22;
	[sflag:s16] =	ssyncadd.s32 $0xFFFFE000  }
.LBB2_2:
0xe2: {  	p0 =	sne.s32 s21, $0x7D00;
	[bflag:$0x0] =	sbarrier.arrive $0xFFFF;
	s25 =	sadd.s32 $0x28000, s25  }
0xe3: {  	[spmem:s20], [sflag:s19] =	dma.local [hbm:s25], $0x2780  }
0xe4: {  	s23 =	smov.u32 s21;
	s21 =	sadd.s32 $0x500, s21;
	_ =	swait.ge [sflag:s9], $0x2780  }
0xe5: {  	[sflag:s9] =	ssyncset.done $0x0  }
0xe6: {  	s23 =	sshra.s32 s23, $0x2;
	[sflag:s9] =	ssyncadd.s32 $0xFFFFD880  }
0xe7: {  	s24 =	sadd.s32 $0x13D40, s23;
	[bflag:$0x0] =	sbarrier.arrive $0xFFFF  }
0xe8: {  	[tilespmem:s11], [sflag:$0x1] =	stream.indirect.gather.add.f32 [spmem:s2], $0x80, s24, s10, $0xb8;
	[tilespmem:$0x1FE00] =	vst v63  }
0xe9: {  	s24 =	sadd.s32 $0x13D80, s23  }
0xea: {  	[tilespmem:s12], [sflag:$0x1] =	stream.indirect.gather.add.f32 [spmem:s2], $0x80, s24, s10, $0xb8;
	[tilespmem:$0x1FE00] =	vst v63  }
0xeb: {  	s24 =	sadd.s32 $0x13DC0, s23  }
0xec: {  	[tilespmem:s13], [sflag:$0x1] =	stream.indirect.gather.add.f32 [spmem:s2], $0x80, s24, s10, $0xb8;
	[tilespmem:$0x1FE00] =	vst v63  }
0xed: {  	s24 =	sadd.s32 $0x13E00, s23  }
0xee: {  	[tilespmem:s14], [sflag:$0x1] =	stream.indirect.gather.add.f32 [spmem:s2], $0x80, s24, s10, $0xb8;
	[tilespmem:$0x1FE00] =	vst v63  }
0xef: {  	s23 =	sadd.s32 $0x13E40, s23  }
0xf0: {  	[tilespmem:s15], [sflag:$0x1] =	stream.indirect.gather.add.f32 [spmem:s2], $0x80, s23, s10, $0xb8;
	[tilespmem:$0x1FE00] =	vst v63  }
0xf1: {  	_ =	swait.ge [sflag:s16], $0x2000  }
0xf2: {  	[sflag:s16] =	ssyncset.done $0x0  }
0xf3: {  	[sflag:s16] =	ssyncadd.s32 $0xFFFFE000  }
0xf4: {  	_ =	swait.ge [sflag:s16], $0x2000  }
0xf5: {  	[sflag:s16] =	ssyncset.done $0x0  }
0xf6: {  	[sflag:s16] =	ssyncadd.s32 $0xFFFFE000  }
0xf7: {  	_ =	swait.ge [sflag:s16], $0x2000  }
0xf8: {  	[sflag:s16] =	ssyncset.done $0x0  }
0xf9: {  	[sflag:s16] =	ssyncadd.s32 $0xFFFFE000  }
0xfa: {  	_ =	swait.ge [sflag:s16], $0x2000  }
.Ltmp0:
0xfb: {  	[sflag:s16] =	ssyncset.done $0x0;
	(pc) =	sbr.rel @p0 .LBB2_2-.Ltmp0, $4  }
0xfc: {  	[sflag:s16] =	ssyncadd.s32 $0xFFFFE000  }
0xfd: {  	_ =	swait.ge [sflag:s16], $0x2000  }
0xfe: {  	[sflag:s16] =	ssyncset.done $0x0  }
0xff: {  	[sflag:s16] =	ssyncadd.s32 $0xFFFFE000  }
0x100: {  	[bflag:$0x0] =	sbarrier.arrive $0xFFFF  }
0x101: {  	s19 =	rddreg [dreg:$0x16]  }
0x102: {  	[hbm4b:s19+s3] =	stream.linear.scatter [tilespmem:s11], [sflag:$0x3], $0xA000, $0x38;
	[tilespmem:$0x1FE00] =	vst v63  }
0x103: {  	_ =	swait.ge [sflag:s17], $0xA000  }
0x104: {  	s18 =	sadd.s32 $0x1, s18;
	s25 =	rddreg [dreg:$0x17]  }
0x105: {  	p0 =	sne.s32 s18, s25  }
.Ltmp1:
0x106: {  	_ = 	snop;
	(pc) =	sbr.rel @p0 .LBB2_1-.Ltmp1, $3  }
0x107: {  	_ =	sdelay $0x1  }
0x108: {  	[sflag:s17] =	ssyncset.done $0x0  }
0x109: {  	[sflag:s17] =	ssyncadd.s32 $0xFFFF6000  }
0x10a: {  	_ =	sfence.sel $0x180000  }
0x10b: {  	[bflag:$0x0] =	sbarrier.arrive $0xFFFF  }
0x10c: {  	_ =	strace $0x9000004A  }
0x10d: {  	s0 =	stileid.u32;
	[bflag:$0x2] =	sbarrier.arrive $0xFFFF  }
0x10e: {  	p0 =	sne.s32 s0, $0x0;
	s0 =	rddreg [dreg:$0x3]  }
0x10f: {  	s0 =	sadd.s32 @!p0 $0x100000, s0  }
0x110: {  	[sflag:s0] =	ssyncadd.tile.s32 @!p0 $0x1;
	_ =	shalt  }
.Lfunc_end2:
_tile_overlayer_lowered:
.L_overlay_start_2:
0x111: {  	(tag) =	ssettag $0x2  }
0x112: {  	s0 =	rddreg [dreg:$0x0];
	s2 =	stileid.u32  }
0x113: {  	s1 =	rddreg [dreg:$0x1];
	p0 =	sne.s32 s2, $0x0  }
0x114: {  	s3 =	rddreg [dreg:$0x2];
	[bflag:$0x3] =	sbarrier.arrive $0xFFFF;
	s2 =	simm.s32 @!p0 $0x1C03  }
0x115: {  	[timem:s3], [sflag:s2] =	dma.local @!p0 [hbm:s0], s1  }
0x116: {  	s0 =	simm.s32 @!p0 $0x3  }
0x117: {  	_ =	swait.ge @!p0 [sflag:s0], s1  }
0x118: {  	s1 =	ssub.s32 @!p0 $0x0, s1;
	[sflag:s0] =	ssyncset.done @!p0 $0x0  }
0x119: {  	[sflag:s0] =	ssyncadd.s32 @!p0 s1  }
0x11a: {  	[bflag:$0x3] =	sbarrier.arrive $0xFFFF  }
0x11b: {  	_ =	shalt  }

</sc_bundles>
